<compile_context>
chip_gen: v7x
topology: tpu7x:2x2x1
jax: 0.10.2.dev20260603
libtpu: 0.0.44.dev20260713+nightly
codegen_flags: <defaults>
</compile_context>

<pallas_src>
import functools

import jax
import jax.numpy as jnp
from jax import lax
from jax.experimental import pallas as pl
from jax.experimental.pallas import tpu as pltpu
from jax.experimental.pallas import tpu_sc as plsc

D = 768
H = 768
N = 8
NG = 7
M = 2048
TM = 256
T = M // TM
NITEMS = T + NG - 1

NW = 16
CHUNK = M // NW
LANES = 16


def _router_kernel(x_ref, wg_ref, ids_ref):
    x = x_ref[0]
    logits = jnp.dot(x, wg_ref[...], preferred_element_type=jnp.float32)
    cols = jax.lax.broadcasted_iota(jnp.int32, logits.shape, 1)
    ml = jnp.where(cols < NG, logits, -jnp.inf)
    mx = jnp.max(ml, axis=1, keepdims=True)
    ids_ref[0, 0, :] = jnp.min(jnp.where(ml >= mx, cols, NG), axis=1).astype(jnp.int32)


def _shared_kernel(x_ref, w1_ref, w2_ref, ysh_ref):
    x = x_ref[...]
    z = jnp.dot(x, w1_ref[0], preferred_element_type=jnp.float32)
    a = z[:, :H]
    b = z[:, H:]
    h = a * b * jax.nn.sigmoid(b)
    ysh_ref[...] = jnp.dot(h, w2_ref[0], preferred_element_type=jnp.float32)


def _gmm_kernel(meta_ref, xs_ref, yss_ref, w1_ref, w2_ref, out_ref):
    w = pl.program_id(0)
    lo = meta_ref[2 * LANES + w]
    hi = meta_ref[3 * LANES + w]
    init = meta_ref[4 * LANES + w]

    @pl.when(init == 1)
    def _():
        out_ref[...] = yss_ref[...]

    @pl.when(lo < hi)
    def _():
        x = xs_ref[...]
        z = jnp.dot(x, w1_ref[0], preferred_element_type=jnp.float32)
        a = z[:, :H]
        b = z[:, H:]
        h = a * b * jax.nn.sigmoid(b)
        o = jnp.dot(h, w2_ref[0], preferred_element_type=jnp.float32)
        rows = jax.lax.broadcasted_iota(jnp.int32, (TM, 1), 0)
        keep = (rows >= lo) & (rows < hi)
        out_ref[...] += jnp.where(keep, o, 0.0)


def _sc_dispatch_body(ids_hbm, x_hbm, xs_hbm, pos_hbm, meta_hbm,
                      ids_v, x_v, pos_v, hist_v, hist_all_v,
                      mt_tile_v, mt_exp_v, mt_lo_v, mt_hi_v, mt_init_v,
                      hist_sh, sem_x, sem_s):
    wid = lax.axis_index("s")
    base = wid * CHUNK
    lane = lax.iota(jnp.int32, LANES)
    zeros = jnp.zeros((LANES,), jnp.int32)

    cp_x = pltpu.async_copy(x_hbm.at[pl.ds(base, CHUNK), :], x_v, sem_x)
    pltpu.sync_copy(ids_hbm.at[pl.ds(base, CHUNK)], ids_v)

    hist = zeros
    for k in range(CHUNK // LANES):
        idv = ids_v[pl.ds(k * LANES, LANES)]

        def _hbody(e, h, idv=idv):
            cnt = jnp.sum(jnp.where(idv == e, 1, 0))
            return h + jnp.where(lane == e, cnt, 0)

        hist = lax.fori_loop(0, NG, _hbody, hist)
    hist_v[...] = hist

    pltpu.sync_copy(hist_v, hist_sh.at[pl.ds(wid * LANES, LANES)])
    plsc.subcore_barrier()
    pltpu.sync_copy(hist_sh, hist_all_v)

    tot = zeros
    pre = zeros
    for w2 in range(NW):
        row = hist_all_v[pl.ds(w2 * LANES, LANES)]
        tot = tot + row
        sel = jnp.full((LANES,), w2, jnp.int32) < wid
        pre = pre + jnp.where(sel, row, zeros)
    c_excl = plsc.cumsum(tot) - tot
    carry = c_excl + pre

    @pl.when(wid == 0)
    def _():
        mt_tile_v[...] = jnp.full((LANES,), T - 1, jnp.int32)
        mt_exp_v[...] = jnp.full((LANES,), NG - 1, jnp.int32)
        mt_lo_v[...] = zeros
        mt_hi_v[...] = zeros
        mt_init_v[...] = zeros
        cs = [jnp.sum(jnp.where(lane == e, c_excl, zeros)) for e in range(NG)]
        cs.append(jnp.asarray(M, jnp.int32))
        carry_s = jnp.asarray(0, jnp.int32)
        for v in range((T * NG + LANES - 1) // LANES):
            p = lane + v * LANES
            tt_v = p // NG
            ee_v = p % NG
            ce_v = zeros
            ce1_v = zeros
            for e in range(NG):
                ce_v = ce_v + jnp.where(ee_v == e, cs[e], 0)
                ce1_v = ce1_v + jnp.where(ee_v == e, cs[e + 1], 0)
            touched = (ce_v < (tt_v + 1) * TM) & (ce1_v > tt_v * TM)
            ti = jnp.where(touched, 1, 0)
            s_p = plsc.cumsum(ti) - ti + carry_s
            lo_v = jnp.maximum(ce_v - tt_v * TM, 0)
            hi_v = jnp.minimum(ce1_v - tt_v * TM, TM)
            plsc.store_scatter(mt_tile_v, [s_p], tt_v, mask=touched)
            plsc.store_scatter(mt_exp_v, [s_p], ee_v, mask=touched)
            plsc.store_scatter(mt_lo_v, [s_p], lo_v, mask=touched)
            plsc.store_scatter(mt_hi_v, [s_p], hi_v, mask=touched)
            plsc.store_scatter(mt_init_v, [s_p],
                               jnp.where(lo_v == 0, 1, 0), mask=touched)
            carry_s = carry_s + jnp.sum(ti)
        pltpu.sync_copy(mt_tile_v, meta_hbm.at[pl.ds(0 * LANES, LANES)])
        pltpu.sync_copy(mt_exp_v, meta_hbm.at[pl.ds(1 * LANES, LANES)])
        pltpu.sync_copy(mt_lo_v, meta_hbm.at[pl.ds(2 * LANES, LANES)])
        pltpu.sync_copy(mt_hi_v, meta_hbm.at[pl.ds(3 * LANES, LANES)])
        pltpu.sync_copy(mt_init_v, meta_hbm.at[pl.ds(4 * LANES, LANES)])

    for k in range(CHUNK // LANES):
        idv = ids_v[pl.ds(k * LANES, LANES)]

        def _pbody(e, pc, idv=idv, carry=carry):
            posk, vcnt = pc
            mi = jnp.where(idv == e, 1, 0)
            pref = plsc.cumsum(mi) - mi
            ce = jnp.sum(jnp.where(lane == e, carry, zeros))
            posk = jnp.where(idv == e, ce + pref, posk)
            vcnt = vcnt + jnp.where(lane == e, jnp.sum(mi), 0)
            return (posk, vcnt)

        posk, vcnt = lax.fori_loop(0, NG, _pbody, (zeros, zeros))
        pos_v[pl.ds(k * LANES, LANES)] = posk
        carry = carry + vcnt

    cp_x.wait()
    pltpu.async_copy(x_v, xs_hbm.at[pos_v], sem_s).wait()
    pltpu.sync_copy(pos_v, pos_hbm.at[pl.ds(base, CHUNK)])


_sc_dispatch = functools.partial(
    pl.kernel,
    out_type=[
        jax.ShapeDtypeStruct((M, D), jnp.float32),
        jax.ShapeDtypeStruct((M,), jnp.int32),
        jax.ShapeDtypeStruct((5 * LANES,), jnp.int32),
    ],
    mesh=plsc.VectorSubcoreMesh(
        core_axis_name="c", subcore_axis_name="s", num_cores=1),
    compiler_params=pltpu.CompilerParams(needs_layout_passes=False),
    scratch_types=[
        pltpu.VMEM((CHUNK,), jnp.int32),
        pltpu.VMEM((CHUNK, D), jnp.float32),
        pltpu.VMEM((CHUNK,), jnp.int32),
        pltpu.VMEM((LANES,), jnp.int32),
        pltpu.VMEM((NW * LANES,), jnp.int32),
        pltpu.VMEM((LANES,), jnp.int32),
        pltpu.VMEM((LANES,), jnp.int32),
        pltpu.VMEM((LANES,), jnp.int32),
        pltpu.VMEM((LANES,), jnp.int32),
        pltpu.VMEM((LANES,), jnp.int32),
        pltpu.VMEM_SHARED((NW * LANES,), jnp.int32),
        pltpu.SemaphoreType.DMA,
        pltpu.SemaphoreType.DMA,
    ],
)(_sc_dispatch_body)


@jax.jit
def _run(x_BSD, Wg_DN, Wl1_ND2H, Wl2_NHD):
    ids3 = pl.pallas_call(
        _router_kernel,
        grid=(1,),
        in_specs=[
            pl.BlockSpec((1, M, D), lambda t: (0, 0, 0)),
            pl.BlockSpec((D, N), lambda t: (0, 0)),
        ],
        out_specs=pl.BlockSpec((1, 1, M), lambda t: (0, 0, 0)),
        out_shape=jax.ShapeDtypeStruct((1, 1, M), jnp.int32),
    )(x_BSD, Wg_DN)
    ids = ids3.reshape(M)

    x2 = x_BSD.reshape(M, D)
    xs, pos, meta = _sc_dispatch(ids, x2)

    y_ss = pl.pallas_call(
        _shared_kernel,
        grid=(T,),
        in_specs=[
            pl.BlockSpec((TM, D), lambda t: (t, 0)),
            pl.BlockSpec((1, D, 2 * H), lambda t: (NG, 0, 0)),
            pl.BlockSpec((1, H, D), lambda t: (NG, 0, 0)),
        ],
        out_specs=pl.BlockSpec((TM, D), lambda t: (t, 0)),
        out_shape=jax.ShapeDtypeStruct((M, D), jnp.float32),
    )(xs, Wl1_ND2H, Wl2_NHD)

    y_ts = pl.pallas_call(
        _gmm_kernel,
        grid_spec=pltpu.PrefetchScalarGridSpec(
            num_scalar_prefetch=1,
            grid=(LANES,),
            in_specs=[
                pl.BlockSpec((TM, D), lambda w, m: (m[w], 0)),
                pl.BlockSpec((TM, D), lambda w, m: (m[w], 0)),
                pl.BlockSpec((1, D, 2 * H), lambda w, m: (m[LANES + w], 0, 0)),
                pl.BlockSpec((1, H, D), lambda w, m: (m[LANES + w], 0, 0)),
            ],
            out_specs=pl.BlockSpec((TM, D), lambda w, m: (m[w], 0)),
        ),
        out_shape=jax.ShapeDtypeStruct((M, D), jnp.float32),
    )(meta, xs, y_ss, Wl1_ND2H, Wl2_NHD)

    y = y_ts.at[pos].get(mode="promise_in_bounds")
    return y.reshape(x_BSD.shape)


def kernel(x_BSD, Wg_DN, Wl1_ND2H, Wl2_NHD):
    return _run(x_BSD, Wg_DN, Wl1_ND2H, Wl2_NHD)

# --- scband reference (transcript-rebuilt; emitter-appended) ---
"""Pipeline reference for scband-torch-mo-e-54185307406692 (READ-ONLY COPY).

The authoritative reference and input builder live on the scoring server;
editing this copy changes nothing except your own understanding.
"""

import jax, jax.numpy as jnp
import numpy as np

D = 768
N = 8
K = 2
Ks = 1
H = 768  # hidden_ratio * D
B, S = 1, 2048


def setup_inputs(seed: int = 0) -> dict:
    key = jax.random.key(seed)
    k1, k2, k3, k4 = jax.random.split(key, 4)
    x_BSD = jax.random.normal(k1, (B, S, D), dtype=jnp.float32)
    Wg_DN = jax.random.normal(k2, (D, N), dtype=jnp.float32) / jnp.sqrt(float(D))
    Wl1_ND2H = jax.random.normal(k3, (N, D, 2 * H), dtype=jnp.float32) / jnp.sqrt(float(D))
    Wl2_NHD = jax.random.normal(k4, (N, H, D), dtype=jnp.float32) / jnp.sqrt(float(D))
    return {"x_BSD": x_BSD, "Wg_DN": Wg_DN, "Wl1_ND2H": Wl1_ND2H, "Wl2_NHD": Wl2_NHD}


def _moe_forward(x_BSD, Wg_DN, Wl1_ND2H, Wl2_NHD):
    b, s, d = x_BSD.shape
    M = b * s
    n = Wg_DN.shape[1]
    Ng = n - Ks
    x_MD = x_BSD.reshape(M, d)
    s_raw_MN = x_MD @ Wg_DN
    # separate softmax over routed and shared experts (float32, as in torch)
    s_g = jax.nn.softmax(s_raw_MN[:, :Ng].astype(jnp.float32), axis=-1)
    s_s = jax.nn.softmax(s_raw_MN[:, Ng:].astype(jnp.float32), axis=-1)
    # routed biases are initialized to zero -> top_k over s_g directly
    _, idx_MKg = jax.lax.top_k(s_g, K - Ks)
    mask = jnp.zeros((M, Ng), dtype=jnp.float32).at[jnp.arange(M)[:, None], idx_MKg].set(1.0)
    Ng_M = jnp.sum(s_g * mask, axis=-1)
    Ks_M = jnp.sum(s_s, axis=-1)
    s_gn = s_g / Ng_M[:, None] * mask
    s_sn = s_s / Ks_M[:, None]
    gates_MN = jnp.concatenate([s_gn, s_sn], axis=-1).astype(x_MD.dtype)
    # experts: dense equivalent (unselected routed experts have exactly zero gate)
    y_MD = jnp.zeros((M, d), dtype=x_MD.dtype)
    for i in range(n):
        z = x_MD @ Wl1_ND2H[i]
        a, bgate = jnp.split(z, 2, axis=-1)
        h = jax.nn.silu(bgate) * a
        y_MD = y_MD + (h @ Wl2_NHD[i]) * gates_MN[:, i:i + 1]
    return y_MD.reshape(b, s, d)


def reference(x_BSD, Wg_DN, Wl1_ND2H, Wl2_NHD):
    return _moe_forward(x_BSD, Wg_DN, Wl1_ND2H, Wl2_NHD)

if __name__ == "__main__":
    import jax
    _d = setup_inputs()
    print(jax.jit(kernel)(*tuple(_d.values())))

</pallas_src>

<mosaic_0001>
#map = affine_map<(d0, d1) -> (0)>
#map1 = affine_map<(d0, d1) -> (0, 0)>
module attributes {stable_mosaic.version = 14 : i64} {
  func.func @_sc_dispatch_body(%arg0: i32, %arg1: i32, %arg2: memref<2048xi32, #tpu.memory_space<hbm>>, %arg3: memref<2048x768xf32, #tpu.memory_space<hbm>>, %arg4: memref<2048x768xf32, #tpu.memory_space<hbm>>, %arg5: memref<2048xi32, #tpu.memory_space<hbm>>, %arg6: memref<80xi32, #tpu.memory_space<hbm>>, %arg7: memref<128xi32, #tpu.memory_space<vmem>>, %arg8: memref<128x768xf32, #tpu.memory_space<vmem>>, %arg9: memref<128xi32, #tpu.memory_space<vmem>>, %arg10: memref<16xi32, #tpu.memory_space<vmem>>, %arg11: memref<256xi32, #tpu.memory_space<vmem>>, %arg12: memref<16xi32, #tpu.memory_space<vmem>>, %arg13: memref<16xi32, #tpu.memory_space<vmem>>, %arg14: memref<16xi32, #tpu.memory_space<vmem>>, %arg15: memref<16xi32, #tpu.memory_space<vmem>>, %arg16: memref<16xi32, #tpu.memory_space<vmem>>, %arg17: memref<256xi32, #tpu.memory_space<vmem_shared>>, %arg18: memref<!tpu.dma_semaphore, #tpu.memory_space<semaphore_mem>>, %arg19: memref<!tpu.dma_semaphore, #tpu.memory_space<semaphore_mem>>) attributes {dimension_semantics = [#tpu.dimension_semantics<core_parallel>, #tpu.dimension_semantics<subcore_parallel>], iteration_bounds = array<i64: 1, 16>, scalar_prefetch = 0 : i64, scratch_operands = 13 : i64, tpu.core_type = #tpu.core_type<sc_vector_subcore>, window_params = [{transform_indices = #map}, {transform_indices = #map1}, {transform_indices = #map1}, {transform_indices = #map}, {transform_indices = #map}]} {
    %mul3A = arith.constant 128 : i32
    %mul3A_0 = arith.muli %arg1, %mul3A : i32
    %iota3A = tpu.iota {dimensions = array<i32: 0>} : vector<16xi32>
    %broadcast_in_dim3A = arith.constant 0 : i32
    %broadcast_in_dim3A_1 = vector.broadcast %broadcast_in_dim3A : i32 to vector<16xi32>
    %dma_start3A = arith.constant 0 : i32
    %dma_start3A_2 = tpu.memref_slice %arg3[%mul3A_0, %dma_start3A] : memref<2048x768xf32, #tpu.memory_space<hbm>> -> memref<128x768xf32, #tpu.memory_space<hbm>>
    %dma_start3A_3 = arith.constant 0 : i32
    %dma_start3A_4 = tpu.memref_slice %arg3[%mul3A_0, %dma_start3A_3] : memref<2048x768xf32, #tpu.memory_space<hbm>> -> memref<128x768xf32, #tpu.memory_space<hbm>>
    tpu.enqueue_dma source(%dma_start3A_4 : memref<128x768xf32, #tpu.memory_space<hbm>>) target(%arg8 : memref<128x768xf32, #tpu.memory_space<vmem>>) target_semaphore(%arg18 : memref<!tpu.dma_semaphore, #tpu.memory_space<semaphore_mem>>)
    "tpu.region"() ({
      %run_scoped3A = tpu.sem_alloc : memref<!tpu.dma_semaphore, #tpu.memory_space<semaphore_mem>>
      %dma_start3A_313 = tpu.memref_slice %arg2[%mul3A_0] : memref<2048xi32, #tpu.memory_space<hbm>> -> memref<128xi32, #tpu.memory_space<hbm>>
      %dma_start3A_314 = tpu.memref_slice %arg2[%mul3A_0] : memref<2048xi32, #tpu.memory_space<hbm>> -> memref<128xi32, #tpu.memory_space<hbm>>
      tpu.enqueue_dma source(%dma_start3A_314 : memref<128xi32, #tpu.memory_space<hbm>>) target(%arg7 : memref<128xi32, #tpu.memory_space<vmem>>) target_semaphore(%run_scoped3A : memref<!tpu.dma_semaphore, #tpu.memory_space<semaphore_mem>>)
      %dma_wait3A_315 = tpu.memref_slice %arg2[%mul3A_0] : memref<2048xi32, #tpu.memory_space<hbm>> -> memref<128xi32, #tpu.memory_space<hbm>>
      %dma_wait3A_316 = tpu.memref_slice %arg2[%mul3A_0] : memref<2048xi32, #tpu.memory_space<hbm>> -> memref<128xi32, #tpu.memory_space<hbm>>
      tpu.wait_dma2 semaphore(%run_scoped3A : memref<!tpu.dma_semaphore, #tpu.memory_space<semaphore_mem>>) src(%dma_wait3A_316 : memref<128xi32, #tpu.memory_space<hbm>>) dst(%arg7 : memref<128xi32, #tpu.memory_space<vmem>>)
      tpu.yield
    }) : () -> ()
    %get3A = arith.constant 0 : index
    %get3A_5 = tpu.vector_load %arg7[%get3A] {strides = array<i32>} : memref<128xi32, #tpu.memory_space<vmem>>, vector<16xi32>,
    %scan3A = arith.constant 0 : i32
    %scan3A_6 = arith.constant 7 : i32
    %scan3A_7 = arith.addi %scan3A, %scan3A_6 : i32
    %scan3A_8 = arith.constant 1 : i32
    %scan3A_9 = scf.for %scan3A_313 = %scan3A to %scan3A_7 step %scan3A_8 iter_args(%scan3A_314 = %broadcast_in_dim3A_1) -> (vector<16xi32>)  : i32 {
      %eq3A_315 = vector.broadcast %scan3A_313 : i32 to vector<16xi32>
      %eq3A_316 = arith.cmpi eq, %get3A_5, %eq3A_315 : vector<16xi32>
      %jit3A = arith.constant 1 : i32
      %jit3A_317 = arith.constant 0 : i32
      %broadcast_in_dim3A_318 = vector.broadcast %jit3A : i32 to vector<16xi32>
      %broadcast_in_dim3A_319 = vector.broadcast %jit3A_317 : i32 to vector<16xi32>
      %select_n3A_320 = arith.select %eq3A_316, %broadcast_in_dim3A_318, %broadcast_in_dim3A_319 : vector<16xi1>, vector<16xi32>
      %reduce_sum3A = arith.constant true
      %reduce_sum3A_321 = vector.broadcast %reduce_sum3A : i1 to vector<16xi1>
      %reduce_sum3A_322 = tpu.scan <sum>, %select_n3A_320 masked %reduce_sum3A_321 : vector<16xi32>, vector<16xi1> -> vector<16xi32>
      %reduce_sum3A_323 = vector.extract %reduce_sum3A_322[15] : i32 from vector<16xi32>
      %eq3A_324 = vector.broadcast %scan3A_313 : i32 to vector<16xi32>
      %eq3A_325 = arith.cmpi eq, %iota3A, %eq3A_324 : vector<16xi32>
      %jit3A_326 = arith.constant 0 : i32
      %broadcast_in_dim3A_327 = vector.broadcast %reduce_sum3A_323 : i32 to vector<16xi32>
      %broadcast_in_dim3A_328 = vector.broadcast %jit3A_326 : i32 to vector<16xi32>
      %select_n3A_329 = arith.select %eq3A_325, %broadcast_in_dim3A_327, %broadcast_in_dim3A_328 : vector<16xi1>, vector<16xi32>
      %add3A_330 = arith.addi %scan3A_314, %select_n3A_329 : vector<16xi32>
      scf.yield %add3A_330 : vector<16xi32>
    }
    %scan3A_10 = arith.constant 7 : i32
    %get3A_11 = arith.constant 16 : index
    %get3A_12 = tpu.vector_load %arg7[%get3A_11] {strides = array<i32>} : memref<128xi32, #tpu.memory_space<vmem>>, vector<16xi32>,
    %scan3A_13 = arith.constant 0 : i32
    %scan3A_14 = arith.constant 7 : i32
    %scan3A_15 = arith.addi %scan3A_13, %scan3A_14 : i32
    %scan3A_16 = arith.constant 1 : i32
    %scan3A_17 = scf.for %scan3A_313 = %scan3A_13 to %scan3A_15 step %scan3A_16 iter_args(%scan3A_314 = %scan3A_9) -> (vector<16xi32>)  : i32 {
      %eq3A_315 = vector.broadcast %scan3A_313 : i32 to vector<16xi32>
      %eq3A_316 = arith.cmpi eq, %get3A_12, %eq3A_315 : vector<16xi32>
      %jit3A = arith.constant 1 : i32
      %jit3A_317 = arith.constant 0 : i32
      %broadcast_in_dim3A_318 = vector.broadcast %jit3A : i32 to vector<16xi32>
      %broadcast_in_dim3A_319 = vector.broadcast %jit3A_317 : i32 to vector<16xi32>
      %select_n3A_320 = arith.select %eq3A_316, %broadcast_in_dim3A_318, %broadcast_in_dim3A_319 : vector<16xi1>, vector<16xi32>
      %reduce_sum3A = arith.constant true
      %reduce_sum3A_321 = vector.broadcast %reduce_sum3A : i1 to vector<16xi1>
      %reduce_sum3A_322 = tpu.scan <sum>, %select_n3A_320 masked %reduce_sum3A_321 : vector<16xi32>, vector<16xi1> -> vector<16xi32>
      %reduce_sum3A_323 = vector.extract %reduce_sum3A_322[15] : i32 from vector<16xi32>
      %eq3A_324 = vector.broadcast %scan3A_313 : i32 to vector<16xi32>
      %eq3A_325 = arith.cmpi eq, %iota3A, %eq3A_324 : vector<16xi32>
      %jit3A_326 = arith.constant 0 : i32
      %broadcast_in_dim3A_327 = vector.broadcast %reduce_sum3A_323 : i32 to vector<16xi32>
      %broadcast_in_dim3A_328 = vector.broadcast %jit3A_326 : i32 to vector<16xi32>
      %select_n3A_329 = arith.select %eq3A_325, %broadcast_in_dim3A_327, %broadcast_in_dim3A_328 : vector<16xi1>, vector<16xi32>
      %add3A_330 = arith.addi %scan3A_314, %select_n3A_329 : vector<16xi32>
      scf.yield %add3A_330 : vector<16xi32>
    }
    %scan3A_18 = arith.constant 7 : i32
    %get3A_19 = arith.constant 32 : index
    %get3A_20 = tpu.vector_load %arg7[%get3A_19] {strides = array<i32>} : memref<128xi32, #tpu.memory_space<vmem>>, vector<16xi32>,
    %scan3A_21 = arith.constant 0 : i32
    %scan3A_22 = arith.constant 7 : i32
    %scan3A_23 = arith.addi %scan3A_21, %scan3A_22 : i32
    %scan3A_24 = arith.constant 1 : i32
    %scan3A_25 = scf.for %scan3A_313 = %scan3A_21 to %scan3A_23 step %scan3A_24 iter_args(%scan3A_314 = %scan3A_17) -> (vector<16xi32>)  : i32 {
      %eq3A_315 = vector.broadcast %scan3A_313 : i32 to vector<16xi32>
      %eq3A_316 = arith.cmpi eq, %get3A_20, %eq3A_315 : vector<16xi32>
      %jit3A = arith.constant 1 : i32
      %jit3A_317 = arith.constant 0 : i32
      %broadcast_in_dim3A_318 = vector.broadcast %jit3A : i32 to vector<16xi32>
      %broadcast_in_dim3A_319 = vector.broadcast %jit3A_317 : i32 to vector<16xi32>
      %select_n3A_320 = arith.select %eq3A_316, %broadcast_in_dim3A_318, %broadcast_in_dim3A_319 : vector<16xi1>, vector<16xi32>
      %reduce_sum3A = arith.constant true
      %reduce_sum3A_321 = vector.broadcast %reduce_sum3A : i1 to vector<16xi1>
      %reduce_sum3A_322 = tpu.scan <sum>, %select_n3A_320 masked %reduce_sum3A_321 : vector<16xi32>, vector<16xi1> -> vector<16xi32>
      %reduce_sum3A_323 = vector.extract %reduce_sum3A_322[15] : i32 from vector<16xi32>
      %eq3A_324 = vector.broadcast %scan3A_313 : i32 to vector<16xi32>
      %eq3A_325 = arith.cmpi eq, %iota3A, %eq3A_324 : vector<16xi32>
      %jit3A_326 = arith.constant 0 : i32
      %broadcast_in_dim3A_327 = vector.broadcast %reduce_sum3A_323 : i32 to vector<16xi32>
      %broadcast_in_dim3A_328 = vector.broadcast %jit3A_326 : i32 to vector<16xi32>
      %select_n3A_329 = arith.select %eq3A_325, %broadcast_in_dim3A_327, %broadcast_in_dim3A_328 : vector<16xi1>, vector<16xi32>
      %add3A_330 = arith.addi %scan3A_314, %select_n3A_329 : vector<16xi32>
      scf.yield %add3A_330 : vector<16xi32>
    }
    %scan3A_26 = arith.constant 7 : i32
    %get3A_27 = arith.constant 48 : index
    %get3A_28 = tpu.vector_load %arg7[%get3A_27] {strides = array<i32>} : memref<128xi32, #tpu.memory_space<vmem>>, vector<16xi32>,
    %scan3A_29 = arith.constant 0 : i32
    %scan3A_30 = arith.constant 7 : i32
    %scan3A_31 = arith.addi %scan3A_29, %scan3A_30 : i32
    %scan3A_32 = arith.constant 1 : i32
    %scan3A_33 = scf.for %scan3A_313 = %scan3A_29 to %scan3A_31 step %scan3A_32 iter_args(%scan3A_314 = %scan3A_25) -> (vector<16xi32>)  : i32 {
      %eq3A_315 = vector.broadcast %scan3A_313 : i32 to vector<16xi32>
      %eq3A_316 = arith.cmpi eq, %get3A_28, %eq3A_315 : vector<16xi32>
      %jit3A = arith.constant 1 : i32
      %jit3A_317 = arith.constant 0 : i32
      %broadcast_in_dim3A_318 = vector.broadcast %jit3A : i32 to vector<16xi32>
      %broadcast_in_dim3A_319 = vector.broadcast %jit3A_317 : i32 to vector<16xi32>
      %select_n3A_320 = arith.select %eq3A_316, %broadcast_in_dim3A_318, %broadcast_in_dim3A_319 : vector<16xi1>, vector<16xi32>
      %reduce_sum3A = arith.constant true
      %reduce_sum3A_321 = vector.broadcast %reduce_sum3A : i1 to vector<16xi1>
      %reduce_sum3A_322 = tpu.scan <sum>, %select_n3A_320 masked %reduce_sum3A_321 : vector<16xi32>, vector<16xi1> -> vector<16xi32>
      %reduce_sum3A_323 = vector.extract %reduce_sum3A_322[15] : i32 from vector<16xi32>
      %eq3A_324 = vector.broadcast %scan3A_313 : i32 to vector<16xi32>
      %eq3A_325 = arith.cmpi eq, %iota3A, %eq3A_324 : vector<16xi32>
      %jit3A_326 = arith.constant 0 : i32
      %broadcast_in_dim3A_327 = vector.broadcast %reduce_sum3A_323 : i32 to vector<16xi32>
      %broadcast_in_dim3A_328 = vector.broadcast %jit3A_326 : i32 to vector<16xi32>
      %select_n3A_329 = arith.select %eq3A_325, %broadcast_in_dim3A_327, %broadcast_in_dim3A_328 : vector<16xi1>, vector<16xi32>
      %add3A_330 = arith.addi %scan3A_314, %select_n3A_329 : vector<16xi32>
      scf.yield %add3A_330 : vector<16xi32>
    }
    %scan3A_34 = arith.constant 7 : i32
    %get3A_35 = arith.constant 64 : index
    %get3A_36 = tpu.vector_load %arg7[%get3A_35] {strides = array<i32>} : memref<128xi32, #tpu.memory_space<vmem>>, vector<16xi32>,
    %scan3A_37 = arith.constant 0 : i32
    %scan3A_38 = arith.constant 7 : i32
    %scan3A_39 = arith.addi %scan3A_37, %scan3A_38 : i32
    %scan3A_40 = arith.constant 1 : i32
    %scan3A_41 = scf.for %scan3A_313 = %scan3A_37 to %scan3A_39 step %scan3A_40 iter_args(%scan3A_314 = %scan3A_33) -> (vector<16xi32>)  : i32 {
      %eq3A_315 = vector.broadcast %scan3A_313 : i32 to vector<16xi32>
      %eq3A_316 = arith.cmpi eq, %get3A_36, %eq3A_315 : vector<16xi32>
      %jit3A = arith.constant 1 : i32
      %jit3A_317 = arith.constant 0 : i32
      %broadcast_in_dim3A_318 = vector.broadcast %jit3A : i32 to vector<16xi32>
      %broadcast_in_dim3A_319 = vector.broadcast %jit3A_317 : i32 to vector<16xi32>
      %select_n3A_320 = arith.select %eq3A_316, %broadcast_in_dim3A_318, %broadcast_in_dim3A_319 : vector<16xi1>, vector<16xi32>
      %reduce_sum3A = arith.constant true
      %reduce_sum3A_321 = vector.broadcast %reduce_sum3A : i1 to vector<16xi1>
      %reduce_sum3A_322 = tpu.scan <sum>, %select_n3A_320 masked %reduce_sum3A_321 : vector<16xi32>, vector<16xi1> -> vector<16xi32>
      %reduce_sum3A_323 = vector.extract %reduce_sum3A_322[15] : i32 from vector<16xi32>
      %eq3A_324 = vector.broadcast %scan3A_313 : i32 to vector<16xi32>
      %eq3A_325 = arith.cmpi eq, %iota3A, %eq3A_324 : vector<16xi32>
      %jit3A_326 = arith.constant 0 : i32
      %broadcast_in_dim3A_327 = vector.broadcast %reduce_sum3A_323 : i32 to vector<16xi32>
      %broadcast_in_dim3A_328 = vector.broadcast %jit3A_326 : i32 to vector<16xi32>
      %select_n3A_329 = arith.select %eq3A_325, %broadcast_in_dim3A_327, %broadcast_in_dim3A_328 : vector<16xi1>, vector<16xi32>
      %add3A_330 = arith.addi %scan3A_314, %select_n3A_329 : vector<16xi32>
      scf.yield %add3A_330 : vector<16xi32>
    }
    %scan3A_42 = arith.constant 7 : i32
    %get3A_43 = arith.constant 80 : index
    %get3A_44 = tpu.vector_load %arg7[%get3A_43] {strides = array<i32>} : memref<128xi32, #tpu.memory_space<vmem>>, vector<16xi32>,
    %scan3A_45 = arith.constant 0 : i32
    %scan3A_46 = arith.constant 7 : i32
    %scan3A_47 = arith.addi %scan3A_45, %scan3A_46 : i32
    %scan3A_48 = arith.constant 1 : i32
    %scan3A_49 = scf.for %scan3A_313 = %scan3A_45 to %scan3A_47 step %scan3A_48 iter_args(%scan3A_314 = %scan3A_41) -> (vector<16xi32>)  : i32 {
      %eq3A_315 = vector.broadcast %scan3A_313 : i32 to vector<16xi32>
      %eq3A_316 = arith.cmpi eq, %get3A_44, %eq3A_315 : vector<16xi32>
      %jit3A = arith.constant 1 : i32
      %jit3A_317 = arith.constant 0 : i32
      %broadcast_in_dim3A_318 = vector.broadcast %jit3A : i32 to vector<16xi32>
      %broadcast_in_dim3A_319 = vector.broadcast %jit3A_317 : i32 to vector<16xi32>
      %select_n3A_320 = arith.select %eq3A_316, %broadcast_in_dim3A_318, %broadcast_in_dim3A_319 : vector<16xi1>, vector<16xi32>
      %reduce_sum3A = arith.constant true
      %reduce_sum3A_321 = vector.broadcast %reduce_sum3A : i1 to vector<16xi1>
      %reduce_sum3A_322 = tpu.scan <sum>, %select_n3A_320 masked %reduce_sum3A_321 : vector<16xi32>, vector<16xi1> -> vector<16xi32>
      %reduce_sum3A_323 = vector.extract %reduce_sum3A_322[15] : i32 from vector<16xi32>
      %eq3A_324 = vector.broadcast %scan3A_313 : i32 to vector<16xi32>
      %eq3A_325 = arith.cmpi eq, %iota3A, %eq3A_324 : vector<16xi32>
      %jit3A_326 = arith.constant 0 : i32
      %broadcast_in_dim3A_327 = vector.broadcast %reduce_sum3A_323 : i32 to vector<16xi32>
      %broadcast_in_dim3A_328 = vector.broadcast %jit3A_326 : i32 to vector<16xi32>
      %select_n3A_329 = arith.select %eq3A_325, %broadcast_in_dim3A_327, %broadcast_in_dim3A_328 : vector<16xi1>, vector<16xi32>
      %add3A_330 = arith.addi %scan3A_314, %select_n3A_329 : vector<16xi32>
      scf.yield %add3A_330 : vector<16xi32>
    }
    %scan3A_50 = arith.constant 7 : i32
    %get3A_51 = arith.constant 96 : index
    %get3A_52 = tpu.vector_load %arg7[%get3A_51] {strides = array<i32>} : memref<128xi32, #tpu.memory_space<vmem>>, vector<16xi32>,
    %scan3A_53 = arith.constant 0 : i32
    %scan3A_54 = arith.constant 7 : i32
    %scan3A_55 = arith.addi %scan3A_53, %scan3A_54 : i32
    %scan3A_56 = arith.constant 1 : i32
    %scan3A_57 = scf.for %scan3A_313 = %scan3A_53 to %scan3A_55 step %scan3A_56 iter_args(%scan3A_314 = %scan3A_49) -> (vector<16xi32>)  : i32 {
      %eq3A_315 = vector.broadcast %scan3A_313 : i32 to vector<16xi32>
      %eq3A_316 = arith.cmpi eq, %get3A_52, %eq3A_315 : vector<16xi32>
      %jit3A = arith.constant 1 : i32
      %jit3A_317 = arith.constant 0 : i32
      %broadcast_in_dim3A_318 = vector.broadcast %jit3A : i32 to vector<16xi32>
      %broadcast_in_dim3A_319 = vector.broadcast %jit3A_317 : i32 to vector<16xi32>
      %select_n3A_320 = arith.select %eq3A_316, %broadcast_in_dim3A_318, %broadcast_in_dim3A_319 : vector<16xi1>, vector<16xi32>
      %reduce_sum3A = arith.constant true
      %reduce_sum3A_321 = vector.broadcast %reduce_sum3A : i1 to vector<16xi1>
      %reduce_sum3A_322 = tpu.scan <sum>, %select_n3A_320 masked %reduce_sum3A_321 : vector<16xi32>, vector<16xi1> -> vector<16xi32>
      %reduce_sum3A_323 = vector.extract %reduce_sum3A_322[15] : i32 from vector<16xi32>
      %eq3A_324 = vector.broadcast %scan3A_313 : i32 to vector<16xi32>
      %eq3A_325 = arith.cmpi eq, %iota3A, %eq3A_324 : vector<16xi32>
      %jit3A_326 = arith.constant 0 : i32
      %broadcast_in_dim3A_327 = vector.broadcast %reduce_sum3A_323 : i32 to vector<16xi32>
      %broadcast_in_dim3A_328 = vector.broadcast %jit3A_326 : i32 to vector<16xi32>
      %select_n3A_329 = arith.select %eq3A_325, %broadcast_in_dim3A_327, %broadcast_in_dim3A_328 : vector<16xi1>, vector<16xi32>
      %add3A_330 = arith.addi %scan3A_314, %select_n3A_329 : vector<16xi32>
      scf.yield %add3A_330 : vector<16xi32>
    }
    %scan3A_58 = arith.constant 7 : i32
    %get3A_59 = arith.constant 112 : index
    %get3A_60 = tpu.vector_load %arg7[%get3A_59] {strides = array<i32>} : memref<128xi32, #tpu.memory_space<vmem>>, vector<16xi32>,
    %scan3A_61 = arith.constant 0 : i32
    %scan3A_62 = arith.constant 7 : i32
    %scan3A_63 = arith.addi %scan3A_61, %scan3A_62 : i32
    %scan3A_64 = arith.constant 1 : i32
    %scan3A_65 = scf.for %scan3A_313 = %scan3A_61 to %scan3A_63 step %scan3A_64 iter_args(%scan3A_314 = %scan3A_57) -> (vector<16xi32>)  : i32 {
      %eq3A_315 = vector.broadcast %scan3A_313 : i32 to vector<16xi32>
      %eq3A_316 = arith.cmpi eq, %get3A_60, %eq3A_315 : vector<16xi32>
      %jit3A = arith.constant 1 : i32
      %jit3A_317 = arith.constant 0 : i32
      %broadcast_in_dim3A_318 = vector.broadcast %jit3A : i32 to vector<16xi32>
      %broadcast_in_dim3A_319 = vector.broadcast %jit3A_317 : i32 to vector<16xi32>
      %select_n3A_320 = arith.select %eq3A_316, %broadcast_in_dim3A_318, %broadcast_in_dim3A_319 : vector<16xi1>, vector<16xi32>
      %reduce_sum3A = arith.constant true
      %reduce_sum3A_321 = vector.broadcast %reduce_sum3A : i1 to vector<16xi1>
      %reduce_sum3A_322 = tpu.scan <sum>, %select_n3A_320 masked %reduce_sum3A_321 : vector<16xi32>, vector<16xi1> -> vector<16xi32>
      %reduce_sum3A_323 = vector.extract %reduce_sum3A_322[15] : i32 from vector<16xi32>
      %eq3A_324 = vector.broadcast %scan3A_313 : i32 to vector<16xi32>
      %eq3A_325 = arith.cmpi eq, %iota3A, %eq3A_324 : vector<16xi32>
      %jit3A_326 = arith.constant 0 : i32
      %broadcast_in_dim3A_327 = vector.broadcast %reduce_sum3A_323 : i32 to vector<16xi32>
      %broadcast_in_dim3A_328 = vector.broadcast %jit3A_326 : i32 to vector<16xi32>
      %select_n3A_329 = arith.select %eq3A_325, %broadcast_in_dim3A_327, %broadcast_in_dim3A_328 : vector<16xi1>, vector<16xi32>
      %add3A_330 = arith.addi %scan3A_314, %select_n3A_329 : vector<16xi32>
      scf.yield %add3A_330 : vector<16xi32>
    }
    %scan3A_66 = arith.constant 7 : i32
    %swap3A = arith.constant 0 : index
    %swap3A_67 = tpu.vector_load %arg10[%swap3A] {strides = array<i32>} : memref<16xi32, #tpu.memory_space<vmem>>, vector<16xi32>,
    tpu.vector_store %arg10[%swap3A], %scan3A_65 {strides = array<i32>} : memref<16xi32, #tpu.memory_space<vmem>>, vector<16xi32>,
    %mul3A_68 = arith.constant 16 : i32
    %mul3A_69 = arith.muli %arg1, %mul3A_68 : i32
    "tpu.region"() ({
      %run_scoped3A = tpu.sem_alloc : memref<!tpu.dma_semaphore, #tpu.memory_space<semaphore_mem>>
      %dma_start3A_313 = tpu.memref_slice %arg17[%mul3A_69] : memref<256xi32, #tpu.memory_space<vmem_shared>> -> memref<16xi32, #tpu.memory_space<vmem_shared>>
      %dma_start3A_314 = tpu.memref_slice %arg17[%mul3A_69] : memref<256xi32, #tpu.memory_space<vmem_shared>> -> memref<16xi32, #tpu.memory_space<vmem_shared>>
      tpu.enqueue_dma source(%arg10 : memref<16xi32, #tpu.memory_space<vmem>>) target(%dma_start3A_314 : memref<16xi32, #tpu.memory_space<vmem_shared>>) target_semaphore(%run_scoped3A : memref<!tpu.dma_semaphore, #tpu.memory_space<semaphore_mem>>)
      %dma_wait3A_315 = tpu.memref_slice %arg17[%mul3A_69] : memref<256xi32, #tpu.memory_space<vmem_shared>> -> memref<16xi32, #tpu.memory_space<vmem_shared>>
      %dma_wait3A_316 = tpu.memref_slice %arg17[%mul3A_69] : memref<256xi32, #tpu.memory_space<vmem_shared>> -> memref<16xi32, #tpu.memory_space<vmem_shared>>
      tpu.wait_dma2 semaphore(%run_scoped3A : memref<!tpu.dma_semaphore, #tpu.memory_space<semaphore_mem>>) src(%arg10 : memref<16xi32, #tpu.memory_space<vmem>>) dst(%dma_wait3A_316 : memref<16xi32, #tpu.memory_space<vmem_shared>>)
      tpu.yield
    }) : () -> ()
    %barrier3A = arith.constant 0 : index
    tpu.barrier barrier_id(%barrier3A)
    "tpu.region"() ({
      %run_scoped3A = tpu.sem_alloc : memref<!tpu.dma_semaphore, #tpu.memory_space<semaphore_mem>>
      tpu.enqueue_dma source(%arg17 : memref<256xi32, #tpu.memory_space<vmem_shared>>) target(%arg11 : memref<256xi32, #tpu.memory_space<vmem>>) target_semaphore(%run_scoped3A : memref<!tpu.dma_semaphore, #tpu.memory_space<semaphore_mem>>)
      tpu.wait_dma2 semaphore(%run_scoped3A : memref<!tpu.dma_semaphore, #tpu.memory_space<semaphore_mem>>) src(%arg17 : memref<256xi32, #tpu.memory_space<vmem_shared>>) dst(%arg11 : memref<256xi32, #tpu.memory_space<vmem>>)
      tpu.yield
    }) : () -> ()
    %get3A_70 = arith.constant 0 : index
    %get3A_71 = tpu.vector_load %arg11[%get3A_70] {strides = array<i32>} : memref<256xi32, #tpu.memory_space<vmem>>, vector<16xi32>,
    %add3A = arith.addi %broadcast_in_dim3A_1, %get3A_71 : vector<16xi32>
    %broadcast_in_dim3A_72 = arith.constant 0 : i32
    %broadcast_in_dim3A_73 = vector.broadcast %broadcast_in_dim3A_72 : i32 to vector<16xi32>
    %lt3A = vector.broadcast %arg1 : i32 to vector<16xi32>
    %lt3A_74 = arith.cmpi slt, %broadcast_in_dim3A_73, %lt3A : vector<16xi32>
    %select_n3A = arith.select %lt3A_74, %get3A_71, %broadcast_in_dim3A_1 : vector<16xi1>, vector<16xi32>
    %add3A_75 = arith.addi %broadcast_in_dim3A_1, %select_n3A : vector<16xi32>
    %get3A_76 = arith.constant 16 : index
    %get3A_77 = tpu.vector_load %arg11[%get3A_76] {strides = array<i32>} : memref<256xi32, #tpu.memory_space<vmem>>, vector<16xi32>,
    %add3A_78 = arith.addi %add3A, %get3A_77 : vector<16xi32>
    %broadcast_in_dim3A_79 = arith.constant 1 : i32
    %broadcast_in_dim3A_80 = vector.broadcast %broadcast_in_dim3A_79 : i32 to vector<16xi32>
    %lt3A_81 = vector.broadcast %arg1 : i32 to vector<16xi32>
    %lt3A_82 = arith.cmpi slt, %broadcast_in_dim3A_80, %lt3A_81 : vector<16xi32>
    %select_n3A_83 = arith.select %lt3A_82, %get3A_77, %broadcast_in_dim3A_1 : vector<16xi1>, vector<16xi32>
    %add3A_84 = arith.addi %add3A_75, %select_n3A_83 : vector<16xi32>
    %get3A_85 = arith.constant 32 : index
    %get3A_86 = tpu.vector_load %arg11[%get3A_85] {strides = array<i32>} : memref<256xi32, #tpu.memory_space<vmem>>, vector<16xi32>,
    %add3A_87 = arith.addi %add3A_78, %get3A_86 : vector<16xi32>
    %broadcast_in_dim3A_88 = arith.constant 2 : i32
    %broadcast_in_dim3A_89 = vector.broadcast %broadcast_in_dim3A_88 : i32 to vector<16xi32>
    %lt3A_90 = vector.broadcast %arg1 : i32 to vector<16xi32>
    %lt3A_91 = arith.cmpi slt, %broadcast_in_dim3A_89, %lt3A_90 : vector<16xi32>
    %select_n3A_92 = arith.select %lt3A_91, %get3A_86, %broadcast_in_dim3A_1 : vector<16xi1>, vector<16xi32>
    %add3A_93 = arith.addi %add3A_84, %select_n3A_92 : vector<16xi32>
    %get3A_94 = arith.constant 48 : index
    %get3A_95 = tpu.vector_load %arg11[%get3A_94] {strides = array<i32>} : memref<256xi32, #tpu.memory_space<vmem>>, vector<16xi32>,
    %add3A_96 = arith.addi %add3A_87, %get3A_95 : vector<16xi32>
    %broadcast_in_dim3A_97 = arith.constant 3 : i32
    %broadcast_in_dim3A_98 = vector.broadcast %broadcast_in_dim3A_97 : i32 to vector<16xi32>
    %lt3A_99 = vector.broadcast %arg1 : i32 to vector<16xi32>
    %lt3A_100 = arith.cmpi slt, %broadcast_in_dim3A_98, %lt3A_99 : vector<16xi32>
    %select_n3A_101 = arith.select %lt3A_100, %get3A_95, %broadcast_in_dim3A_1 : vector<16xi1>, vector<16xi32>
    %add3A_102 = arith.addi %add3A_93, %select_n3A_101 : vector<16xi32>
    %get3A_103 = arith.constant 64 : index
    %get3A_104 = tpu.vector_load %arg11[%get3A_103] {strides = array<i32>} : memref<256xi32, #tpu.memory_space<vmem>>, vector<16xi32>,
    %add3A_105 = arith.addi %add3A_96, %get3A_104 : vector<16xi32>
    %broadcast_in_dim3A_106 = arith.constant 4 : i32
    %broadcast_in_dim3A_107 = vector.broadcast %broadcast_in_dim3A_106 : i32 to vector<16xi32>
    %lt3A_108 = vector.broadcast %arg1 : i32 to vector<16xi32>
    %lt3A_109 = arith.cmpi slt, %broadcast_in_dim3A_107, %lt3A_108 : vector<16xi32>
    %select_n3A_110 = arith.select %lt3A_109, %get3A_104, %broadcast_in_dim3A_1 : vector<16xi1>, vector<16xi32>
    %add3A_111 = arith.addi %add3A_102, %select_n3A_110 : vector<16xi32>
    %get3A_112 = arith.constant 80 : index
    %get3A_113 = tpu.vector_load %arg11[%get3A_112] {strides = array<i32>} : memref<256xi32, #tpu.memory_space<vmem>>, vector<16xi32>,
    %add3A_114 = arith.addi %add3A_105, %get3A_113 : vector<16xi32>
    %broadcast_in_dim3A_115 = arith.constant 5 : i32
    %broadcast_in_dim3A_116 = vector.broadcast %broadcast_in_dim3A_115 : i32 to vector<16xi32>
    %lt3A_117 = vector.broadcast %arg1 : i32 to vector<16xi32>
    %lt3A_118 = arith.cmpi slt, %broadcast_in_dim3A_116, %lt3A_117 : vector<16xi32>
    %select_n3A_119 = arith.select %lt3A_118, %get3A_113, %broadcast_in_dim3A_1 : vector<16xi1>, vector<16xi32>
    %add3A_120 = arith.addi %add3A_111, %select_n3A_119 : vector<16xi32>
    %get3A_121 = arith.constant 96 : index
    %get3A_122 = tpu.vector_load %arg11[%get3A_121] {strides = array<i32>} : memref<256xi32, #tpu.memory_space<vmem>>, vector<16xi32>,
    %add3A_123 = arith.addi %add3A_114, %get3A_122 : vector<16xi32>
    %broadcast_in_dim3A_124 = arith.constant 6 : i32
    %broadcast_in_dim3A_125 = vector.broadcast %broadcast_in_dim3A_124 : i32 to vector<16xi32>
    %lt3A_126 = vector.broadcast %arg1 : i32 to vector<16xi32>
    %lt3A_127 = arith.cmpi slt, %broadcast_in_dim3A_125, %lt3A_126 : vector<16xi32>
    %select_n3A_128 = arith.select %lt3A_127, %get3A_122, %broadcast_in_dim3A_1 : vector<16xi1>, vector<16xi32>
    %add3A_129 = arith.addi %add3A_120, %select_n3A_128 : vector<16xi32>
    %get3A_130 = arith.constant 112 : index
    %get3A_131 = tpu.vector_load %arg11[%get3A_130] {strides = array<i32>} : memref<256xi32, #tpu.memory_space<vmem>>, vector<16xi32>,
    %add3A_132 = arith.addi %add3A_123, %get3A_131 : vector<16xi32>
    %broadcast_in_dim3A_133 = arith.constant 7 : i32
    %broadcast_in_dim3A_134 = vector.broadcast %broadcast_in_dim3A_133 : i32 to vector<16xi32>
    %lt3A_135 = vector.broadcast %arg1 : i32 to vector<16xi32>
    %lt3A_136 = arith.cmpi slt, %broadcast_in_dim3A_134, %lt3A_135 : vector<16xi32>
    %select_n3A_137 = arith.select %lt3A_136, %get3A_131, %broadcast_in_dim3A_1 : vector<16xi1>, vector<16xi32>
    %add3A_138 = arith.addi %add3A_129, %select_n3A_137 : vector<16xi32>
    %get3A_139 = arith.constant 128 : index
    %get3A_140 = tpu.vector_load %arg11[%get3A_139] {strides = array<i32>} : memref<256xi32, #tpu.memory_space<vmem>>, vector<16xi32>,
    %add3A_141 = arith.addi %add3A_132, %get3A_140 : vector<16xi32>
    %broadcast_in_dim3A_142 = arith.constant 8 : i32
    %broadcast_in_dim3A_143 = vector.broadcast %broadcast_in_dim3A_142 : i32 to vector<16xi32>
    %lt3A_144 = vector.broadcast %arg1 : i32 to vector<16xi32>
    %lt3A_145 = arith.cmpi slt, %broadcast_in_dim3A_143, %lt3A_144 : vector<16xi32>
    %select_n3A_146 = arith.select %lt3A_145, %get3A_140, %broadcast_in_dim3A_1 : vector<16xi1>, vector<16xi32>
    %add3A_147 = arith.addi %add3A_138, %select_n3A_146 : vector<16xi32>
    %get3A_148 = arith.constant 144 : index
    %get3A_149 = tpu.vector_load %arg11[%get3A_148] {strides = array<i32>} : memref<256xi32, #tpu.memory_space<vmem>>, vector<16xi32>,
    %add3A_150 = arith.addi %add3A_141, %get3A_149 : vector<16xi32>
    %broadcast_in_dim3A_151 = arith.constant 9 : i32
    %broadcast_in_dim3A_152 = vector.broadcast %broadcast_in_dim3A_151 : i32 to vector<16xi32>
    %lt3A_153 = vector.broadcast %arg1 : i32 to vector<16xi32>
    %lt3A_154 = arith.cmpi slt, %broadcast_in_dim3A_152, %lt3A_153 : vector<16xi32>
    %select_n3A_155 = arith.select %lt3A_154, %get3A_149, %broadcast_in_dim3A_1 : vector<16xi1>, vector<16xi32>
    %add3A_156 = arith.addi %add3A_147, %select_n3A_155 : vector<16xi32>
    %get3A_157 = arith.constant 160 : index
    %get3A_158 = tpu.vector_load %arg11[%get3A_157] {strides = array<i32>} : memref<256xi32, #tpu.memory_space<vmem>>, vector<16xi32>,
    %add3A_159 = arith.addi %add3A_150, %get3A_158 : vector<16xi32>
    %broadcast_in_dim3A_160 = arith.constant 10 : i32
    %broadcast_in_dim3A_161 = vector.broadcast %broadcast_in_dim3A_160 : i32 to vector<16xi32>
    %lt3A_162 = vector.broadcast %arg1 : i32 to vector<16xi32>
    %lt3A_163 = arith.cmpi slt, %broadcast_in_dim3A_161, %lt3A_162 : vector<16xi32>
    %select_n3A_164 = arith.select %lt3A_163, %get3A_158, %broadcast_in_dim3A_1 : vector<16xi1>, vector<16xi32>
    %add3A_165 = arith.addi %add3A_156, %select_n3A_164 : vector<16xi32>
    %get3A_166 = arith.constant 176 : index
    %get3A_167 = tpu.vector_load %arg11[%get3A_166] {strides = array<i32>} : memref<256xi32, #tpu.memory_space<vmem>>, vector<16xi32>,
    %add3A_168 = arith.addi %add3A_159, %get3A_167 : vector<16xi32>
    %broadcast_in_dim3A_169 = arith.constant 11 : i32
    %broadcast_in_dim3A_170 = vector.broadcast %broadcast_in_dim3A_169 : i32 to vector<16xi32>
    %lt3A_171 = vector.broadcast %arg1 : i32 to vector<16xi32>
    %lt3A_172 = arith.cmpi slt, %broadcast_in_dim3A_170, %lt3A_171 : vector<16xi32>
    %select_n3A_173 = arith.select %lt3A_172, %get3A_167, %broadcast_in_dim3A_1 : vector<16xi1>, vector<16xi32>
    %add3A_174 = arith.addi %add3A_165, %select_n3A_173 : vector<16xi32>
    %get3A_175 = arith.constant 192 : index
    %get3A_176 = tpu.vector_load %arg11[%get3A_175] {strides = array<i32>} : memref<256xi32, #tpu.memory_space<vmem>>, vector<16xi32>,
    %add3A_177 = arith.addi %add3A_168, %get3A_176 : vector<16xi32>
    %broadcast_in_dim3A_178 = arith.constant 12 : i32
    %broadcast_in_dim3A_179 = vector.broadcast %broadcast_in_dim3A_178 : i32 to vector<16xi32>
    %lt3A_180 = vector.broadcast %arg1 : i32 to vector<16xi32>
    %lt3A_181 = arith.cmpi slt, %broadcast_in_dim3A_179, %lt3A_180 : vector<16xi32>
    %select_n3A_182 = arith.select %lt3A_181, %get3A_176, %broadcast_in_dim3A_1 : vector<16xi1>, vector<16xi32>
    %add3A_183 = arith.addi %add3A_174, %select_n3A_182 : vector<16xi32>
    %get3A_184 = arith.constant 208 : index
    %get3A_185 = tpu.vector_load %arg11[%get3A_184] {strides = array<i32>} : memref<256xi32, #tpu.memory_space<vmem>>, vector<16xi32>,
    %add3A_186 = arith.addi %add3A_177, %get3A_185 : vector<16xi32>
    %broadcast_in_dim3A_187 = arith.constant 13 : i32
    %broadcast_in_dim3A_188 = vector.broadcast %broadcast_in_dim3A_187 : i32 to vector<16xi32>
    %lt3A_189 = vector.broadcast %arg1 : i32 to vector<16xi32>
    %lt3A_190 = arith.cmpi slt, %broadcast_in_dim3A_188, %lt3A_189 : vector<16xi32>
    %select_n3A_191 = arith.select %lt3A_190, %get3A_185, %broadcast_in_dim3A_1 : vector<16xi1>, vector<16xi32>
    %add3A_192 = arith.addi %add3A_183, %select_n3A_191 : vector<16xi32>
    %get3A_193 = arith.constant 224 : index
    %get3A_194 = tpu.vector_load %arg11[%get3A_193] {strides = array<i32>} : memref<256xi32, #tpu.memory_space<vmem>>, vector<16xi32>,
    %add3A_195 = arith.addi %add3A_186, %get3A_194 : vector<16xi32>
    %broadcast_in_dim3A_196 = arith.constant 14 : i32
    %broadcast_in_dim3A_197 = vector.broadcast %broadcast_in_dim3A_196 : i32 to vector<16xi32>
    %lt3A_198 = vector.broadcast %arg1 : i32 to vector<16xi32>
    %lt3A_199 = arith.cmpi slt, %broadcast_in_dim3A_197, %lt3A_198 : vector<16xi32>
    %select_n3A_200 = arith.select %lt3A_199, %get3A_194, %broadcast_in_dim3A_1 : vector<16xi1>, vector<16xi32>
    %add3A_201 = arith.addi %add3A_192, %select_n3A_200 : vector<16xi32>
    %get3A_202 = arith.constant 240 : index
    %get3A_203 = tpu.vector_load %arg11[%get3A_202] {strides = array<i32>} : memref<256xi32, #tpu.memory_space<vmem>>, vector<16xi32>,
    %add3A_204 = arith.addi %add3A_195, %get3A_203 : vector<16xi32>
    %broadcast_in_dim3A_205 = arith.constant 15 : i32
    %broadcast_in_dim3A_206 = vector.broadcast %broadcast_in_dim3A_205 : i32 to vector<16xi32>
    %lt3A_207 = vector.broadcast %arg1 : i32 to vector<16xi32>
    %lt3A_208 = arith.cmpi slt, %broadcast_in_dim3A_206, %lt3A_207 : vector<16xi32>
    %select_n3A_209 = arith.select %lt3A_208, %get3A_203, %broadcast_in_dim3A_1 : vector<16xi1>, vector<16xi32>
    %add3A_210 = arith.addi %add3A_201, %select_n3A_209 : vector<16xi32>
    %broadcast_in_dim3A_211 = arith.constant true
    %broadcast_in_dim3A_212 = vector.broadcast %broadcast_in_dim3A_211 : i1 to vector<16xi1>
    %masked_cumsum3A = tpu.scan <sum>, %add3A_204 masked %broadcast_in_dim3A_212 : vector<16xi32>, vector<16xi1> -> vector<16xi32>
    %sub3A = arith.subi %masked_cumsum3A, %add3A_204 : vector<16xi32>
    %add3A_213 = arith.addi %sub3A, %add3A_210 : vector<16xi32>
    %eq3A = arith.constant 0 : i32
    %eq3A_214 = arith.cmpi eq, %arg1, %eq3A : i32
    %convert_element_type3A = arith.extui %eq3A_214 : i1 to i32
    %cond3A = arith.constant 0 : i32
    %cond3A_215 = arith.cmpi ne, %convert_element_type3A, %cond3A : i32
    scf.if %cond3A_215 {
      %broadcast_in_dim3A_313 = arith.constant 7 : i32
      %broadcast_in_dim3A_314 = vector.broadcast %broadcast_in_dim3A_313 : i32 to vector<16xi32>
      %swap3A_315 = arith.constant 0 : index
      %swap3A_316 = tpu.vector_load %arg12[%swap3A_315] {strides = array<i32>} : memref<16xi32, #tpu.memory_space<vmem>>, vector<16xi32>,
      tpu.vector_store %arg12[%swap3A_315], %broadcast_in_dim3A_314 {strides = array<i32>} : memref<16xi32, #tpu.memory_space<vmem>>, vector<16xi32>,
      %broadcast_in_dim3A_317 = arith.constant 6 : i32
      %broadcast_in_dim3A_318 = vector.broadcast %broadcast_in_dim3A_317 : i32 to vector<16xi32>
      %swap3A_319 = arith.constant 0 : index
      %swap3A_320 = tpu.vector_load %arg13[%swap3A_319] {strides = array<i32>} : memref<16xi32, #tpu.memory_space<vmem>>, vector<16xi32>,
      tpu.vector_store %arg13[%swap3A_319], %broadcast_in_dim3A_318 {strides = array<i32>} : memref<16xi32, #tpu.memory_space<vmem>>, vector<16xi32>,
      %swap3A_321 = arith.constant 0 : index
      %swap3A_322 = tpu.vector_load %arg14[%swap3A_321] {strides = array<i32>} : memref<16xi32, #tpu.memory_space<vmem>>, vector<16xi32>,
      tpu.vector_store %arg14[%swap3A_321], %broadcast_in_dim3A_1 {strides = array<i32>} : memref<16xi32, #tpu.memory_space<vmem>>, vector<16xi32>,
      %swap3A_323 = arith.constant 0 : index
      %swap3A_324 = tpu.vector_load %arg15[%swap3A_323] {strides = array<i32>} : memref<16xi32, #tpu.memory_space<vmem>>, vector<16xi32>,
      tpu.vector_store %arg15[%swap3A_323], %broadcast_in_dim3A_1 {strides = array<i32>} : memref<16xi32, #tpu.memory_space<vmem>>, vector<16xi32>,
      %swap3A_325 = arith.constant 0 : index
      %swap3A_326 = tpu.vector_load %arg16[%swap3A_325] {strides = array<i32>} : memref<16xi32, #tpu.memory_space<vmem>>, vector<16xi32>,
      tpu.vector_store %arg16[%swap3A_325], %broadcast_in_dim3A_1 {strides = array<i32>} : memref<16xi32, #tpu.memory_space<vmem>>, vector<16xi32>,
      %eq3A_327 = arith.constant 0 : i32
      %eq3A_328 = vector.broadcast %eq3A_327 : i32 to vector<16xi32>
      %eq3A_329 = arith.cmpi eq, %iota3A, %eq3A_328 : vector<16xi32>
      %select_n3A_330 = arith.select %eq3A_329, %sub3A, %broadcast_in_dim3A_1 : vector<16xi1>, vector<16xi32>
      %reduce_sum3A = arith.constant true
      %reduce_sum3A_331 = vector.broadcast %reduce_sum3A : i1 to vector<16xi1>
      %reduce_sum3A_332 = tpu.scan <sum>, %select_n3A_330 masked %reduce_sum3A_331 : vector<16xi32>, vector<16xi1> -> vector<16xi32>
      %reduce_sum3A_333 = vector.extract %reduce_sum3A_332[15] : i32 from vector<16xi32>
      %eq3A_334 = arith.constant 1 : i32
      %eq3A_335 = vector.broadcast %eq3A_334 : i32 to vector<16xi32>
      %eq3A_336 = arith.cmpi eq, %iota3A, %eq3A_335 : vector<16xi32>
      %select_n3A_337 = arith.select %eq3A_336, %sub3A, %broadcast_in_dim3A_1 : vector<16xi1>, vector<16xi32>
      %reduce_sum3A_338 = arith.constant true
      %reduce_sum3A_339 = vector.broadcast %reduce_sum3A_338 : i1 to vector<16xi1>
      %reduce_sum3A_340 = tpu.scan <sum>, %select_n3A_337 masked %reduce_sum3A_339 : vector<16xi32>, vector<16xi1> -> vector<16xi32>
      %reduce_sum3A_341 = vector.extract %reduce_sum3A_340[15] : i32 from vector<16xi32>
      %eq3A_342 = arith.constant 2 : i32
      %eq3A_343 = vector.broadcast %eq3A_342 : i32 to vector<16xi32>
      %eq3A_344 = arith.cmpi eq, %iota3A, %eq3A_343 : vector<16xi32>
      %select_n3A_345 = arith.select %eq3A_344, %sub3A, %broadcast_in_dim3A_1 : vector<16xi1>, vector<16xi32>
      %reduce_sum3A_346 = arith.constant true
      %reduce_sum3A_347 = vector.broadcast %reduce_sum3A_346 : i1 to vector<16xi1>
      %reduce_sum3A_348 = tpu.scan <sum>, %select_n3A_345 masked %reduce_sum3A_347 : vector<16xi32>, vector<16xi1> -> vector<16xi32>
      %reduce_sum3A_349 = vector.extract %reduce_sum3A_348[15] : i32 from vector<16xi32>
      %eq3A_350 = arith.constant 3 : i32
      %eq3A_351 = vector.broadcast %eq3A_350 : i32 to vector<16xi32>
      %eq3A_352 = arith.cmpi eq, %iota3A, %eq3A_351 : vector<16xi32>
      %select_n3A_353 = arith.select %eq3A_352, %sub3A, %broadcast_in_dim3A_1 : vector<16xi1>, vector<16xi32>
      %reduce_sum3A_354 = arith.constant true
      %reduce_sum3A_355 = vector.broadcast %reduce_sum3A_354 : i1 to vector<16xi1>
      %reduce_sum3A_356 = tpu.scan <sum>, %select_n3A_353 masked %reduce_sum3A_355 : vector<16xi32>, vector<16xi1> -> vector<16xi32>
      %reduce_sum3A_357 = vector.extract %reduce_sum3A_356[15] : i32 from vector<16xi32>
      %eq3A_358 = arith.constant 4 : i32
      %eq3A_359 = vector.broadcast %eq3A_358 : i32 to vector<16xi32>
      %eq3A_360 = arith.cmpi eq, %iota3A, %eq3A_359 : vector<16xi32>
      %select_n3A_361 = arith.select %eq3A_360, %sub3A, %broadcast_in_dim3A_1 : vector<16xi1>, vector<16xi32>
      %reduce_sum3A_362 = arith.constant true
      %reduce_sum3A_363 = vector.broadcast %reduce_sum3A_362 : i1 to vector<16xi1>
      %reduce_sum3A_364 = tpu.scan <sum>, %select_n3A_361 masked %reduce_sum3A_363 : vector<16xi32>, vector<16xi1> -> vector<16xi32>
      %reduce_sum3A_365 = vector.extract %reduce_sum3A_364[15] : i32 from vector<16xi32>
      %eq3A_366 = arith.constant 5 : i32
      %eq3A_367 = vector.broadcast %eq3A_366 : i32 to vector<16xi32>
      %eq3A_368 = arith.cmpi eq, %iota3A, %eq3A_367 : vector<16xi32>
      %select_n3A_369 = arith.select %eq3A_368, %sub3A, %broadcast_in_dim3A_1 : vector<16xi1>, vector<16xi32>
      %reduce_sum3A_370 = arith.constant true
      %reduce_sum3A_371 = vector.broadcast %reduce_sum3A_370 : i1 to vector<16xi1>
      %reduce_sum3A_372 = tpu.scan <sum>, %select_n3A_369 masked %reduce_sum3A_371 : vector<16xi32>, vector<16xi1> -> vector<16xi32>
      %reduce_sum3A_373 = vector.extract %reduce_sum3A_372[15] : i32 from vector<16xi32>
      %eq3A_374 = arith.constant 6 : i32
      %eq3A_375 = vector.broadcast %eq3A_374 : i32 to vector<16xi32>
      %eq3A_376 = arith.cmpi eq, %iota3A, %eq3A_375 : vector<16xi32>
      %select_n3A_377 = arith.select %eq3A_376, %sub3A, %broadcast_in_dim3A_1 : vector<16xi1>, vector<16xi32>
      %reduce_sum3A_378 = arith.constant true
      %reduce_sum3A_379 = vector.broadcast %reduce_sum3A_378 : i1 to vector<16xi1>
      %reduce_sum3A_380 = tpu.scan <sum>, %select_n3A_377 masked %reduce_sum3A_379 : vector<16xi32>, vector<16xi1> -> vector<16xi32>
      %reduce_sum3A_381 = vector.extract %reduce_sum3A_380[15] : i32 from vector<16xi32>
      %add3A_382 = arith.constant 0 : i32
      %add3A_383 = vector.broadcast %add3A_382 : i32 to vector<16xi32>
      %add3A_384 = arith.addi %iota3A, %add3A_383 : vector<16xi32>
      %jit3A = arith.constant 7 : i32
      %div3A = vector.broadcast %jit3A : i32 to vector<16xi32>
      %div3A_385 = arith.divsi %add3A_384, %div3A : vector<16xi32>
      %sign3A = arith.constant 0 : i32
      %sign3A_386 = vector.broadcast %sign3A : i32 to vector<16xi32>
      %sign3A_387 = arith.cmpi sgt, %add3A_384, %sign3A_386 : vector<16xi32>
      %sign3A_388 = arith.extui %sign3A_387 : vector<16xi1> to vector<16xi32>
      %sign3A_389 = arith.constant 0 : i32
      %sign3A_390 = vector.broadcast %sign3A_389 : i32 to vector<16xi32>
      %sign3A_391 = arith.cmpi slt, %add3A_384, %sign3A_390 : vector<16xi32>
      %sign3A_392 = arith.extui %sign3A_391 : vector<16xi1> to vector<16xi32>
      %sign3A_393 = arith.subi %sign3A_388, %sign3A_392 : vector<16xi32>
      %sign3A_394 = arith.constant 0 : i32
      %sign3A_395 = arith.cmpi sgt, %jit3A, %sign3A_394 : i32
      %sign3A_396 = arith.extui %sign3A_395 : i1 to i32
      %sign3A_397 = arith.constant 0 : i32
      %sign3A_398 = arith.cmpi slt, %jit3A, %sign3A_397 : i32
      %sign3A_399 = arith.extui %sign3A_398 : i1 to i32
      %sign3A_400 = arith.subi %sign3A_396, %sign3A_399 : i32
      %ne3A = vector.broadcast %sign3A_400 : i32 to vector<16xi32>
      %ne3A_401 = arith.cmpi ne, %sign3A_393, %ne3A : vector<16xi32>
      %rem3A = vector.broadcast %jit3A : i32 to vector<16xi32>
      %rem3A_402 = arith.remsi %add3A_384, %rem3A : vector<16xi32>
      %ne3A_403 = arith.constant 0 : i32
      %ne3A_404 = vector.broadcast %ne3A_403 : i32 to vector<16xi32>
      %ne3A_405 = arith.cmpi ne, %rem3A_402, %ne3A_404 : vector<16xi32>
      %and3A = arith.andi %ne3A_401, %ne3A_405 : vector<16xi1>
      %sub3A_406 = arith.constant 1 : i32
      %sub3A_407 = vector.broadcast %sub3A_406 : i32 to vector<16xi32>
      %sub3A_408 = arith.subi %div3A_385, %sub3A_407 : vector<16xi32>
      %select_n3A_409 = arith.select %and3A, %sub3A_408, %div3A_385 : vector<16xi1>, vector<16xi32>
      %jit3A_410 = arith.constant 7 : i32
      %eq3A_411 = arith.constant 0 : i32
      %eq3A_412 = arith.cmpi eq, %jit3A_410, %eq3A_411 : i32
      %jit3A_413 = arith.constant 1 : i32
      %select_n3A_414 = arith.select %eq3A_412, %jit3A_413, %jit3A_410 : i32
      %rem3A_415 = vector.broadcast %select_n3A_414 : i32 to vector<16xi32>
      %rem3A_416 = arith.remsi %add3A_384, %rem3A_415 : vector<16xi32>
      %ne3A_417 = arith.constant 0 : i32
      %ne3A_418 = vector.broadcast %ne3A_417 : i32 to vector<16xi32>
      %ne3A_419 = arith.cmpi ne, %rem3A_416, %ne3A_418 : vector<16xi32>
      %lt3A_420 = arith.constant 0 : i32
      %lt3A_421 = vector.broadcast %lt3A_420 : i32 to vector<16xi32>
      %lt3A_422 = arith.cmpi slt, %rem3A_416, %lt3A_421 : vector<16xi32>
      %lt3A_423 = arith.constant 0 : i32
      %lt3A_424 = arith.cmpi slt, %select_n3A_414, %lt3A_423 : i32
      %ne3A_425 = vector.broadcast %lt3A_424 : i1 to vector<16xi1>
      %ne3A_426 = vector.broadcast %ne3A_425 : vector<16xi1> to vector<16xi1>
      %ne3A_427 = arith.xori %lt3A_422, %ne3A_426 : vector<16xi1>
      %and3A_428 = arith.andi %ne3A_427, %ne3A_419 : vector<16xi1>
      %add3A_429 = vector.broadcast %select_n3A_414 : i32 to vector<16xi32>
      %add3A_430 = arith.addi %rem3A_416, %add3A_429 : vector<16xi32>
      %select_n3A_431 = arith.select %and3A_428, %add3A_430, %rem3A_416 : vector<16xi1>, vector<16xi32>
      %eq3A_432 = arith.constant 0 : i32
      %eq3A_433 = vector.broadcast %eq3A_432 : i32 to vector<16xi32>
      %eq3A_434 = arith.cmpi eq, %select_n3A_431, %eq3A_433 : vector<16xi32>
      %jit3A_435 = arith.constant 0 : i32
      %broadcast_in_dim3A_436 = vector.broadcast %reduce_sum3A_333 : i32 to vector<16xi32>
      %broadcast_in_dim3A_437 = vector.broadcast %jit3A_435 : i32 to vector<16xi32>
      %select_n3A_438 = arith.select %eq3A_434, %broadcast_in_dim3A_436, %broadcast_in_dim3A_437 : vector<16xi1>, vector<16xi32>
      %add3A_439 = arith.addi %broadcast_in_dim3A_1, %select_n3A_438 : vector<16xi32>
      %eq3A_440 = arith.constant 0 : i32
      %eq3A_441 = vector.broadcast %eq3A_440 : i32 to vector<16xi32>
      %eq3A_442 = arith.cmpi eq, %select_n3A_431, %eq3A_441 : vector<16xi32>
      %jit3A_443 = arith.constant 0 : i32
      %broadcast_in_dim3A_444 = vector.broadcast %reduce_sum3A_341 : i32 to vector<16xi32>
      %broadcast_in_dim3A_445 = vector.broadcast %jit3A_443 : i32 to vector<16xi32>
      %select_n3A_446 = arith.select %eq3A_442, %broadcast_in_dim3A_444, %broadcast_in_dim3A_445 : vector<16xi1>, vector<16xi32>
      %add3A_447 = arith.addi %broadcast_in_dim3A_1, %select_n3A_446 : vector<16xi32>
      %eq3A_448 = arith.constant 1 : i32
      %eq3A_449 = vector.broadcast %eq3A_448 : i32 to vector<16xi32>
      %eq3A_450 = arith.cmpi eq, %select_n3A_431, %eq3A_449 : vector<16xi32>
      %jit3A_451 = arith.constant 0 : i32
      %broadcast_in_dim3A_452 = vector.broadcast %reduce_sum3A_341 : i32 to vector<16xi32>
      %broadcast_in_dim3A_453 = vector.broadcast %jit3A_451 : i32 to vector<16xi32>
      %select_n3A_454 = arith.select %eq3A_450, %broadcast_in_dim3A_452, %broadcast_in_dim3A_453 : vector<16xi1>, vector<16xi32>
      %add3A_455 = arith.addi %add3A_439, %select_n3A_454 : vector<16xi32>
      %eq3A_456 = arith.constant 1 : i32
      %eq3A_457 = vector.broadcast %eq3A_456 : i32 to vector<16xi32>
      %eq3A_458 = arith.cmpi eq, %select_n3A_431, %eq3A_457 : vector<16xi32>
      %jit3A_459 = arith.constant 0 : i32
      %broadcast_in_dim3A_460 = vector.broadcast %reduce_sum3A_349 : i32 to vector<16xi32>
      %broadcast_in_dim3A_461 = vector.broadcast %jit3A_459 : i32 to vector<16xi32>
      %select_n3A_462 = arith.select %eq3A_458, %broadcast_in_dim3A_460, %broadcast_in_dim3A_461 : vector<16xi1>, vector<16xi32>
      %add3A_463 = arith.addi %add3A_447, %select_n3A_462 : vector<16xi32>
      %eq3A_464 = arith.constant 2 : i32
      %eq3A_465 = vector.broadcast %eq3A_464 : i32 to vector<16xi32>
      %eq3A_466 = arith.cmpi eq, %select_n3A_431, %eq3A_465 : vector<16xi32>
      %jit3A_467 = arith.constant 0 : i32
      %broadcast_in_dim3A_468 = vector.broadcast %reduce_sum3A_349 : i32 to vector<16xi32>
      %broadcast_in_dim3A_469 = vector.broadcast %jit3A_467 : i32 to vector<16xi32>
      %select_n3A_470 = arith.select %eq3A_466, %broadcast_in_dim3A_468, %broadcast_in_dim3A_469 : vector<16xi1>, vector<16xi32>
      %add3A_471 = arith.addi %add3A_455, %select_n3A_470 : vector<16xi32>
      %eq3A_472 = arith.constant 2 : i32
      %eq3A_473 = vector.broadcast %eq3A_472 : i32 to vector<16xi32>
      %eq3A_474 = arith.cmpi eq, %select_n3A_431, %eq3A_473 : vector<16xi32>
      %jit3A_475 = arith.constant 0 : i32
      %broadcast_in_dim3A_476 = vector.broadcast %reduce_sum3A_357 : i32 to vector<16xi32>
      %broadcast_in_dim3A_477 = vector.broadcast %jit3A_475 : i32 to vector<16xi32>
      %select_n3A_478 = arith.select %eq3A_474, %broadcast_in_dim3A_476, %broadcast_in_dim3A_477 : vector<16xi1>, vector<16xi32>
      %add3A_479 = arith.addi %add3A_463, %select_n3A_478 : vector<16xi32>
      %eq3A_480 = arith.constant 3 : i32
      %eq3A_481 = vector.broadcast %eq3A_480 : i32 to vector<16xi32>
      %eq3A_482 = arith.cmpi eq, %select_n3A_431, %eq3A_481 : vector<16xi32>
      %jit3A_483 = arith.constant 0 : i32
      %broadcast_in_dim3A_484 = vector.broadcast %reduce_sum3A_357 : i32 to vector<16xi32>
      %broadcast_in_dim3A_485 = vector.broadcast %jit3A_483 : i32 to vector<16xi32>
      %select_n3A_486 = arith.select %eq3A_482, %broadcast_in_dim3A_484, %broadcast_in_dim3A_485 : vector<16xi1>, vector<16xi32>
      %add3A_487 = arith.addi %add3A_471, %select_n3A_486 : vector<16xi32>
      %eq3A_488 = arith.constant 3 : i32
      %eq3A_489 = vector.broadcast %eq3A_488 : i32 to vector<16xi32>
      %eq3A_490 = arith.cmpi eq, %select_n3A_431, %eq3A_489 : vector<16xi32>
      %jit3A_491 = arith.constant 0 : i32
      %broadcast_in_dim3A_492 = vector.broadcast %reduce_sum3A_365 : i32 to vector<16xi32>
      %broadcast_in_dim3A_493 = vector.broadcast %jit3A_491 : i32 to vector<16xi32>
      %select_n3A_494 = arith.select %eq3A_490, %broadcast_in_dim3A_492, %broadcast_in_dim3A_493 : vector<16xi1>, vector<16xi32>
      %add3A_495 = arith.addi %add3A_479, %select_n3A_494 : vector<16xi32>
      %eq3A_496 = arith.constant 4 : i32
      %eq3A_497 = vector.broadcast %eq3A_496 : i32 to vector<16xi32>
      %eq3A_498 = arith.cmpi eq, %select_n3A_431, %eq3A_497 : vector<16xi32>
      %jit3A_499 = arith.constant 0 : i32
      %broadcast_in_dim3A_500 = vector.broadcast %reduce_sum3A_365 : i32 to vector<16xi32>
      %broadcast_in_dim3A_501 = vector.broadcast %jit3A_499 : i32 to vector<16xi32>
      %select_n3A_502 = arith.select %eq3A_498, %broadcast_in_dim3A_500, %broadcast_in_dim3A_501 : vector<16xi1>, vector<16xi32>
      %add3A_503 = arith.addi %add3A_487, %select_n3A_502 : vector<16xi32>
      %eq3A_504 = arith.constant 4 : i32
      %eq3A_505 = vector.broadcast %eq3A_504 : i32 to vector<16xi32>
      %eq3A_506 = arith.cmpi eq, %select_n3A_431, %eq3A_505 : vector<16xi32>
      %jit3A_507 = arith.constant 0 : i32
      %broadcast_in_dim3A_508 = vector.broadcast %reduce_sum3A_373 : i32 to vector<16xi32>
      %broadcast_in_dim3A_509 = vector.broadcast %jit3A_507 : i32 to vector<16xi32>
      %select_n3A_510 = arith.select %eq3A_506, %broadcast_in_dim3A_508, %broadcast_in_dim3A_509 : vector<16xi1>, vector<16xi32>
      %add3A_511 = arith.addi %add3A_495, %select_n3A_510 : vector<16xi32>
      %eq3A_512 = arith.constant 5 : i32
      %eq3A_513 = vector.broadcast %eq3A_512 : i32 to vector<16xi32>
      %eq3A_514 = arith.cmpi eq, %select_n3A_431, %eq3A_513 : vector<16xi32>
      %jit3A_515 = arith.constant 0 : i32
      %broadcast_in_dim3A_516 = vector.broadcast %reduce_sum3A_373 : i32 to vector<16xi32>
      %broadcast_in_dim3A_517 = vector.broadcast %jit3A_515 : i32 to vector<16xi32>
      %select_n3A_518 = arith.select %eq3A_514, %broadcast_in_dim3A_516, %broadcast_in_dim3A_517 : vector<16xi1>, vector<16xi32>
      %add3A_519 = arith.addi %add3A_503, %select_n3A_518 : vector<16xi32>
      %eq3A_520 = arith.constant 5 : i32
      %eq3A_521 = vector.broadcast %eq3A_520 : i32 to vector<16xi32>
      %eq3A_522 = arith.cmpi eq, %select_n3A_431, %eq3A_521 : vector<16xi32>
      %jit3A_523 = arith.constant 0 : i32
      %broadcast_in_dim3A_524 = vector.broadcast %reduce_sum3A_381 : i32 to vector<16xi32>
      %broadcast_in_dim3A_525 = vector.broadcast %jit3A_523 : i32 to vector<16xi32>
      %select_n3A_526 = arith.select %eq3A_522, %broadcast_in_dim3A_524, %broadcast_in_dim3A_525 : vector<16xi1>, vector<16xi32>
      %add3A_527 = arith.addi %add3A_511, %select_n3A_526 : vector<16xi32>
      %eq3A_528 = arith.constant 6 : i32
      %eq3A_529 = vector.broadcast %eq3A_528 : i32 to vector<16xi32>
      %eq3A_530 = arith.cmpi eq, %select_n3A_431, %eq3A_529 : vector<16xi32>
      %jit3A_531 = arith.constant 0 : i32
      %broadcast_in_dim3A_532 = vector.broadcast %reduce_sum3A_381 : i32 to vector<16xi32>
      %broadcast_in_dim3A_533 = vector.broadcast %jit3A_531 : i32 to vector<16xi32>
      %select_n3A_534 = arith.select %eq3A_530, %broadcast_in_dim3A_532, %broadcast_in_dim3A_533 : vector<16xi1>, vector<16xi32>
      %add3A_535 = arith.addi %add3A_519, %select_n3A_534 : vector<16xi32>
      %eq3A_536 = arith.constant 6 : i32
      %eq3A_537 = vector.broadcast %eq3A_536 : i32 to vector<16xi32>
      %eq3A_538 = arith.cmpi eq, %select_n3A_431, %eq3A_537 : vector<16xi32>
      %jit3A_539 = arith.constant 2048 : i32
      %jit3A_540 = arith.constant 0 : i32
      %broadcast_in_dim3A_541 = vector.broadcast %jit3A_539 : i32 to vector<16xi32>
      %broadcast_in_dim3A_542 = vector.broadcast %jit3A_540 : i32 to vector<16xi32>
      %select_n3A_543 = arith.select %eq3A_538, %broadcast_in_dim3A_541, %broadcast_in_dim3A_542 : vector<16xi1>, vector<16xi32>
      %add3A_544 = arith.addi %add3A_527, %select_n3A_543 : vector<16xi32>
      %add3A_545 = arith.constant 1 : i32
      %add3A_546 = vector.broadcast %add3A_545 : i32 to vector<16xi32>
      %add3A_547 = arith.addi %select_n3A_409, %add3A_546 : vector<16xi32>
      %mul3A_548 = arith.constant 256 : i32
      %mul3A_549 = vector.broadcast %mul3A_548 : i32 to vector<16xi32>
      %mul3A_550 = arith.muli %add3A_547, %mul3A_549 : vector<16xi32>
      %lt3A_551 = arith.cmpi slt, %add3A_535, %mul3A_550 : vector<16xi32>
      %mul3A_552 = arith.constant 256 : i32
      %mul3A_553 = vector.broadcast %mul3A_552 : i32 to vector<16xi32>
      %mul3A_554 = arith.muli %select_n3A_409, %mul3A_553 : vector<16xi32>
      %gt3A = arith.cmpi sgt, %add3A_544, %mul3A_554 : vector<16xi32>
      %and3A_555 = arith.andi %lt3A_551, %gt3A : vector<16xi1>
      %jit3A_556 = arith.constant 1 : i32
      %jit3A_557 = arith.constant 0 : i32
      %broadcast_in_dim3A_558 = vector.broadcast %jit3A_556 : i32 to vector<16xi32>
      %broadcast_in_dim3A_559 = vector.broadcast %jit3A_557 : i32 to vector<16xi32>
      %select_n3A_560 = arith.select %and3A_555, %broadcast_in_dim3A_558, %broadcast_in_dim3A_559 : vector<16xi1>, vector<16xi32>
      %broadcast_in_dim3A_561 = arith.constant true
      %broadcast_in_dim3A_562 = vector.broadcast %broadcast_in_dim3A_561 : i1 to vector<16xi1>
      %masked_cumsum3A_563 = tpu.scan <sum>, %select_n3A_560 masked %broadcast_in_dim3A_562 : vector<16xi32>, vector<16xi1> -> vector<16xi32>
      %sub3A_564 = arith.subi %masked_cumsum3A_563, %select_n3A_560 : vector<16xi32>
      %add3A_565 = arith.constant 0 : i32
      %add3A_566 = vector.broadcast %add3A_565 : i32 to vector<16xi32>
      %add3A_567 = arith.addi %sub3A_564, %add3A_566 : vector<16xi32>
      %mul3A_568 = arith.constant 256 : i32
      %mul3A_569 = vector.broadcast %mul3A_568 : i32 to vector<16xi32>
      %mul3A_570 = arith.muli %select_n3A_409, %mul3A_569 : vector<16xi32>
      %sub3A_571 = arith.subi %add3A_535, %mul3A_570 : vector<16xi32>
      %max3A = arith.constant 0 : i32
      %max3A_572 = vector.broadcast %max3A : i32 to vector<16xi32>
      %max3A_573 = arith.maxsi %sub3A_571, %max3A_572 : vector<16xi32>
      %mul3A_574 = arith.constant 256 : i32
      %mul3A_575 = vector.broadcast %mul3A_574 : i32 to vector<16xi32>
      %mul3A_576 = arith.muli %select_n3A_409, %mul3A_575 : vector<16xi32>
      %sub3A_577 = arith.subi %add3A_544, %mul3A_576 : vector<16xi32>
      %min3A = arith.constant 256 : i32
      %min3A_578 = vector.broadcast %min3A : i32 to vector<16xi32>
      %min3A_579 = arith.minsi %sub3A_577, %min3A_578 : vector<16xi32>
      tpu.vector_store_idx %arg12[%add3A_567], %select_n3A_409 masked %and3A_555 : memref<16xi32, #tpu.memory_space<vmem>>[vector<16xi32>], vector<16xi32>, vector<16xi1>
      tpu.vector_store_idx %arg13[%add3A_567], %select_n3A_431 masked %and3A_555 : memref<16xi32, #tpu.memory_space<vmem>>[vector<16xi32>], vector<16xi32>, vector<16xi1>
      tpu.vector_store_idx %arg14[%add3A_567], %max3A_573 masked %and3A_555 : memref<16xi32, #tpu.memory_space<vmem>>[vector<16xi32>], vector<16xi32>, vector<16xi1>
      tpu.vector_store_idx %arg15[%add3A_567], %min3A_579 masked %and3A_555 : memref<16xi32, #tpu.memory_space<vmem>>[vector<16xi32>], vector<16xi32>, vector<16xi1>
      %eq3A_580 = arith.constant 0 : i32
      %eq3A_581 = vector.broadcast %eq3A_580 : i32 to vector<16xi32>
      %eq3A_582 = arith.cmpi eq, %max3A_573, %eq3A_581 : vector<16xi32>
      %jit3A_583 = arith.constant 1 : i32
      %jit3A_584 = arith.constant 0 : i32
      %broadcast_in_dim3A_585 = vector.broadcast %jit3A_583 : i32 to vector<16xi32>
      %broadcast_in_dim3A_586 = vector.broadcast %jit3A_584 : i32 to vector<16xi32>
      %select_n3A_587 = arith.select %eq3A_582, %broadcast_in_dim3A_585, %broadcast_in_dim3A_586 : vector<16xi1>, vector<16xi32>
      tpu.vector_store_idx %arg16[%add3A_567], %select_n3A_587 masked %and3A_555 : memref<16xi32, #tpu.memory_space<vmem>>[vector<16xi32>], vector<16xi32>, vector<16xi1>
      %reduce_sum3A_588 = arith.constant true
      %reduce_sum3A_589 = vector.broadcast %reduce_sum3A_588 : i1 to vector<16xi1>
      %reduce_sum3A_590 = tpu.scan <sum>, %select_n3A_560 masked %reduce_sum3A_589 : vector<16xi32>, vector<16xi1> -> vector<16xi32>
      %reduce_sum3A_591 = vector.extract %reduce_sum3A_590[15] : i32 from vector<16xi32>
      %add3A_592 = arith.constant 0 : i32
      %add3A_593 = arith.addi %add3A_592, %reduce_sum3A_591 : i32
      %add3A_594 = arith.constant 16 : i32
      %add3A_595 = vector.broadcast %add3A_594 : i32 to vector<16xi32>
      %add3A_596 = arith.addi %iota3A, %add3A_595 : vector<16xi32>
      %jit3A_597 = arith.constant 7 : i32
      %div3A_598 = vector.broadcast %jit3A_597 : i32 to vector<16xi32>
      %div3A_599 = arith.divsi %add3A_596, %div3A_598 : vector<16xi32>
      %sign3A_600 = arith.constant 0 : i32
      %sign3A_601 = vector.broadcast %sign3A_600 : i32 to vector<16xi32>
      %sign3A_602 = arith.cmpi sgt, %add3A_596, %sign3A_601 : vector<16xi32>
      %sign3A_603 = arith.extui %sign3A_602 : vector<16xi1> to vector<16xi32>
      %sign3A_604 = arith.constant 0 : i32
      %sign3A_605 = vector.broadcast %sign3A_604 : i32 to vector<16xi32>
      %sign3A_606 = arith.cmpi slt, %add3A_596, %sign3A_605 : vector<16xi32>
      %sign3A_607 = arith.extui %sign3A_606 : vector<16xi1> to vector<16xi32>
      %sign3A_608 = arith.subi %sign3A_603, %sign3A_607 : vector<16xi32>
      %sign3A_609 = arith.constant 0 : i32
      %sign3A_610 = arith.cmpi sgt, %jit3A_597, %sign3A_609 : i32
      %sign3A_611 = arith.extui %sign3A_610 : i1 to i32
      %sign3A_612 = arith.constant 0 : i32
      %sign3A_613 = arith.cmpi slt, %jit3A_597, %sign3A_612 : i32
      %sign3A_614 = arith.extui %sign3A_613 : i1 to i32
      %sign3A_615 = arith.subi %sign3A_611, %sign3A_614 : i32
      %ne3A_616 = vector.broadcast %sign3A_615 : i32 to vector<16xi32>
      %ne3A_617 = arith.cmpi ne, %sign3A_608, %ne3A_616 : vector<16xi32>
      %rem3A_618 = vector.broadcast %jit3A_597 : i32 to vector<16xi32>
      %rem3A_619 = arith.remsi %add3A_596, %rem3A_618 : vector<16xi32>
      %ne3A_620 = arith.constant 0 : i32
      %ne3A_621 = vector.broadcast %ne3A_620 : i32 to vector<16xi32>
      %ne3A_622 = arith.cmpi ne, %rem3A_619, %ne3A_621 : vector<16xi32>
      %and3A_623 = arith.andi %ne3A_617, %ne3A_622 : vector<16xi1>
      %sub3A_624 = arith.constant 1 : i32
      %sub3A_625 = vector.broadcast %sub3A_624 : i32 to vector<16xi32>
      %sub3A_626 = arith.subi %div3A_599, %sub3A_625 : vector<16xi32>
      %select_n3A_627 = arith.select %and3A_623, %sub3A_626, %div3A_599 : vector<16xi1>, vector<16xi32>
      %jit3A_628 = arith.constant 7 : i32
      %eq3A_629 = arith.constant 0 : i32
      %eq3A_630 = arith.cmpi eq, %jit3A_628, %eq3A_629 : i32
      %jit3A_631 = arith.constant 1 : i32
      %select_n3A_632 = arith.select %eq3A_630, %jit3A_631, %jit3A_628 : i32
      %rem3A_633 = vector.broadcast %select_n3A_632 : i32 to vector<16xi32>
      %rem3A_634 = arith.remsi %add3A_596, %rem3A_633 : vector<16xi32>
      %ne3A_635 = arith.constant 0 : i32
      %ne3A_636 = vector.broadcast %ne3A_635 : i32 to vector<16xi32>
      %ne3A_637 = arith.cmpi ne, %rem3A_634, %ne3A_636 : vector<16xi32>
      %lt3A_638 = arith.constant 0 : i32
      %lt3A_639 = vector.broadcast %lt3A_638 : i32 to vector<16xi32>
      %lt3A_640 = arith.cmpi slt, %rem3A_634, %lt3A_639 : vector<16xi32>
      %lt3A_641 = arith.constant 0 : i32
      %lt3A_642 = arith.cmpi slt, %select_n3A_632, %lt3A_641 : i32
      %ne3A_643 = vector.broadcast %lt3A_642 : i1 to vector<16xi1>
      %ne3A_644 = vector.broadcast %ne3A_643 : vector<16xi1> to vector<16xi1>
      %ne3A_645 = arith.xori %lt3A_640, %ne3A_644 : vector<16xi1>
      %and3A_646 = arith.andi %ne3A_645, %ne3A_637 : vector<16xi1>
      %add3A_647 = vector.broadcast %select_n3A_632 : i32 to vector<16xi32>
      %add3A_648 = arith.addi %rem3A_634, %add3A_647 : vector<16xi32>
      %select_n3A_649 = arith.select %and3A_646, %add3A_648, %rem3A_634 : vector<16xi1>, vector<16xi32>
      %eq3A_650 = arith.constant 0 : i32
      %eq3A_651 = vector.broadcast %eq3A_650 : i32 to vector<16xi32>
      %eq3A_652 = arith.cmpi eq, %select_n3A_649, %eq3A_651 : vector<16xi32>
      %jit3A_653 = arith.constant 0 : i32
      %broadcast_in_dim3A_654 = vector.broadcast %reduce_sum3A_333 : i32 to vector<16xi32>
      %broadcast_in_dim3A_655 = vector.broadcast %jit3A_653 : i32 to vector<16xi32>
      %select_n3A_656 = arith.select %eq3A_652, %broadcast_in_dim3A_654, %broadcast_in_dim3A_655 : vector<16xi1>, vector<16xi32>
      %add3A_657 = arith.addi %broadcast_in_dim3A_1, %select_n3A_656 : vector<16xi32>
      %eq3A_658 = arith.constant 0 : i32
      %eq3A_659 = vector.broadcast %eq3A_658 : i32 to vector<16xi32>
      %eq3A_660 = arith.cmpi eq, %select_n3A_649, %eq3A_659 : vector<16xi32>
      %jit3A_661 = arith.constant 0 : i32
      %broadcast_in_dim3A_662 = vector.broadcast %reduce_sum3A_341 : i32 to vector<16xi32>
      %broadcast_in_dim3A_663 = vector.broadcast %jit3A_661 : i32 to vector<16xi32>
      %select_n3A_664 = arith.select %eq3A_660, %broadcast_in_dim3A_662, %broadcast_in_dim3A_663 : vector<16xi1>, vector<16xi32>
      %add3A_665 = arith.addi %broadcast_in_dim3A_1, %select_n3A_664 : vector<16xi32>
      %eq3A_666 = arith.constant 1 : i32
      %eq3A_667 = vector.broadcast %eq3A_666 : i32 to vector<16xi32>
      %eq3A_668 = arith.cmpi eq, %select_n3A_649, %eq3A_667 : vector<16xi32>
      %jit3A_669 = arith.constant 0 : i32
      %broadcast_in_dim3A_670 = vector.broadcast %reduce_sum3A_341 : i32 to vector<16xi32>
      %broadcast_in_dim3A_671 = vector.broadcast %jit3A_669 : i32 to vector<16xi32>
      %select_n3A_672 = arith.select %eq3A_668, %broadcast_in_dim3A_670, %broadcast_in_dim3A_671 : vector<16xi1>, vector<16xi32>
      %add3A_673 = arith.addi %add3A_657, %select_n3A_672 : vector<16xi32>
      %eq3A_674 = arith.constant 1 : i32
      %eq3A_675 = vector.broadcast %eq3A_674 : i32 to vector<16xi32>
      %eq3A_676 = arith.cmpi eq, %select_n3A_649, %eq3A_675 : vector<16xi32>
      %jit3A_677 = arith.constant 0 : i32
      %broadcast_in_dim3A_678 = vector.broadcast %reduce_sum3A_349 : i32 to vector<16xi32>
      %broadcast_in_dim3A_679 = vector.broadcast %jit3A_677 : i32 to vector<16xi32>
      %select_n3A_680 = arith.select %eq3A_676, %broadcast_in_dim3A_678, %broadcast_in_dim3A_679 : vector<16xi1>, vector<16xi32>
      %add3A_681 = arith.addi %add3A_665, %select_n3A_680 : vector<16xi32>
      %eq3A_682 = arith.constant 2 : i32
      %eq3A_683 = vector.broadcast %eq3A_682 : i32 to vector<16xi32>
      %eq3A_684 = arith.cmpi eq, %select_n3A_649, %eq3A_683 : vector<16xi32>
      %jit3A_685 = arith.constant 0 : i32
      %broadcast_in_dim3A_686 = vector.broadcast %reduce_sum3A_349 : i32 to vector<16xi32>
      %broadcast_in_dim3A_687 = vector.broadcast %jit3A_685 : i32 to vector<16xi32>
      %select_n3A_688 = arith.select %eq3A_684, %broadcast_in_dim3A_686, %broadcast_in_dim3A_687 : vector<16xi1>, vector<16xi32>
      %add3A_689 = arith.addi %add3A_673, %select_n3A_688 : vector<16xi32>
      %eq3A_690 = arith.constant 2 : i32
      %eq3A_691 = vector.broadcast %eq3A_690 : i32 to vector<16xi32>
      %eq3A_692 = arith.cmpi eq, %select_n3A_649, %eq3A_691 : vector<16xi32>
      %jit3A_693 = arith.constant 0 : i32
      %broadcast_in_dim3A_694 = vector.broadcast %reduce_sum3A_357 : i32 to vector<16xi32>
      %broadcast_in_dim3A_695 = vector.broadcast %jit3A_693 : i32 to vector<16xi32>
      %select_n3A_696 = arith.select %eq3A_692, %broadcast_in_dim3A_694, %broadcast_in_dim3A_695 : vector<16xi1>, vector<16xi32>
      %add3A_697 = arith.addi %add3A_681, %select_n3A_696 : vector<16xi32>
      %eq3A_698 = arith.constant 3 : i32
      %eq3A_699 = vector.broadcast %eq3A_698 : i32 to vector<16xi32>
      %eq3A_700 = arith.cmpi eq, %select_n3A_649, %eq3A_699 : vector<16xi32>
      %jit3A_701 = arith.constant 0 : i32
      %broadcast_in_dim3A_702 = vector.broadcast %reduce_sum3A_357 : i32 to vector<16xi32>
      %broadcast_in_dim3A_703 = vector.broadcast %jit3A_701 : i32 to vector<16xi32>
      %select_n3A_704 = arith.select %eq3A_700, %broadcast_in_dim3A_702, %broadcast_in_dim3A_703 : vector<16xi1>, vector<16xi32>
      %add3A_705 = arith.addi %add3A_689, %select_n3A_704 : vector<16xi32>
      %eq3A_706 = arith.constant 3 : i32
      %eq3A_707 = vector.broadcast %eq3A_706 : i32 to vector<16xi32>
      %eq3A_708 = arith.cmpi eq, %select_n3A_649, %eq3A_707 : vector<16xi32>
      %jit3A_709 = arith.constant 0 : i32
      %broadcast_in_dim3A_710 = vector.broadcast %reduce_sum3A_365 : i32 to vector<16xi32>
      %broadcast_in_dim3A_711 = vector.broadcast %jit3A_709 : i32 to vector<16xi32>
      %select_n3A_712 = arith.select %eq3A_708, %broadcast_in_dim3A_710, %broadcast_in_dim3A_711 : vector<16xi1>, vector<16xi32>
      %add3A_713 = arith.addi %add3A_697, %select_n3A_712 : vector<16xi32>
      %eq3A_714 = arith.constant 4 : i32
      %eq3A_715 = vector.broadcast %eq3A_714 : i32 to vector<16xi32>
      %eq3A_716 = arith.cmpi eq, %select_n3A_649, %eq3A_715 : vector<16xi32>
      %jit3A_717 = arith.constant 0 : i32
      %broadcast_in_dim3A_718 = vector.broadcast %reduce_sum3A_365 : i32 to vector<16xi32>
      %broadcast_in_dim3A_719 = vector.broadcast %jit3A_717 : i32 to vector<16xi32>
      %select_n3A_720 = arith.select %eq3A_716, %broadcast_in_dim3A_718, %broadcast_in_dim3A_719 : vector<16xi1>, vector<16xi32>
      %add3A_721 = arith.addi %add3A_705, %select_n3A_720 : vector<16xi32>
      %eq3A_722 = arith.constant 4 : i32
      %eq3A_723 = vector.broadcast %eq3A_722 : i32 to vector<16xi32>
      %eq3A_724 = arith.cmpi eq, %select_n3A_649, %eq3A_723 : vector<16xi32>
      %jit3A_725 = arith.constant 0 : i32
      %broadcast_in_dim3A_726 = vector.broadcast %reduce_sum3A_373 : i32 to vector<16xi32>
      %broadcast_in_dim3A_727 = vector.broadcast %jit3A_725 : i32 to vector<16xi32>
      %select_n3A_728 = arith.select %eq3A_724, %broadcast_in_dim3A_726, %broadcast_in_dim3A_727 : vector<16xi1>, vector<16xi32>
      %add3A_729 = arith.addi %add3A_713, %select_n3A_728 : vector<16xi32>
      %eq3A_730 = arith.constant 5 : i32
      %eq3A_731 = vector.broadcast %eq3A_730 : i32 to vector<16xi32>
      %eq3A_732 = arith.cmpi eq, %select_n3A_649, %eq3A_731 : vector<16xi32>
      %jit3A_733 = arith.constant 0 : i32
      %broadcast_in_dim3A_734 = vector.broadcast %reduce_sum3A_373 : i32 to vector<16xi32>
      %broadcast_in_dim3A_735 = vector.broadcast %jit3A_733 : i32 to vector<16xi32>
      %select_n3A_736 = arith.select %eq3A_732, %broadcast_in_dim3A_734, %broadcast_in_dim3A_735 : vector<16xi1>, vector<16xi32>
      %add3A_737 = arith.addi %add3A_721, %select_n3A_736 : vector<16xi32>
      %eq3A_738 = arith.constant 5 : i32
      %eq3A_739 = vector.broadcast %eq3A_738 : i32 to vector<16xi32>
      %eq3A_740 = arith.cmpi eq, %select_n3A_649, %eq3A_739 : vector<16xi32>
      %jit3A_741 = arith.constant 0 : i32
      %broadcast_in_dim3A_742 = vector.broadcast %reduce_sum3A_381 : i32 to vector<16xi32>
      %broadcast_in_dim3A_743 = vector.broadcast %jit3A_741 : i32 to vector<16xi32>
      %select_n3A_744 = arith.select %eq3A_740, %broadcast_in_dim3A_742, %broadcast_in_dim3A_743 : vector<16xi1>, vector<16xi32>
      %add3A_745 = arith.addi %add3A_729, %select_n3A_744 : vector<16xi32>
      %eq3A_746 = arith.constant 6 : i32
      %eq3A_747 = vector.broadcast %eq3A_746 : i32 to vector<16xi32>
      %eq3A_748 = arith.cmpi eq, %select_n3A_649, %eq3A_747 : vector<16xi32>
      %jit3A_749 = arith.constant 0 : i32
      %broadcast_in_dim3A_750 = vector.broadcast %reduce_sum3A_381 : i32 to vector<16xi32>
      %broadcast_in_dim3A_751 = vector.broadcast %jit3A_749 : i32 to vector<16xi32>
      %select_n3A_752 = arith.select %eq3A_748, %broadcast_in_dim3A_750, %broadcast_in_dim3A_751 : vector<16xi1>, vector<16xi32>
      %add3A_753 = arith.addi %add3A_737, %select_n3A_752 : vector<16xi32>
      %eq3A_754 = arith.constant 6 : i32
      %eq3A_755 = vector.broadcast %eq3A_754 : i32 to vector<16xi32>
      %eq3A_756 = arith.cmpi eq, %select_n3A_649, %eq3A_755 : vector<16xi32>
      %jit3A_757 = arith.constant 2048 : i32
      %jit3A_758 = arith.constant 0 : i32
      %broadcast_in_dim3A_759 = vector.broadcast %jit3A_757 : i32 to vector<16xi32>
      %broadcast_in_dim3A_760 = vector.broadcast %jit3A_758 : i32 to vector<16xi32>
      %select_n3A_761 = arith.select %eq3A_756, %broadcast_in_dim3A_759, %broadcast_in_dim3A_760 : vector<16xi1>, vector<16xi32>
      %add3A_762 = arith.addi %add3A_745, %select_n3A_761 : vector<16xi32>
      %add3A_763 = arith.constant 1 : i32
      %add3A_764 = vector.broadcast %add3A_763 : i32 to vector<16xi32>
      %add3A_765 = arith.addi %select_n3A_627, %add3A_764 : vector<16xi32>
      %mul3A_766 = arith.constant 256 : i32
      %mul3A_767 = vector.broadcast %mul3A_766 : i32 to vector<16xi32>
      %mul3A_768 = arith.muli %add3A_765, %mul3A_767 : vector<16xi32>
      %lt3A_769 = arith.cmpi slt, %add3A_753, %mul3A_768 : vector<16xi32>
      %mul3A_770 = arith.constant 256 : i32
      %mul3A_771 = vector.broadcast %mul3A_770 : i32 to vector<16xi32>
      %mul3A_772 = arith.muli %select_n3A_627, %mul3A_771 : vector<16xi32>
      %gt3A_773 = arith.cmpi sgt, %add3A_762, %mul3A_772 : vector<16xi32>
      %and3A_774 = arith.andi %lt3A_769, %gt3A_773 : vector<16xi1>
      %jit3A_775 = arith.constant 1 : i32
      %jit3A_776 = arith.constant 0 : i32
      %broadcast_in_dim3A_777 = vector.broadcast %jit3A_775 : i32 to vector<16xi32>
      %broadcast_in_dim3A_778 = vector.broadcast %jit3A_776 : i32 to vector<16xi32>
      %select_n3A_779 = arith.select %and3A_774, %broadcast_in_dim3A_777, %broadcast_in_dim3A_778 : vector<16xi1>, vector<16xi32>
      %broadcast_in_dim3A_780 = arith.constant true
      %broadcast_in_dim3A_781 = vector.broadcast %broadcast_in_dim3A_780 : i1 to vector<16xi1>
      %masked_cumsum3A_782 = tpu.scan <sum>, %select_n3A_779 masked %broadcast_in_dim3A_781 : vector<16xi32>, vector<16xi1> -> vector<16xi32>
      %sub3A_783 = arith.subi %masked_cumsum3A_782, %select_n3A_779 : vector<16xi32>
      %add3A_784 = vector.broadcast %add3A_593 : i32 to vector<16xi32>
      %add3A_785 = arith.addi %sub3A_783, %add3A_784 : vector<16xi32>
      %mul3A_786 = arith.constant 256 : i32
      %mul3A_787 = vector.broadcast %mul3A_786 : i32 to vector<16xi32>
      %mul3A_788 = arith.muli %select_n3A_627, %mul3A_787 : vector<16xi32>
      %sub3A_789 = arith.subi %add3A_753, %mul3A_788 : vector<16xi32>
      %max3A_790 = arith.constant 0 : i32
      %max3A_791 = vector.broadcast %max3A_790 : i32 to vector<16xi32>
      %max3A_792 = arith.maxsi %sub3A_789, %max3A_791 : vector<16xi32>
      %mul3A_793 = arith.constant 256 : i32
      %mul3A_794 = vector.broadcast %mul3A_793 : i32 to vector<16xi32>
      %mul3A_795 = arith.muli %select_n3A_627, %mul3A_794 : vector<16xi32>
      %sub3A_796 = arith.subi %add3A_762, %mul3A_795 : vector<16xi32>
      %min3A_797 = arith.constant 256 : i32
      %min3A_798 = vector.broadcast %min3A_797 : i32 to vector<16xi32>
      %min3A_799 = arith.minsi %sub3A_796, %min3A_798 : vector<16xi32>
      tpu.vector_store_idx %arg12[%add3A_785], %select_n3A_627 masked %and3A_774 : memref<16xi32, #tpu.memory_space<vmem>>[vector<16xi32>], vector<16xi32>, vector<16xi1>
      tpu.vector_store_idx %arg13[%add3A_785], %select_n3A_649 masked %and3A_774 : memref<16xi32, #tpu.memory_space<vmem>>[vector<16xi32>], vector<16xi32>, vector<16xi1>
      tpu.vector_store_idx %arg14[%add3A_785], %max3A_792 masked %and3A_774 : memref<16xi32, #tpu.memory_space<vmem>>[vector<16xi32>], vector<16xi32>, vector<16xi1>
      tpu.vector_store_idx %arg15[%add3A_785], %min3A_799 masked %and3A_774 : memref<16xi32, #tpu.memory_space<vmem>>[vector<16xi32>], vector<16xi32>, vector<16xi1>
      %eq3A_800 = arith.constant 0 : i32
      %eq3A_801 = vector.broadcast %eq3A_800 : i32 to vector<16xi32>
      %eq3A_802 = arith.cmpi eq, %max3A_792, %eq3A_801 : vector<16xi32>
      %jit3A_803 = arith.constant 1 : i32
      %jit3A_804 = arith.constant 0 : i32
      %broadcast_in_dim3A_805 = vector.broadcast %jit3A_803 : i32 to vector<16xi32>
      %broadcast_in_dim3A_806 = vector.broadcast %jit3A_804 : i32 to vector<16xi32>
      %select_n3A_807 = arith.select %eq3A_802, %broadcast_in_dim3A_805, %broadcast_in_dim3A_806 : vector<16xi1>, vector<16xi32>
      tpu.vector_store_idx %arg16[%add3A_785], %select_n3A_807 masked %and3A_774 : memref<16xi32, #tpu.memory_space<vmem>>[vector<16xi32>], vector<16xi32>, vector<16xi1>
      %reduce_sum3A_808 = arith.constant true
      %reduce_sum3A_809 = vector.broadcast %reduce_sum3A_808 : i1 to vector<16xi1>
      %reduce_sum3A_810 = tpu.scan <sum>, %select_n3A_779 masked %reduce_sum3A_809 : vector<16xi32>, vector<16xi1> -> vector<16xi32>
      %reduce_sum3A_811 = vector.extract %reduce_sum3A_810[15] : i32 from vector<16xi32>
      %add3A_812 = arith.addi %add3A_593, %reduce_sum3A_811 : i32
      %add3A_813 = arith.constant 32 : i32
      %add3A_814 = vector.broadcast %add3A_813 : i32 to vector<16xi32>
      %add3A_815 = arith.addi %iota3A, %add3A_814 : vector<16xi32>
      %jit3A_816 = arith.constant 7 : i32
      %div3A_817 = vector.broadcast %jit3A_816 : i32 to vector<16xi32>
      %div3A_818 = arith.divsi %add3A_815, %div3A_817 : vector<16xi32>
      %sign3A_819 = arith.constant 0 : i32
      %sign3A_820 = vector.broadcast %sign3A_819 : i32 to vector<16xi32>
      %sign3A_821 = arith.cmpi sgt, %add3A_815, %sign3A_820 : vector<16xi32>
      %sign3A_822 = arith.extui %sign3A_821 : vector<16xi1> to vector<16xi32>
      %sign3A_823 = arith.constant 0 : i32
      %sign3A_824 = vector.broadcast %sign3A_823 : i32 to vector<16xi32>
      %sign3A_825 = arith.cmpi slt, %add3A_815, %sign3A_824 : vector<16xi32>
      %sign3A_826 = arith.extui %sign3A_825 : vector<16xi1> to vector<16xi32>
      %sign3A_827 = arith.subi %sign3A_822, %sign3A_826 : vector<16xi32>
      %sign3A_828 = arith.constant 0 : i32
      %sign3A_829 = arith.cmpi sgt, %jit3A_816, %sign3A_828 : i32
      %sign3A_830 = arith.extui %sign3A_829 : i1 to i32
      %sign3A_831 = arith.constant 0 : i32
      %sign3A_832 = arith.cmpi slt, %jit3A_816, %sign3A_831 : i32
      %sign3A_833 = arith.extui %sign3A_832 : i1 to i32
      %sign3A_834 = arith.subi %sign3A_830, %sign3A_833 : i32
      %ne3A_835 = vector.broadcast %sign3A_834 : i32 to vector<16xi32>
      %ne3A_836 = arith.cmpi ne, %sign3A_827, %ne3A_835 : vector<16xi32>
      %rem3A_837 = vector.broadcast %jit3A_816 : i32 to vector<16xi32>
      %rem3A_838 = arith.remsi %add3A_815, %rem3A_837 : vector<16xi32>
      %ne3A_839 = arith.constant 0 : i32
      %ne3A_840 = vector.broadcast %ne3A_839 : i32 to vector<16xi32>
      %ne3A_841 = arith.cmpi ne, %rem3A_838, %ne3A_840 : vector<16xi32>
      %and3A_842 = arith.andi %ne3A_836, %ne3A_841 : vector<16xi1>
      %sub3A_843 = arith.constant 1 : i32
      %sub3A_844 = vector.broadcast %sub3A_843 : i32 to vector<16xi32>
      %sub3A_845 = arith.subi %div3A_818, %sub3A_844 : vector<16xi32>
      %select_n3A_846 = arith.select %and3A_842, %sub3A_845, %div3A_818 : vector<16xi1>, vector<16xi32>
      %jit3A_847 = arith.constant 7 : i32
      %eq3A_848 = arith.constant 0 : i32
      %eq3A_849 = arith.cmpi eq, %jit3A_847, %eq3A_848 : i32
      %jit3A_850 = arith.constant 1 : i32
      %select_n3A_851 = arith.select %eq3A_849, %jit3A_850, %jit3A_847 : i32
      %rem3A_852 = vector.broadcast %select_n3A_851 : i32 to vector<16xi32>
      %rem3A_853 = arith.remsi %add3A_815, %rem3A_852 : vector<16xi32>
      %ne3A_854 = arith.constant 0 : i32
      %ne3A_855 = vector.broadcast %ne3A_854 : i32 to vector<16xi32>
      %ne3A_856 = arith.cmpi ne, %rem3A_853, %ne3A_855 : vector<16xi32>
      %lt3A_857 = arith.constant 0 : i32
      %lt3A_858 = vector.broadcast %lt3A_857 : i32 to vector<16xi32>
      %lt3A_859 = arith.cmpi slt, %rem3A_853, %lt3A_858 : vector<16xi32>
      %lt3A_860 = arith.constant 0 : i32
      %lt3A_861 = arith.cmpi slt, %select_n3A_851, %lt3A_860 : i32
      %ne3A_862 = vector.broadcast %lt3A_861 : i1 to vector<16xi1>
      %ne3A_863 = vector.broadcast %ne3A_862 : vector<16xi1> to vector<16xi1>
      %ne3A_864 = arith.xori %lt3A_859, %ne3A_863 : vector<16xi1>
      %and3A_865 = arith.andi %ne3A_864, %ne3A_856 : vector<16xi1>
      %add3A_866 = vector.broadcast %select_n3A_851 : i32 to vector<16xi32>
      %add3A_867 = arith.addi %rem3A_853, %add3A_866 : vector<16xi32>
      %select_n3A_868 = arith.select %and3A_865, %add3A_867, %rem3A_853 : vector<16xi1>, vector<16xi32>
      %eq3A_869 = arith.constant 0 : i32
      %eq3A_870 = vector.broadcast %eq3A_869 : i32 to vector<16xi32>
      %eq3A_871 = arith.cmpi eq, %select_n3A_868, %eq3A_870 : vector<16xi32>
      %jit3A_872 = arith.constant 0 : i32
      %broadcast_in_dim3A_873 = vector.broadcast %reduce_sum3A_333 : i32 to vector<16xi32>
      %broadcast_in_dim3A_874 = vector.broadcast %jit3A_872 : i32 to vector<16xi32>
      %select_n3A_875 = arith.select %eq3A_871, %broadcast_in_dim3A_873, %broadcast_in_dim3A_874 : vector<16xi1>, vector<16xi32>
      %add3A_876 = arith.addi %broadcast_in_dim3A_1, %select_n3A_875 : vector<16xi32>
      %eq3A_877 = arith.constant 0 : i32
      %eq3A_878 = vector.broadcast %eq3A_877 : i32 to vector<16xi32>
      %eq3A_879 = arith.cmpi eq, %select_n3A_868, %eq3A_878 : vector<16xi32>
      %jit3A_880 = arith.constant 0 : i32
      %broadcast_in_dim3A_881 = vector.broadcast %reduce_sum3A_341 : i32 to vector<16xi32>
      %broadcast_in_dim3A_882 = vector.broadcast %jit3A_880 : i32 to vector<16xi32>
      %select_n3A_883 = arith.select %eq3A_879, %broadcast_in_dim3A_881, %broadcast_in_dim3A_882 : vector<16xi1>, vector<16xi32>
      %add3A_884 = arith.addi %broadcast_in_dim3A_1, %select_n3A_883 : vector<16xi32>
      %eq3A_885 = arith.constant 1 : i32
      %eq3A_886 = vector.broadcast %eq3A_885 : i32 to vector<16xi32>
      %eq3A_887 = arith.cmpi eq, %select_n3A_868, %eq3A_886 : vector<16xi32>
      %jit3A_888 = arith.constant 0 : i32
      %broadcast_in_dim3A_889 = vector.broadcast %reduce_sum3A_341 : i32 to vector<16xi32>
      %broadcast_in_dim3A_890 = vector.broadcast %jit3A_888 : i32 to vector<16xi32>
      %select_n3A_891 = arith.select %eq3A_887, %broadcast_in_dim3A_889, %broadcast_in_dim3A_890 : vector<16xi1>, vector<16xi32>
      %add3A_892 = arith.addi %add3A_876, %select_n3A_891 : vector<16xi32>
      %eq3A_893 = arith.constant 1 : i32
      %eq3A_894 = vector.broadcast %eq3A_893 : i32 to vector<16xi32>
      %eq3A_895 = arith.cmpi eq, %select_n3A_868, %eq3A_894 : vector<16xi32>
      %jit3A_896 = arith.constant 0 : i32
      %broadcast_in_dim3A_897 = vector.broadcast %reduce_sum3A_349 : i32 to vector<16xi32>
      %broadcast_in_dim3A_898 = vector.broadcast %jit3A_896 : i32 to vector<16xi32>
      %select_n3A_899 = arith.select %eq3A_895, %broadcast_in_dim3A_897, %broadcast_in_dim3A_898 : vector<16xi1>, vector<16xi32>
      %add3A_900 = arith.addi %add3A_884, %select_n3A_899 : vector<16xi32>
      %eq3A_901 = arith.constant 2 : i32
      %eq3A_902 = vector.broadcast %eq3A_901 : i32 to vector<16xi32>
      %eq3A_903 = arith.cmpi eq, %select_n3A_868, %eq3A_902 : vector<16xi32>
      %jit3A_904 = arith.constant 0 : i32
      %broadcast_in_dim3A_905 = vector.broadcast %reduce_sum3A_349 : i32 to vector<16xi32>
      %broadcast_in_dim3A_906 = vector.broadcast %jit3A_904 : i32 to vector<16xi32>
      %select_n3A_907 = arith.select %eq3A_903, %broadcast_in_dim3A_905, %broadcast_in_dim3A_906 : vector<16xi1>, vector<16xi32>
      %add3A_908 = arith.addi %add3A_892, %select_n3A_907 : vector<16xi32>
      %eq3A_909 = arith.constant 2 : i32
      %eq3A_910 = vector.broadcast %eq3A_909 : i32 to vector<16xi32>
      %eq3A_911 = arith.cmpi eq, %select_n3A_868, %eq3A_910 : vector<16xi32>
      %jit3A_912 = arith.constant 0 : i32
      %broadcast_in_dim3A_913 = vector.broadcast %reduce_sum3A_357 : i32 to vector<16xi32>
      %broadcast_in_dim3A_914 = vector.broadcast %jit3A_912 : i32 to vector<16xi32>
      %select_n3A_915 = arith.select %eq3A_911, %broadcast_in_dim3A_913, %broadcast_in_dim3A_914 : vector<16xi1>, vector<16xi32>
      %add3A_916 = arith.addi %add3A_900, %select_n3A_915 : vector<16xi32>
      %eq3A_917 = arith.constant 3 : i32
      %eq3A_918 = vector.broadcast %eq3A_917 : i32 to vector<16xi32>
      %eq3A_919 = arith.cmpi eq, %select_n3A_868, %eq3A_918 : vector<16xi32>
      %jit3A_920 = arith.constant 0 : i32
      %broadcast_in_dim3A_921 = vector.broadcast %reduce_sum3A_357 : i32 to vector<16xi32>
      %broadcast_in_dim3A_922 = vector.broadcast %jit3A_920 : i32 to vector<16xi32>
      %select_n3A_923 = arith.select %eq3A_919, %broadcast_in_dim3A_921, %broadcast_in_dim3A_922 : vector<16xi1>, vector<16xi32>
      %add3A_924 = arith.addi %add3A_908, %select_n3A_923 : vector<16xi32>
      %eq3A_925 = arith.constant 3 : i32
      %eq3A_926 = vector.broadcast %eq3A_925 : i32 to vector<16xi32>
      %eq3A_927 = arith.cmpi eq, %select_n3A_868, %eq3A_926 : vector<16xi32>
      %jit3A_928 = arith.constant 0 : i32
      %broadcast_in_dim3A_929 = vector.broadcast %reduce_sum3A_365 : i32 to vector<16xi32>
      %broadcast_in_dim3A_930 = vector.broadcast %jit3A_928 : i32 to vector<16xi32>
      %select_n3A_931 = arith.select %eq3A_927, %broadcast_in_dim3A_929, %broadcast_in_dim3A_930 : vector<16xi1>, vector<16xi32>
      %add3A_932 = arith.addi %add3A_916, %select_n3A_931 : vector<16xi32>
      %eq3A_933 = arith.constant 4 : i32
      %eq3A_934 = vector.broadcast %eq3A_933 : i32 to vector<16xi32>
      %eq3A_935 = arith.cmpi eq, %select_n3A_868, %eq3A_934 : vector<16xi32>
      %jit3A_936 = arith.constant 0 : i32
      %broadcast_in_dim3A_937 = vector.broadcast %reduce_sum3A_365 : i32 to vector<16xi32>
      %broadcast_in_dim3A_938 = vector.broadcast %jit3A_936 : i32 to vector<16xi32>
      %select_n3A_939 = arith.select %eq3A_935, %broadcast_in_dim3A_937, %broadcast_in_dim3A_938 : vector<16xi1>, vector<16xi32>
      %add3A_940 = arith.addi %add3A_924, %select_n3A_939 : vector<16xi32>
      %eq3A_941 = arith.constant 4 : i32
      %eq3A_942 = vector.broadcast %eq3A_941 : i32 to vector<16xi32>
      %eq3A_943 = arith.cmpi eq, %select_n3A_868, %eq3A_942 : vector<16xi32>
      %jit3A_944 = arith.constant 0 : i32
      %broadcast_in_dim3A_945 = vector.broadcast %reduce_sum3A_373 : i32 to vector<16xi32>
      %broadcast_in_dim3A_946 = vector.broadcast %jit3A_944 : i32 to vector<16xi32>
      %select_n3A_947 = arith.select %eq3A_943, %broadcast_in_dim3A_945, %broadcast_in_dim3A_946 : vector<16xi1>, vector<16xi32>
      %add3A_948 = arith.addi %add3A_932, %select_n3A_947 : vector<16xi32>
      %eq3A_949 = arith.constant 5 : i32
      %eq3A_950 = vector.broadcast %eq3A_949 : i32 to vector<16xi32>
      %eq3A_951 = arith.cmpi eq, %select_n3A_868, %eq3A_950 : vector<16xi32>
      %jit3A_952 = arith.constant 0 : i32
      %broadcast_in_dim3A_953 = vector.broadcast %reduce_sum3A_373 : i32 to vector<16xi32>
      %broadcast_in_dim3A_954 = vector.broadcast %jit3A_952 : i32 to vector<16xi32>
      %select_n3A_955 = arith.select %eq3A_951, %broadcast_in_dim3A_953, %broadcast_in_dim3A_954 : vector<16xi1>, vector<16xi32>
      %add3A_956 = arith.addi %add3A_940, %select_n3A_955 : vector<16xi32>
      %eq3A_957 = arith.constant 5 : i32
      %eq3A_958 = vector.broadcast %eq3A_957 : i32 to vector<16xi32>
      %eq3A_959 = arith.cmpi eq, %select_n3A_868, %eq3A_958 : vector<16xi32>
      %jit3A_960 = arith.constant 0 : i32
      %broadcast_in_dim3A_961 = vector.broadcast %reduce_sum3A_381 : i32 to vector<16xi32>
      %broadcast_in_dim3A_962 = vector.broadcast %jit3A_960 : i32 to vector<16xi32>
      %select_n3A_963 = arith.select %eq3A_959, %broadcast_in_dim3A_961, %broadcast_in_dim3A_962 : vector<16xi1>, vector<16xi32>
      %add3A_964 = arith.addi %add3A_948, %select_n3A_963 : vector<16xi32>
      %eq3A_965 = arith.constant 6 : i32
      %eq3A_966 = vector.broadcast %eq3A_965 : i32 to vector<16xi32>
      %eq3A_967 = arith.cmpi eq, %select_n3A_868, %eq3A_966 : vector<16xi32>
      %jit3A_968 = arith.constant 0 : i32
      %broadcast_in_dim3A_969 = vector.broadcast %reduce_sum3A_381 : i32 to vector<16xi32>
      %broadcast_in_dim3A_970 = vector.broadcast %jit3A_968 : i32 to vector<16xi32>
      %select_n3A_971 = arith.select %eq3A_967, %broadcast_in_dim3A_969, %broadcast_in_dim3A_970 : vector<16xi1>, vector<16xi32>
      %add3A_972 = arith.addi %add3A_956, %select_n3A_971 : vector<16xi32>
      %eq3A_973 = arith.constant 6 : i32
      %eq3A_974 = vector.broadcast %eq3A_973 : i32 to vector<16xi32>
      %eq3A_975 = arith.cmpi eq, %select_n3A_868, %eq3A_974 : vector<16xi32>
      %jit3A_976 = arith.constant 2048 : i32
      %jit3A_977 = arith.constant 0 : i32
      %broadcast_in_dim3A_978 = vector.broadcast %jit3A_976 : i32 to vector<16xi32>
      %broadcast_in_dim3A_979 = vector.broadcast %jit3A_977 : i32 to vector<16xi32>
      %select_n3A_980 = arith.select %eq3A_975, %broadcast_in_dim3A_978, %broadcast_in_dim3A_979 : vector<16xi1>, vector<16xi32>
      %add3A_981 = arith.addi %add3A_964, %select_n3A_980 : vector<16xi32>
      %add3A_982 = arith.constant 1 : i32
      %add3A_983 = vector.broadcast %add3A_982 : i32 to vector<16xi32>
      %add3A_984 = arith.addi %select_n3A_846, %add3A_983 : vector<16xi32>
      %mul3A_985 = arith.constant 256 : i32
      %mul3A_986 = vector.broadcast %mul3A_985 : i32 to vector<16xi32>
      %mul3A_987 = arith.muli %add3A_984, %mul3A_986 : vector<16xi32>
      %lt3A_988 = arith.cmpi slt, %add3A_972, %mul3A_987 : vector<16xi32>
      %mul3A_989 = arith.constant 256 : i32
      %mul3A_990 = vector.broadcast %mul3A_989 : i32 to vector<16xi32>
      %mul3A_991 = arith.muli %select_n3A_846, %mul3A_990 : vector<16xi32>
      %gt3A_992 = arith.cmpi sgt, %add3A_981, %mul3A_991 : vector<16xi32>
      %and3A_993 = arith.andi %lt3A_988, %gt3A_992 : vector<16xi1>
      %jit3A_994 = arith.constant 1 : i32
      %jit3A_995 = arith.constant 0 : i32
      %broadcast_in_dim3A_996 = vector.broadcast %jit3A_994 : i32 to vector<16xi32>
      %broadcast_in_dim3A_997 = vector.broadcast %jit3A_995 : i32 to vector<16xi32>
      %select_n3A_998 = arith.select %and3A_993, %broadcast_in_dim3A_996, %broadcast_in_dim3A_997 : vector<16xi1>, vector<16xi32>
      %broadcast_in_dim3A_999 = arith.constant true
      %broadcast_in_dim3A_1000 = vector.broadcast %broadcast_in_dim3A_999 : i1 to vector<16xi1>
      %masked_cumsum3A_1001 = tpu.scan <sum>, %select_n3A_998 masked %broadcast_in_dim3A_1000 : vector<16xi32>, vector<16xi1> -> vector<16xi32>
      %sub3A_1002 = arith.subi %masked_cumsum3A_1001, %select_n3A_998 : vector<16xi32>
      %add3A_1003 = vector.broadcast %add3A_812 : i32 to vector<16xi32>
      %add3A_1004 = arith.addi %sub3A_1002, %add3A_1003 : vector<16xi32>
      %mul3A_1005 = arith.constant 256 : i32
      %mul3A_1006 = vector.broadcast %mul3A_1005 : i32 to vector<16xi32>
      %mul3A_1007 = arith.muli %select_n3A_846, %mul3A_1006 : vector<16xi32>
      %sub3A_1008 = arith.subi %add3A_972, %mul3A_1007 : vector<16xi32>
      %max3A_1009 = arith.constant 0 : i32
      %max3A_1010 = vector.broadcast %max3A_1009 : i32 to vector<16xi32>
      %max3A_1011 = arith.maxsi %sub3A_1008, %max3A_1010 : vector<16xi32>
      %mul3A_1012 = arith.constant 256 : i32
      %mul3A_1013 = vector.broadcast %mul3A_1012 : i32 to vector<16xi32>
      %mul3A_1014 = arith.muli %select_n3A_846, %mul3A_1013 : vector<16xi32>
      %sub3A_1015 = arith.subi %add3A_981, %mul3A_1014 : vector<16xi32>
      %min3A_1016 = arith.constant 256 : i32
      %min3A_1017 = vector.broadcast %min3A_1016 : i32 to vector<16xi32>
      %min3A_1018 = arith.minsi %sub3A_1015, %min3A_1017 : vector<16xi32>
      tpu.vector_store_idx %arg12[%add3A_1004], %select_n3A_846 masked %and3A_993 : memref<16xi32, #tpu.memory_space<vmem>>[vector<16xi32>], vector<16xi32>, vector<16xi1>
      tpu.vector_store_idx %arg13[%add3A_1004], %select_n3A_868 masked %and3A_993 : memref<16xi32, #tpu.memory_space<vmem>>[vector<16xi32>], vector<16xi32>, vector<16xi1>
      tpu.vector_store_idx %arg14[%add3A_1004], %max3A_1011 masked %and3A_993 : memref<16xi32, #tpu.memory_space<vmem>>[vector<16xi32>], vector<16xi32>, vector<16xi1>
      tpu.vector_store_idx %arg15[%add3A_1004], %min3A_1018 masked %and3A_993 : memref<16xi32, #tpu.memory_space<vmem>>[vector<16xi32>], vector<16xi32>, vector<16xi1>
      %eq3A_1019 = arith.constant 0 : i32
      %eq3A_1020 = vector.broadcast %eq3A_1019 : i32 to vector<16xi32>
      %eq3A_1021 = arith.cmpi eq, %max3A_1011, %eq3A_1020 : vector<16xi32>
      %jit3A_1022 = arith.constant 1 : i32
      %jit3A_1023 = arith.constant 0 : i32
      %broadcast_in_dim3A_1024 = vector.broadcast %jit3A_1022 : i32 to vector<16xi32>
      %broadcast_in_dim3A_1025 = vector.broadcast %jit3A_1023 : i32 to vector<16xi32>
      %select_n3A_1026 = arith.select %eq3A_1021, %broadcast_in_dim3A_1024, %broadcast_in_dim3A_1025 : vector<16xi1>, vector<16xi32>
      tpu.vector_store_idx %arg16[%add3A_1004], %select_n3A_1026 masked %and3A_993 : memref<16xi32, #tpu.memory_space<vmem>>[vector<16xi32>], vector<16xi32>, vector<16xi1>
      %reduce_sum3A_1027 = arith.constant true
      %reduce_sum3A_1028 = vector.broadcast %reduce_sum3A_1027 : i1 to vector<16xi1>
      %reduce_sum3A_1029 = tpu.scan <sum>, %select_n3A_998 masked %reduce_sum3A_1028 : vector<16xi32>, vector<16xi1> -> vector<16xi32>
      %reduce_sum3A_1030 = vector.extract %reduce_sum3A_1029[15] : i32 from vector<16xi32>
      %add3A_1031 = arith.addi %add3A_812, %reduce_sum3A_1030 : i32
      %add3A_1032 = arith.constant 48 : i32
      %add3A_1033 = vector.broadcast %add3A_1032 : i32 to vector<16xi32>
      %add3A_1034 = arith.addi %iota3A, %add3A_1033 : vector<16xi32>
      %jit3A_1035 = arith.constant 7 : i32
      %div3A_1036 = vector.broadcast %jit3A_1035 : i32 to vector<16xi32>
      %div3A_1037 = arith.divsi %add3A_1034, %div3A_1036 : vector<16xi32>
      %sign3A_1038 = arith.constant 0 : i32
      %sign3A_1039 = vector.broadcast %sign3A_1038 : i32 to vector<16xi32>
      %sign3A_1040 = arith.cmpi sgt, %add3A_1034, %sign3A_1039 : vector<16xi32>
      %sign3A_1041 = arith.extui %sign3A_1040 : vector<16xi1> to vector<16xi32>
      %sign3A_1042 = arith.constant 0 : i32
      %sign3A_1043 = vector.broadcast %sign3A_1042 : i32 to vector<16xi32>
      %sign3A_1044 = arith.cmpi slt, %add3A_1034, %sign3A_1043 : vector<16xi32>
      %sign3A_1045 = arith.extui %sign3A_1044 : vector<16xi1> to vector<16xi32>
      %sign3A_1046 = arith.subi %sign3A_1041, %sign3A_1045 : vector<16xi32>
      %sign3A_1047 = arith.constant 0 : i32
      %sign3A_1048 = arith.cmpi sgt, %jit3A_1035, %sign3A_1047 : i32
      %sign3A_1049 = arith.extui %sign3A_1048 : i1 to i32
      %sign3A_1050 = arith.constant 0 : i32
      %sign3A_1051 = arith.cmpi slt, %jit3A_1035, %sign3A_1050 : i32
      %sign3A_1052 = arith.extui %sign3A_1051 : i1 to i32
      %sign3A_1053 = arith.subi %sign3A_1049, %sign3A_1052 : i32
      %ne3A_1054 = vector.broadcast %sign3A_1053 : i32 to vector<16xi32>
      %ne3A_1055 = arith.cmpi ne, %sign3A_1046, %ne3A_1054 : vector<16xi32>
      %rem3A_1056 = vector.broadcast %jit3A_1035 : i32 to vector<16xi32>
      %rem3A_1057 = arith.remsi %add3A_1034, %rem3A_1056 : vector<16xi32>
      %ne3A_1058 = arith.constant 0 : i32
      %ne3A_1059 = vector.broadcast %ne3A_1058 : i32 to vector<16xi32>
      %ne3A_1060 = arith.cmpi ne, %rem3A_1057, %ne3A_1059 : vector<16xi32>
      %and3A_1061 = arith.andi %ne3A_1055, %ne3A_1060 : vector<16xi1>
      %sub3A_1062 = arith.constant 1 : i32
      %sub3A_1063 = vector.broadcast %sub3A_1062 : i32 to vector<16xi32>
      %sub3A_1064 = arith.subi %div3A_1037, %sub3A_1063 : vector<16xi32>
      %select_n3A_1065 = arith.select %and3A_1061, %sub3A_1064, %div3A_1037 : vector<16xi1>, vector<16xi32>
      %jit3A_1066 = arith.constant 7 : i32
      %eq3A_1067 = arith.constant 0 : i32
      %eq3A_1068 = arith.cmpi eq, %jit3A_1066, %eq3A_1067 : i32
      %jit3A_1069 = arith.constant 1 : i32
      %select_n3A_1070 = arith.select %eq3A_1068, %jit3A_1069, %jit3A_1066 : i32
      %rem3A_1071 = vector.broadcast %select_n3A_1070 : i32 to vector<16xi32>
      %rem3A_1072 = arith.remsi %add3A_1034, %rem3A_1071 : vector<16xi32>
      %ne3A_1073 = arith.constant 0 : i32
      %ne3A_1074 = vector.broadcast %ne3A_1073 : i32 to vector<16xi32>
      %ne3A_1075 = arith.cmpi ne, %rem3A_1072, %ne3A_1074 : vector<16xi32>
      %lt3A_1076 = arith.constant 0 : i32
      %lt3A_1077 = vector.broadcast %lt3A_1076 : i32 to vector<16xi32>
      %lt3A_1078 = arith.cmpi slt, %rem3A_1072, %lt3A_1077 : vector<16xi32>
      %lt3A_1079 = arith.constant 0 : i32
      %lt3A_1080 = arith.cmpi slt, %select_n3A_1070, %lt3A_1079 : i32
      %ne3A_1081 = vector.broadcast %lt3A_1080 : i1 to vector<16xi1>
      %ne3A_1082 = vector.broadcast %ne3A_1081 : vector<16xi1> to vector<16xi1>
      %ne3A_1083 = arith.xori %lt3A_1078, %ne3A_1082 : vector<16xi1>
      %and3A_1084 = arith.andi %ne3A_1083, %ne3A_1075 : vector<16xi1>
      %add3A_1085 = vector.broadcast %select_n3A_1070 : i32 to vector<16xi32>
      %add3A_1086 = arith.addi %rem3A_1072, %add3A_1085 : vector<16xi32>
      %select_n3A_1087 = arith.select %and3A_1084, %add3A_1086, %rem3A_1072 : vector<16xi1>, vector<16xi32>
      %eq3A_1088 = arith.constant 0 : i32
      %eq3A_1089 = vector.broadcast %eq3A_1088 : i32 to vector<16xi32>
      %eq3A_1090 = arith.cmpi eq, %select_n3A_1087, %eq3A_1089 : vector<16xi32>
      %jit3A_1091 = arith.constant 0 : i32
      %broadcast_in_dim3A_1092 = vector.broadcast %reduce_sum3A_333 : i32 to vector<16xi32>
      %broadcast_in_dim3A_1093 = vector.broadcast %jit3A_1091 : i32 to vector<16xi32>
      %select_n3A_1094 = arith.select %eq3A_1090, %broadcast_in_dim3A_1092, %broadcast_in_dim3A_1093 : vector<16xi1>, vector<16xi32>
      %add3A_1095 = arith.addi %broadcast_in_dim3A_1, %select_n3A_1094 : vector<16xi32>
      %eq3A_1096 = arith.constant 0 : i32
      %eq3A_1097 = vector.broadcast %eq3A_1096 : i32 to vector<16xi32>
      %eq3A_1098 = arith.cmpi eq, %select_n3A_1087, %eq3A_1097 : vector<16xi32>
      %jit3A_1099 = arith.constant 0 : i32
      %broadcast_in_dim3A_1100 = vector.broadcast %reduce_sum3A_341 : i32 to vector<16xi32>
      %broadcast_in_dim3A_1101 = vector.broadcast %jit3A_1099 : i32 to vector<16xi32>
      %select_n3A_1102 = arith.select %eq3A_1098, %broadcast_in_dim3A_1100, %broadcast_in_dim3A_1101 : vector<16xi1>, vector<16xi32>
      %add3A_1103 = arith.addi %broadcast_in_dim3A_1, %select_n3A_1102 : vector<16xi32>
      %eq3A_1104 = arith.constant 1 : i32
      %eq3A_1105 = vector.broadcast %eq3A_1104 : i32 to vector<16xi32>
      %eq3A_1106 = arith.cmpi eq, %select_n3A_1087, %eq3A_1105 : vector<16xi32>
      %jit3A_1107 = arith.constant 0 : i32
      %broadcast_in_dim3A_1108 = vector.broadcast %reduce_sum3A_341 : i32 to vector<16xi32>
      %broadcast_in_dim3A_1109 = vector.broadcast %jit3A_1107 : i32 to vector<16xi32>
      %select_n3A_1110 = arith.select %eq3A_1106, %broadcast_in_dim3A_1108, %broadcast_in_dim3A_1109 : vector<16xi1>, vector<16xi32>
      %add3A_1111 = arith.addi %add3A_1095, %select_n3A_1110 : vector<16xi32>
      %eq3A_1112 = arith.constant 1 : i32
      %eq3A_1113 = vector.broadcast %eq3A_1112 : i32 to vector<16xi32>
      %eq3A_1114 = arith.cmpi eq, %select_n3A_1087, %eq3A_1113 : vector<16xi32>
      %jit3A_1115 = arith.constant 0 : i32
      %broadcast_in_dim3A_1116 = vector.broadcast %reduce_sum3A_349 : i32 to vector<16xi32>
      %broadcast_in_dim3A_1117 = vector.broadcast %jit3A_1115 : i32 to vector<16xi32>
      %select_n3A_1118 = arith.select %eq3A_1114, %broadcast_in_dim3A_1116, %broadcast_in_dim3A_1117 : vector<16xi1>, vector<16xi32>
      %add3A_1119 = arith.addi %add3A_1103, %select_n3A_1118 : vector<16xi32>
      %eq3A_1120 = arith.constant 2 : i32
      %eq3A_1121 = vector.broadcast %eq3A_1120 : i32 to vector<16xi32>
      %eq3A_1122 = arith.cmpi eq, %select_n3A_1087, %eq3A_1121 : vector<16xi32>
      %jit3A_1123 = arith.constant 0 : i32
      %broadcast_in_dim3A_1124 = vector.broadcast %reduce_sum3A_349 : i32 to vector<16xi32>
      %broadcast_in_dim3A_1125 = vector.broadcast %jit3A_1123 : i32 to vector<16xi32>
      %select_n3A_1126 = arith.select %eq3A_1122, %broadcast_in_dim3A_1124, %broadcast_in_dim3A_1125 : vector<16xi1>, vector<16xi32>
      %add3A_1127 = arith.addi %add3A_1111, %select_n3A_1126 : vector<16xi32>
      %eq3A_1128 = arith.constant 2 : i32
      %eq3A_1129 = vector.broadcast %eq3A_1128 : i32 to vector<16xi32>
      %eq3A_1130 = arith.cmpi eq, %select_n3A_1087, %eq3A_1129 : vector<16xi32>
      %jit3A_1131 = arith.constant 0 : i32
      %broadcast_in_dim3A_1132 = vector.broadcast %reduce_sum3A_357 : i32 to vector<16xi32>
      %broadcast_in_dim3A_1133 = vector.broadcast %jit3A_1131 : i32 to vector<16xi32>
      %select_n3A_1134 = arith.select %eq3A_1130, %broadcast_in_dim3A_1132, %broadcast_in_dim3A_1133 : vector<16xi1>, vector<16xi32>
      %add3A_1135 = arith.addi %add3A_1119, %select_n3A_1134 : vector<16xi32>
      %eq3A_1136 = arith.constant 3 : i32
      %eq3A_1137 = vector.broadcast %eq3A_1136 : i32 to vector<16xi32>
      %eq3A_1138 = arith.cmpi eq, %select_n3A_1087, %eq3A_1137 : vector<16xi32>
      %jit3A_1139 = arith.constant 0 : i32
      %broadcast_in_dim3A_1140 = vector.broadcast %reduce_sum3A_357 : i32 to vector<16xi32>
      %broadcast_in_dim3A_1141 = vector.broadcast %jit3A_1139 : i32 to vector<16xi32>
      %select_n3A_1142 = arith.select %eq3A_1138, %broadcast_in_dim3A_1140, %broadcast_in_dim3A_1141 : vector<16xi1>, vector<16xi32>
      %add3A_1143 = arith.addi %add3A_1127, %select_n3A_1142 : vector<16xi32>
      %eq3A_1144 = arith.constant 3 : i32
      %eq3A_1145 = vector.broadcast %eq3A_1144 : i32 to vector<16xi32>
      %eq3A_1146 = arith.cmpi eq, %select_n3A_1087, %eq3A_1145 : vector<16xi32>
      %jit3A_1147 = arith.constant 0 : i32
      %broadcast_in_dim3A_1148 = vector.broadcast %reduce_sum3A_365 : i32 to vector<16xi32>
      %broadcast_in_dim3A_1149 = vector.broadcast %jit3A_1147 : i32 to vector<16xi32>
      %select_n3A_1150 = arith.select %eq3A_1146, %broadcast_in_dim3A_1148, %broadcast_in_dim3A_1149 : vector<16xi1>, vector<16xi32>
      %add3A_1151 = arith.addi %add3A_1135, %select_n3A_1150 : vector<16xi32>
      %eq3A_1152 = arith.constant 4 : i32
      %eq3A_1153 = vector.broadcast %eq3A_1152 : i32 to vector<16xi32>
      %eq3A_1154 = arith.cmpi eq, %select_n3A_1087, %eq3A_1153 : vector<16xi32>
      %jit3A_1155 = arith.constant 0 : i32
      %broadcast_in_dim3A_1156 = vector.broadcast %reduce_sum3A_365 : i32 to vector<16xi32>
      %broadcast_in_dim3A_1157 = vector.broadcast %jit3A_1155 : i32 to vector<16xi32>
      %select_n3A_1158 = arith.select %eq3A_1154, %broadcast_in_dim3A_1156, %broadcast_in_dim3A_1157 : vector<16xi1>, vector<16xi32>
      %add3A_1159 = arith.addi %add3A_1143, %select_n3A_1158 : vector<16xi32>
      %eq3A_1160 = arith.constant 4 : i32
      %eq3A_1161 = vector.broadcast %eq3A_1160 : i32 to vector<16xi32>
      %eq3A_1162 = arith.cmpi eq, %select_n3A_1087, %eq3A_1161 : vector<16xi32>
      %jit3A_1163 = arith.constant 0 : i32
      %broadcast_in_dim3A_1164 = vector.broadcast %reduce_sum3A_373 : i32 to vector<16xi32>
      %broadcast_in_dim3A_1165 = vector.broadcast %jit3A_1163 : i32 to vector<16xi32>
      %select_n3A_1166 = arith.select %eq3A_1162, %broadcast_in_dim3A_1164, %broadcast_in_dim3A_1165 : vector<16xi1>, vector<16xi32>
      %add3A_1167 = arith.addi %add3A_1151, %select_n3A_1166 : vector<16xi32>
      %eq3A_1168 = arith.constant 5 : i32
      %eq3A_1169 = vector.broadcast %eq3A_1168 : i32 to vector<16xi32>
      %eq3A_1170 = arith.cmpi eq, %select_n3A_1087, %eq3A_1169 : vector<16xi32>
      %jit3A_1171 = arith.constant 0 : i32
      %broadcast_in_dim3A_1172 = vector.broadcast %reduce_sum3A_373 : i32 to vector<16xi32>
      %broadcast_in_dim3A_1173 = vector.broadcast %jit3A_1171 : i32 to vector<16xi32>
      %select_n3A_1174 = arith.select %eq3A_1170, %broadcast_in_dim3A_1172, %broadcast_in_dim3A_1173 : vector<16xi1>, vector<16xi32>
      %add3A_1175 = arith.addi %add3A_1159, %select_n3A_1174 : vector<16xi32>
      %eq3A_1176 = arith.constant 5 : i32
      %eq3A_1177 = vector.broadcast %eq3A_1176 : i32 to vector<16xi32>
      %eq3A_1178 = arith.cmpi eq, %select_n3A_1087, %eq3A_1177 : vector<16xi32>
      %jit3A_1179 = arith.constant 0 : i32
      %broadcast_in_dim3A_1180 = vector.broadcast %reduce_sum3A_381 : i32 to vector<16xi32>
      %broadcast_in_dim3A_1181 = vector.broadcast %jit3A_1179 : i32 to vector<16xi32>
      %select_n3A_1182 = arith.select %eq3A_1178, %broadcast_in_dim3A_1180, %broadcast_in_dim3A_1181 : vector<16xi1>, vector<16xi32>
      %add3A_1183 = arith.addi %add3A_1167, %select_n3A_1182 : vector<16xi32>
      %eq3A_1184 = arith.constant 6 : i32
      %eq3A_1185 = vector.broadcast %eq3A_1184 : i32 to vector<16xi32>
      %eq3A_1186 = arith.cmpi eq, %select_n3A_1087, %eq3A_1185 : vector<16xi32>
      %jit3A_1187 = arith.constant 0 : i32
      %broadcast_in_dim3A_1188 = vector.broadcast %reduce_sum3A_381 : i32 to vector<16xi32>
      %broadcast_in_dim3A_1189 = vector.broadcast %jit3A_1187 : i32 to vector<16xi32>
      %select_n3A_1190 = arith.select %eq3A_1186, %broadcast_in_dim3A_1188, %broadcast_in_dim3A_1189 : vector<16xi1>, vector<16xi32>
      %add3A_1191 = arith.addi %add3A_1175, %select_n3A_1190 : vector<16xi32>
      %eq3A_1192 = arith.constant 6 : i32
      %eq3A_1193 = vector.broadcast %eq3A_1192 : i32 to vector<16xi32>
      %eq3A_1194 = arith.cmpi eq, %select_n3A_1087, %eq3A_1193 : vector<16xi32>
      %jit3A_1195 = arith.constant 2048 : i32
      %jit3A_1196 = arith.constant 0 : i32
      %broadcast_in_dim3A_1197 = vector.broadcast %jit3A_1195 : i32 to vector<16xi32>
      %broadcast_in_dim3A_1198 = vector.broadcast %jit3A_1196 : i32 to vector<16xi32>
      %select_n3A_1199 = arith.select %eq3A_1194, %broadcast_in_dim3A_1197, %broadcast_in_dim3A_1198 : vector<16xi1>, vector<16xi32>
      %add3A_1200 = arith.addi %add3A_1183, %select_n3A_1199 : vector<16xi32>
      %add3A_1201 = arith.constant 1 : i32
      %add3A_1202 = vector.broadcast %add3A_1201 : i32 to vector<16xi32>
      %add3A_1203 = arith.addi %select_n3A_1065, %add3A_1202 : vector<16xi32>
      %mul3A_1204 = arith.constant 256 : i32
      %mul3A_1205 = vector.broadcast %mul3A_1204 : i32 to vector<16xi32>
      %mul3A_1206 = arith.muli %add3A_1203, %mul3A_1205 : vector<16xi32>
      %lt3A_1207 = arith.cmpi slt, %add3A_1191, %mul3A_1206 : vector<16xi32>
      %mul3A_1208 = arith.constant 256 : i32
      %mul3A_1209 = vector.broadcast %mul3A_1208 : i32 to vector<16xi32>
      %mul3A_1210 = arith.muli %select_n3A_1065, %mul3A_1209 : vector<16xi32>
      %gt3A_1211 = arith.cmpi sgt, %add3A_1200, %mul3A_1210 : vector<16xi32>
      %and3A_1212 = arith.andi %lt3A_1207, %gt3A_1211 : vector<16xi1>
      %jit3A_1213 = arith.constant 1 : i32
      %jit3A_1214 = arith.constant 0 : i32
      %broadcast_in_dim3A_1215 = vector.broadcast %jit3A_1213 : i32 to vector<16xi32>
      %broadcast_in_dim3A_1216 = vector.broadcast %jit3A_1214 : i32 to vector<16xi32>
      %select_n3A_1217 = arith.select %and3A_1212, %broadcast_in_dim3A_1215, %broadcast_in_dim3A_1216 : vector<16xi1>, vector<16xi32>
      %broadcast_in_dim3A_1218 = arith.constant true
      %broadcast_in_dim3A_1219 = vector.broadcast %broadcast_in_dim3A_1218 : i1 to vector<16xi1>
      %masked_cumsum3A_1220 = tpu.scan <sum>, %select_n3A_1217 masked %broadcast_in_dim3A_1219 : vector<16xi32>, vector<16xi1> -> vector<16xi32>
      %sub3A_1221 = arith.subi %masked_cumsum3A_1220, %select_n3A_1217 : vector<16xi32>
      %add3A_1222 = vector.broadcast %add3A_1031 : i32 to vector<16xi32>
      %add3A_1223 = arith.addi %sub3A_1221, %add3A_1222 : vector<16xi32>
      %mul3A_1224 = arith.constant 256 : i32
      %mul3A_1225 = vector.broadcast %mul3A_1224 : i32 to vector<16xi32>
      %mul3A_1226 = arith.muli %select_n3A_1065, %mul3A_1225 : vector<16xi32>
      %sub3A_1227 = arith.subi %add3A_1191, %mul3A_1226 : vector<16xi32>
      %max3A_1228 = arith.constant 0 : i32
      %max3A_1229 = vector.broadcast %max3A_1228 : i32 to vector<16xi32>
      %max3A_1230 = arith.maxsi %sub3A_1227, %max3A_1229 : vector<16xi32>
      %mul3A_1231 = arith.constant 256 : i32
      %mul3A_1232 = vector.broadcast %mul3A_1231 : i32 to vector<16xi32>
      %mul3A_1233 = arith.muli %select_n3A_1065, %mul3A_1232 : vector<16xi32>
      %sub3A_1234 = arith.subi %add3A_1200, %mul3A_1233 : vector<16xi32>
      %min3A_1235 = arith.constant 256 : i32
      %min3A_1236 = vector.broadcast %min3A_1235 : i32 to vector<16xi32>
      %min3A_1237 = arith.minsi %sub3A_1234, %min3A_1236 : vector<16xi32>
      tpu.vector_store_idx %arg12[%add3A_1223], %select_n3A_1065 masked %and3A_1212 : memref<16xi32, #tpu.memory_space<vmem>>[vector<16xi32>], vector<16xi32>, vector<16xi1>
      tpu.vector_store_idx %arg13[%add3A_1223], %select_n3A_1087 masked %and3A_1212 : memref<16xi32, #tpu.memory_space<vmem>>[vector<16xi32>], vector<16xi32>, vector<16xi1>
      tpu.vector_store_idx %arg14[%add3A_1223], %max3A_1230 masked %and3A_1212 : memref<16xi32, #tpu.memory_space<vmem>>[vector<16xi32>], vector<16xi32>, vector<16xi1>
      tpu.vector_store_idx %arg15[%add3A_1223], %min3A_1237 masked %and3A_1212 : memref<16xi32, #tpu.memory_space<vmem>>[vector<16xi32>], vector<16xi32>, vector<16xi1>
      %eq3A_1238 = arith.constant 0 : i32
      %eq3A_1239 = vector.broadcast %eq3A_1238 : i32 to vector<16xi32>
      %eq3A_1240 = arith.cmpi eq, %max3A_1230, %eq3A_1239 : vector<16xi32>
      %jit3A_1241 = arith.constant 1 : i32
      %jit3A_1242 = arith.constant 0 : i32
      %broadcast_in_dim3A_1243 = vector.broadcast %jit3A_1241 : i32 to vector<16xi32>
      %broadcast_in_dim3A_1244 = vector.broadcast %jit3A_1242 : i32 to vector<16xi32>
      %select_n3A_1245 = arith.select %eq3A_1240, %broadcast_in_dim3A_1243, %broadcast_in_dim3A_1244 : vector<16xi1>, vector<16xi32>
      tpu.vector_store_idx %arg16[%add3A_1223], %select_n3A_1245 masked %and3A_1212 : memref<16xi32, #tpu.memory_space<vmem>>[vector<16xi32>], vector<16xi32>, vector<16xi1>
      %reduce_sum3A_1246 = arith.constant true
      %reduce_sum3A_1247 = vector.broadcast %reduce_sum3A_1246 : i1 to vector<16xi1>
      %reduce_sum3A_1248 = tpu.scan <sum>, %select_n3A_1217 masked %reduce_sum3A_1247 : vector<16xi32>, vector<16xi1> -> vector<16xi32>
      %reduce_sum3A_1249 = vector.extract %reduce_sum3A_1248[15] : i32 from vector<16xi32>
      %add3A_1250 = arith.addi %add3A_1031, %reduce_sum3A_1249 : i32
      "tpu.region"() ({
        %run_scoped3A = tpu.sem_alloc : memref<!tpu.dma_semaphore, #tpu.memory_space<semaphore_mem>>
        %dma_start3A_1251 = arith.constant 0 : i32
        %dma_start3A_1252 = tpu.memref_slice %arg6[%dma_start3A_1251] : memref<80xi32, #tpu.memory_space<hbm>> -> memref<16xi32, #tpu.memory_space<hbm>>
        %dma_start3A_1253 = arith.constant 0 : i32
        %dma_start3A_1254 = tpu.memref_slice %arg6[%dma_start3A_1253] : memref<80xi32, #tpu.memory_space<hbm>> -> memref<16xi32, #tpu.memory_space<hbm>>
        tpu.enqueue_dma source(%arg12 : memref<16xi32, #tpu.memory_space<vmem>>) target(%dma_start3A_1254 : memref<16xi32, #tpu.memory_space<hbm>>) target_semaphore(%run_scoped3A : memref<!tpu.dma_semaphore, #tpu.memory_space<semaphore_mem>>)
        %dma_wait3A_1255 = arith.constant 0 : i32
        %dma_wait3A_1256 = tpu.memref_slice %arg6[%dma_wait3A_1255] : memref<80xi32, #tpu.memory_space<hbm>> -> memref<16xi32, #tpu.memory_space<hbm>>
        %dma_wait3A_1257 = arith.constant 0 : i32
        %dma_wait3A_1258 = tpu.memref_slice %arg6[%dma_wait3A_1257] : memref<80xi32, #tpu.memory_space<hbm>> -> memref<16xi32, #tpu.memory_space<hbm>>
        tpu.wait_dma2 semaphore(%run_scoped3A : memref<!tpu.dma_semaphore, #tpu.memory_space<semaphore_mem>>) src(%arg12 : memref<16xi32, #tpu.memory_space<vmem>>) dst(%dma_wait3A_1258 : memref<16xi32, #tpu.memory_space<hbm>>)
        tpu.yield
      }) : () -> ()
      "tpu.region"() ({
        %run_scoped3A = tpu.sem_alloc : memref<!tpu.dma_semaphore, #tpu.memory_space<semaphore_mem>>
        %dma_start3A_1251 = arith.constant 16 : i32
        %dma_start3A_1252 = tpu.memref_slice %arg6[%dma_start3A_1251] : memref<80xi32, #tpu.memory_space<hbm>> -> memref<16xi32, #tpu.memory_space<hbm>>
        %dma_start3A_1253 = arith.constant 16 : i32
        %dma_start3A_1254 = tpu.memref_slice %arg6[%dma_start3A_1253] : memref<80xi32, #tpu.memory_space<hbm>> -> memref<16xi32, #tpu.memory_space<hbm>>
        tpu.enqueue_dma source(%arg13 : memref<16xi32, #tpu.memory_space<vmem>>) target(%dma_start3A_1254 : memref<16xi32, #tpu.memory_space<hbm>>) target_semaphore(%run_scoped3A : memref<!tpu.dma_semaphore, #tpu.memory_space<semaphore_mem>>)
        %dma_wait3A_1255 = arith.constant 16 : i32
        %dma_wait3A_1256 = tpu.memref_slice %arg6[%dma_wait3A_1255] : memref<80xi32, #tpu.memory_space<hbm>> -> memref<16xi32, #tpu.memory_space<hbm>>
        %dma_wait3A_1257 = arith.constant 16 : i32
        %dma_wait3A_1258 = tpu.memref_slice %arg6[%dma_wait3A_1257] : memref<80xi32, #tpu.memory_space<hbm>> -> memref<16xi32, #tpu.memory_space<hbm>>
        tpu.wait_dma2 semaphore(%run_scoped3A : memref<!tpu.dma_semaphore, #tpu.memory_space<semaphore_mem>>) src(%arg13 : memref<16xi32, #tpu.memory_space<vmem>>) dst(%dma_wait3A_1258 : memref<16xi32, #tpu.memory_space<hbm>>)
        tpu.yield
      }) : () -> ()
      "tpu.region"() ({
        %run_scoped3A = tpu.sem_alloc : memref<!tpu.dma_semaphore, #tpu.memory_space<semaphore_mem>>
        %dma_start3A_1251 = arith.constant 32 : i32
        %dma_start3A_1252 = tpu.memref_slice %arg6[%dma_start3A_1251] : memref<80xi32, #tpu.memory_space<hbm>> -> memref<16xi32, #tpu.memory_space<hbm>>
        %dma_start3A_1253 = arith.constant 32 : i32
        %dma_start3A_1254 = tpu.memref_slice %arg6[%dma_start3A_1253] : memref<80xi32, #tpu.memory_space<hbm>> -> memref<16xi32, #tpu.memory_space<hbm>>
        tpu.enqueue_dma source(%arg14 : memref<16xi32, #tpu.memory_space<vmem>>) target(%dma_start3A_1254 : memref<16xi32, #tpu.memory_space<hbm>>) target_semaphore(%run_scoped3A : memref<!tpu.dma_semaphore, #tpu.memory_space<semaphore_mem>>)
        %dma_wait3A_1255 = arith.constant 32 : i32
        %dma_wait3A_1256 = tpu.memref_slice %arg6[%dma_wait3A_1255] : memref<80xi32, #tpu.memory_space<hbm>> -> memref<16xi32, #tpu.memory_space<hbm>>
        %dma_wait3A_1257 = arith.constant 32 : i32
        %dma_wait3A_1258 = tpu.memref_slice %arg6[%dma_wait3A_1257] : memref<80xi32, #tpu.memory_space<hbm>> -> memref<16xi32, #tpu.memory_space<hbm>>
        tpu.wait_dma2 semaphore(%run_scoped3A : memref<!tpu.dma_semaphore, #tpu.memory_space<semaphore_mem>>) src(%arg14 : memref<16xi32, #tpu.memory_space<vmem>>) dst(%dma_wait3A_1258 : memref<16xi32, #tpu.memory_space<hbm>>)
        tpu.yield
      }) : () -> ()
      "tpu.region"() ({
        %run_scoped3A = tpu.sem_alloc : memref<!tpu.dma_semaphore, #tpu.memory_space<semaphore_mem>>
        %dma_start3A_1251 = arith.constant 48 : i32
        %dma_start3A_1252 = tpu.memref_slice %arg6[%dma_start3A_1251] : memref<80xi32, #tpu.memory_space<hbm>> -> memref<16xi32, #tpu.memory_space<hbm>>
        %dma_start3A_1253 = arith.constant 48 : i32
        %dma_start3A_1254 = tpu.memref_slice %arg6[%dma_start3A_1253] : memref<80xi32, #tpu.memory_space<hbm>> -> memref<16xi32, #tpu.memory_space<hbm>>
        tpu.enqueue_dma source(%arg15 : memref<16xi32, #tpu.memory_space<vmem>>) target(%dma_start3A_1254 : memref<16xi32, #tpu.memory_space<hbm>>) target_semaphore(%run_scoped3A : memref<!tpu.dma_semaphore, #tpu.memory_space<semaphore_mem>>)
        %dma_wait3A_1255 = arith.constant 48 : i32
        %dma_wait3A_1256 = tpu.memref_slice %arg6[%dma_wait3A_1255] : memref<80xi32, #tpu.memory_space<hbm>> -> memref<16xi32, #tpu.memory_space<hbm>>
        %dma_wait3A_1257 = arith.constant 48 : i32
        %dma_wait3A_1258 = tpu.memref_slice %arg6[%dma_wait3A_1257] : memref<80xi32, #tpu.memory_space<hbm>> -> memref<16xi32, #tpu.memory_space<hbm>>
        tpu.wait_dma2 semaphore(%run_scoped3A : memref<!tpu.dma_semaphore, #tpu.memory_space<semaphore_mem>>) src(%arg15 : memref<16xi32, #tpu.memory_space<vmem>>) dst(%dma_wait3A_1258 : memref<16xi32, #tpu.memory_space<hbm>>)
        tpu.yield
      }) : () -> ()
      "tpu.region"() ({
        %run_scoped3A = tpu.sem_alloc : memref<!tpu.dma_semaphore, #tpu.memory_space<semaphore_mem>>
        %dma_start3A_1251 = arith.constant 64 : i32
        %dma_start3A_1252 = tpu.memref_slice %arg6[%dma_start3A_1251] : memref<80xi32, #tpu.memory_space<hbm>> -> memref<16xi32, #tpu.memory_space<hbm>>
        %dma_start3A_1253 = arith.constant 64 : i32
        %dma_start3A_1254 = tpu.memref_slice %arg6[%dma_start3A_1253] : memref<80xi32, #tpu.memory_space<hbm>> -> memref<16xi32, #tpu.memory_space<hbm>>
        tpu.enqueue_dma source(%arg16 : memref<16xi32, #tpu.memory_space<vmem>>) target(%dma_start3A_1254 : memref<16xi32, #tpu.memory_space<hbm>>) target_semaphore(%run_scoped3A : memref<!tpu.dma_semaphore, #tpu.memory_space<semaphore_mem>>)
        %dma_wait3A_1255 = arith.constant 64 : i32
        %dma_wait3A_1256 = tpu.memref_slice %arg6[%dma_wait3A_1255] : memref<80xi32, #tpu.memory_space<hbm>> -> memref<16xi32, #tpu.memory_space<hbm>>
        %dma_wait3A_1257 = arith.constant 64 : i32
        %dma_wait3A_1258 = tpu.memref_slice %arg6[%dma_wait3A_1257] : memref<80xi32, #tpu.memory_space<hbm>> -> memref<16xi32, #tpu.memory_space<hbm>>
        tpu.wait_dma2 semaphore(%run_scoped3A : memref<!tpu.dma_semaphore, #tpu.memory_space<semaphore_mem>>) src(%arg16 : memref<16xi32, #tpu.memory_space<vmem>>) dst(%dma_wait3A_1258 : memref<16xi32, #tpu.memory_space<hbm>>)
        tpu.yield
      }) : () -> ()
    } else {
    }
    %get3A_216 = arith.constant 0 : index
    %get3A_217 = tpu.vector_load %arg7[%get3A_216] {strides = array<i32>} : memref<128xi32, #tpu.memory_space<vmem>>, vector<16xi32>,
    %scan3A_218 = arith.constant 0 : i32
    %scan3A_219 = arith.constant 7 : i32
    %scan3A_220 = arith.addi %scan3A_218, %scan3A_219 : i32
    %scan3A_221 = arith.constant 1 : i32
    %scan3A_222:2 = scf.for %scan3A_313 = %scan3A_218 to %scan3A_220 step %scan3A_221 iter_args(%scan3A_314 = %broadcast_in_dim3A_1, %scan3A_315 = %broadcast_in_dim3A_1) -> (vector<16xi32>, vector<16xi32>)  : i32 {
      %eq3A_316 = vector.broadcast %scan3A_313 : i32 to vector<16xi32>
      %eq3A_317 = arith.cmpi eq, %get3A_217, %eq3A_316 : vector<16xi32>
      %jit3A = arith.constant 1 : i32
      %jit3A_318 = arith.constant 0 : i32
      %broadcast_in_dim3A_319 = vector.broadcast %jit3A : i32 to vector<16xi32>
      %broadcast_in_dim3A_320 = vector.broadcast %jit3A_318 : i32 to vector<16xi32>
      %select_n3A_321 = arith.select %eq3A_317, %broadcast_in_dim3A_319, %broadcast_in_dim3A_320 : vector<16xi1>, vector<16xi32>
      %broadcast_in_dim3A_322 = arith.constant true
      %broadcast_in_dim3A_323 = vector.broadcast %broadcast_in_dim3A_322 : i1 to vector<16xi1>
      %masked_cumsum3A_324 = tpu.scan <sum>, %select_n3A_321 masked %broadcast_in_dim3A_323 : vector<16xi32>, vector<16xi1> -> vector<16xi32>
      %sub3A_325 = arith.subi %masked_cumsum3A_324, %select_n3A_321 : vector<16xi32>
      %eq3A_326 = vector.broadcast %scan3A_313 : i32 to vector<16xi32>
      %eq3A_327 = arith.cmpi eq, %iota3A, %eq3A_326 : vector<16xi32>
      %select_n3A_328 = arith.select %eq3A_327, %add3A_213, %broadcast_in_dim3A_1 : vector<16xi1>, vector<16xi32>
      %reduce_sum3A = arith.constant true
      %reduce_sum3A_329 = vector.broadcast %reduce_sum3A : i1 to vector<16xi1>
      %reduce_sum3A_330 = tpu.scan <sum>, %select_n3A_328 masked %reduce_sum3A_329 : vector<16xi32>, vector<16xi1> -> vector<16xi32>
      %reduce_sum3A_331 = vector.extract %reduce_sum3A_330[15] : i32 from vector<16xi32>
      %eq3A_332 = vector.broadcast %scan3A_313 : i32 to vector<16xi32>
      %eq3A_333 = arith.cmpi eq, %get3A_217, %eq3A_332 : vector<16xi32>
      %add3A_334 = vector.broadcast %reduce_sum3A_331 : i32 to vector<16xi32>
      %add3A_335 = arith.addi %add3A_334, %sub3A_325 : vector<16xi32>
      %select_n3A_336 = arith.select %eq3A_333, %add3A_335, %scan3A_314 : vector<16xi1>, vector<16xi32>
      %eq3A_337 = vector.broadcast %scan3A_313 : i32 to vector<16xi32>
      %eq3A_338 = arith.cmpi eq, %iota3A, %eq3A_337 : vector<16xi32>
      %reduce_sum3A_339 = arith.constant true
      %reduce_sum3A_340 = vector.broadcast %reduce_sum3A_339 : i1 to vector<16xi1>
      %reduce_sum3A_341 = tpu.scan <sum>, %select_n3A_321 masked %reduce_sum3A_340 : vector<16xi32>, vector<16xi1> -> vector<16xi32>
      %reduce_sum3A_342 = vector.extract %reduce_sum3A_341[15] : i32 from vector<16xi32>
      %jit3A_343 = arith.constant 0 : i32
      %broadcast_in_dim3A_344 = vector.broadcast %reduce_sum3A_342 : i32 to vector<16xi32>
      %broadcast_in_dim3A_345 = vector.broadcast %jit3A_343 : i32 to vector<16xi32>
      %select_n3A_346 = arith.select %eq3A_338, %broadcast_in_dim3A_344, %broadcast_in_dim3A_345 : vector<16xi1>, vector<16xi32>
      %add3A_347 = arith.addi %scan3A_315, %select_n3A_346 : vector<16xi32>
      scf.yield %select_n3A_336, %add3A_347 : vector<16xi32>, vector<16xi32>
    }
    %scan3A_223 = arith.constant 7 : i32
    %swap3A_224 = arith.constant 0 : index
    %swap3A_225 = tpu.vector_load %arg9[%swap3A_224] {strides = array<i32>} : memref<128xi32, #tpu.memory_space<vmem>>, vector<16xi32>,
    tpu.vector_store %arg9[%swap3A_224], %scan3A_222#0 {strides = array<i32>} : memref<128xi32, #tpu.memory_space<vmem>>, vector<16xi32>,
    %add3A_226 = arith.addi %add3A_213, %scan3A_222#1 : vector<16xi32>
    %get3A_227 = arith.constant 16 : index
    %get3A_228 = tpu.vector_load %arg7[%get3A_227] {strides = array<i32>} : memref<128xi32, #tpu.memory_space<vmem>>, vector<16xi32>,
    %scan3A_229 = arith.constant 0 : i32
    %scan3A_230 = arith.constant 7 : i32
    %scan3A_231 = arith.addi %scan3A_229, %scan3A_230 : i32
    %scan3A_232 = arith.constant 1 : i32
    %scan3A_233:2 = scf.for %scan3A_313 = %scan3A_229 to %scan3A_231 step %scan3A_232 iter_args(%scan3A_314 = %broadcast_in_dim3A_1, %scan3A_315 = %broadcast_in_dim3A_1) -> (vector<16xi32>, vector<16xi32>)  : i32 {
      %eq3A_316 = vector.broadcast %scan3A_313 : i32 to vector<16xi32>
      %eq3A_317 = arith.cmpi eq, %get3A_228, %eq3A_316 : vector<16xi32>
      %jit3A = arith.constant 1 : i32
      %jit3A_318 = arith.constant 0 : i32
      %broadcast_in_dim3A_319 = vector.broadcast %jit3A : i32 to vector<16xi32>
      %broadcast_in_dim3A_320 = vector.broadcast %jit3A_318 : i32 to vector<16xi32>
      %select_n3A_321 = arith.select %eq3A_317, %broadcast_in_dim3A_319, %broadcast_in_dim3A_320 : vector<16xi1>, vector<16xi32>
      %broadcast_in_dim3A_322 = arith.constant true
      %broadcast_in_dim3A_323 = vector.broadcast %broadcast_in_dim3A_322 : i1 to vector<16xi1>
      %masked_cumsum3A_324 = tpu.scan <sum>, %select_n3A_321 masked %broadcast_in_dim3A_323 : vector<16xi32>, vector<16xi1> -> vector<16xi32>
      %sub3A_325 = arith.subi %masked_cumsum3A_324, %select_n3A_321 : vector<16xi32>
      %eq3A_326 = vector.broadcast %scan3A_313 : i32 to vector<16xi32>
      %eq3A_327 = arith.cmpi eq, %iota3A, %eq3A_326 : vector<16xi32>
      %select_n3A_328 = arith.select %eq3A_327, %add3A_226, %broadcast_in_dim3A_1 : vector<16xi1>, vector<16xi32>
      %reduce_sum3A = arith.constant true
      %reduce_sum3A_329 = vector.broadcast %reduce_sum3A : i1 to vector<16xi1>
      %reduce_sum3A_330 = tpu.scan <sum>, %select_n3A_328 masked %reduce_sum3A_329 : vector<16xi32>, vector<16xi1> -> vector<16xi32>
      %reduce_sum3A_331 = vector.extract %reduce_sum3A_330[15] : i32 from vector<16xi32>
      %eq3A_332 = vector.broadcast %scan3A_313 : i32 to vector<16xi32>
      %eq3A_333 = arith.cmpi eq, %get3A_228, %eq3A_332 : vector<16xi32>
      %add3A_334 = vector.broadcast %reduce_sum3A_331 : i32 to vector<16xi32>
      %add3A_335 = arith.addi %add3A_334, %sub3A_325 : vector<16xi32>
      %select_n3A_336 = arith.select %eq3A_333, %add3A_335, %scan3A_314 : vector<16xi1>, vector<16xi32>
      %eq3A_337 = vector.broadcast %scan3A_313 : i32 to vector<16xi32>
      %eq3A_338 = arith.cmpi eq, %iota3A, %eq3A_337 : vector<16xi32>
      %reduce_sum3A_339 = arith.constant true
      %reduce_sum3A_340 = vector.broadcast %reduce_sum3A_339 : i1 to vector<16xi1>
      %reduce_sum3A_341 = tpu.scan <sum>, %select_n3A_321 masked %reduce_sum3A_340 : vector<16xi32>, vector<16xi1> -> vector<16xi32>
      %reduce_sum3A_342 = vector.extract %reduce_sum3A_341[15] : i32 from vector<16xi32>
      %jit3A_343 = arith.constant 0 : i32
      %broadcast_in_dim3A_344 = vector.broadcast %reduce_sum3A_342 : i32 to vector<16xi32>
      %broadcast_in_dim3A_345 = vector.broadcast %jit3A_343 : i32 to vector<16xi32>
      %select_n3A_346 = arith.select %eq3A_338, %broadcast_in_dim3A_344, %broadcast_in_dim3A_345 : vector<16xi1>, vector<16xi32>
      %add3A_347 = arith.addi %scan3A_315, %select_n3A_346 : vector<16xi32>
      scf.yield %select_n3A_336, %add3A_347 : vector<16xi32>, vector<16xi32>
    }
    %scan3A_234 = arith.constant 7 : i32
    %swap3A_235 = arith.constant 16 : index
    %swap3A_236 = tpu.vector_load %arg9[%swap3A_235] {strides = array<i32>} : memref<128xi32, #tpu.memory_space<vmem>>, vector<16xi32>,
    tpu.vector_store %arg9[%swap3A_235], %scan3A_233#0 {strides = array<i32>} : memref<128xi32, #tpu.memory_space<vmem>>, vector<16xi32>,
    %add3A_237 = arith.addi %add3A_226, %scan3A_233#1 : vector<16xi32>
    %get3A_238 = arith.constant 32 : index
    %get3A_239 = tpu.vector_load %arg7[%get3A_238] {strides = array<i32>} : memref<128xi32, #tpu.memory_space<vmem>>, vector<16xi32>,
    %scan3A_240 = arith.constant 0 : i32
    %scan3A_241 = arith.constant 7 : i32
    %scan3A_242 = arith.addi %scan3A_240, %scan3A_241 : i32
    %scan3A_243 = arith.constant 1 : i32
    %scan3A_244:2 = scf.for %scan3A_313 = %scan3A_240 to %scan3A_242 step %scan3A_243 iter_args(%scan3A_314 = %broadcast_in_dim3A_1, %scan3A_315 = %broadcast_in_dim3A_1) -> (vector<16xi32>, vector<16xi32>)  : i32 {
      %eq3A_316 = vector.broadcast %scan3A_313 : i32 to vector<16xi32>
      %eq3A_317 = arith.cmpi eq, %get3A_239, %eq3A_316 : vector<16xi32>
      %jit3A = arith.constant 1 : i32
      %jit3A_318 = arith.constant 0 : i32
      %broadcast_in_dim3A_319 = vector.broadcast %jit3A : i32 to vector<16xi32>
      %broadcast_in_dim3A_320 = vector.broadcast %jit3A_318 : i32 to vector<16xi32>
      %select_n3A_321 = arith.select %eq3A_317, %broadcast_in_dim3A_319, %broadcast_in_dim3A_320 : vector<16xi1>, vector<16xi32>
      %broadcast_in_dim3A_322 = arith.constant true
      %broadcast_in_dim3A_323 = vector.broadcast %broadcast_in_dim3A_322 : i1 to vector<16xi1>
      %masked_cumsum3A_324 = tpu.scan <sum>, %select_n3A_321 masked %broadcast_in_dim3A_323 : vector<16xi32>, vector<16xi1> -> vector<16xi32>
      %sub3A_325 = arith.subi %masked_cumsum3A_324, %select_n3A_321 : vector<16xi32>
      %eq3A_326 = vector.broadcast %scan3A_313 : i32 to vector<16xi32>
      %eq3A_327 = arith.cmpi eq, %iota3A, %eq3A_326 : vector<16xi32>
      %select_n3A_328 = arith.select %eq3A_327, %add3A_237, %broadcast_in_dim3A_1 : vector<16xi1>, vector<16xi32>
      %reduce_sum3A = arith.constant true
      %reduce_sum3A_329 = vector.broadcast %reduce_sum3A : i1 to vector<16xi1>
      %reduce_sum3A_330 = tpu.scan <sum>, %select_n3A_328 masked %reduce_sum3A_329 : vector<16xi32>, vector<16xi1> -> vector<16xi32>
      %reduce_sum3A_331 = vector.extract %reduce_sum3A_330[15] : i32 from vector<16xi32>
      %eq3A_332 = vector.broadcast %scan3A_313 : i32 to vector<16xi32>
      %eq3A_333 = arith.cmpi eq, %get3A_239, %eq3A_332 : vector<16xi32>
      %add3A_334 = vector.broadcast %reduce_sum3A_331 : i32 to vector<16xi32>
      %add3A_335 = arith.addi %add3A_334, %sub3A_325 : vector<16xi32>
      %select_n3A_336 = arith.select %eq3A_333, %add3A_335, %scan3A_314 : vector<16xi1>, vector<16xi32>
      %eq3A_337 = vector.broadcast %scan3A_313 : i32 to vector<16xi32>
      %eq3A_338 = arith.cmpi eq, %iota3A, %eq3A_337 : vector<16xi32>
      %reduce_sum3A_339 = arith.constant true
      %reduce_sum3A_340 = vector.broadcast %reduce_sum3A_339 : i1 to vector<16xi1>
      %reduce_sum3A_341 = tpu.scan <sum>, %select_n3A_321 masked %reduce_sum3A_340 : vector<16xi32>, vector<16xi1> -> vector<16xi32>
      %reduce_sum3A_342 = vector.extract %reduce_sum3A_341[15] : i32 from vector<16xi32>
      %jit3A_343 = arith.constant 0 : i32
      %broadcast_in_dim3A_344 = vector.broadcast %reduce_sum3A_342 : i32 to vector<16xi32>
      %broadcast_in_dim3A_345 = vector.broadcast %jit3A_343 : i32 to vector<16xi32>
      %select_n3A_346 = arith.select %eq3A_338, %broadcast_in_dim3A_344, %broadcast_in_dim3A_345 : vector<16xi1>, vector<16xi32>
      %add3A_347 = arith.addi %scan3A_315, %select_n3A_346 : vector<16xi32>
      scf.yield %select_n3A_336, %add3A_347 : vector<16xi32>, vector<16xi32>
    }
    %scan3A_245 = arith.constant 7 : i32
    %swap3A_246 = arith.constant 32 : index
    %swap3A_247 = tpu.vector_load %arg9[%swap3A_246] {strides = array<i32>} : memref<128xi32, #tpu.memory_space<vmem>>, vector<16xi32>,
    tpu.vector_store %arg9[%swap3A_246], %scan3A_244#0 {strides = array<i32>} : memref<128xi32, #tpu.memory_space<vmem>>, vector<16xi32>,
    %add3A_248 = arith.addi %add3A_237, %scan3A_244#1 : vector<16xi32>
    %get3A_249 = arith.constant 48 : index
    %get3A_250 = tpu.vector_load %arg7[%get3A_249] {strides = array<i32>} : memref<128xi32, #tpu.memory_space<vmem>>, vector<16xi32>,
    %scan3A_251 = arith.constant 0 : i32
    %scan3A_252 = arith.constant 7 : i32
    %scan3A_253 = arith.addi %scan3A_251, %scan3A_252 : i32
    %scan3A_254 = arith.constant 1 : i32
    %scan3A_255:2 = scf.for %scan3A_313 = %scan3A_251 to %scan3A_253 step %scan3A_254 iter_args(%scan3A_314 = %broadcast_in_dim3A_1, %scan3A_315 = %broadcast_in_dim3A_1) -> (vector<16xi32>, vector<16xi32>)  : i32 {
      %eq3A_316 = vector.broadcast %scan3A_313 : i32 to vector<16xi32>
      %eq3A_317 = arith.cmpi eq, %get3A_250, %eq3A_316 : vector<16xi32>
      %jit3A = arith.constant 1 : i32
      %jit3A_318 = arith.constant 0 : i32
      %broadcast_in_dim3A_319 = vector.broadcast %jit3A : i32 to vector<16xi32>
      %broadcast_in_dim3A_320 = vector.broadcast %jit3A_318 : i32 to vector<16xi32>
      %select_n3A_321 = arith.select %eq3A_317, %broadcast_in_dim3A_319, %broadcast_in_dim3A_320 : vector<16xi1>, vector<16xi32>
      %broadcast_in_dim3A_322 = arith.constant true
      %broadcast_in_dim3A_323 = vector.broadcast %broadcast_in_dim3A_322 : i1 to vector<16xi1>
      %masked_cumsum3A_324 = tpu.scan <sum>, %select_n3A_321 masked %broadcast_in_dim3A_323 : vector<16xi32>, vector<16xi1> -> vector<16xi32>
      %sub3A_325 = arith.subi %masked_cumsum3A_324, %select_n3A_321 : vector<16xi32>
      %eq3A_326 = vector.broadcast %scan3A_313 : i32 to vector<16xi32>
      %eq3A_327 = arith.cmpi eq, %iota3A, %eq3A_326 : vector<16xi32>
      %select_n3A_328 = arith.select %eq3A_327, %add3A_248, %broadcast_in_dim3A_1 : vector<16xi1>, vector<16xi32>
      %reduce_sum3A = arith.constant true
      %reduce_sum3A_329 = vector.broadcast %reduce_sum3A : i1 to vector<16xi1>
      %reduce_sum3A_330 = tpu.scan <sum>, %select_n3A_328 masked %reduce_sum3A_329 : vector<16xi32>, vector<16xi1> -> vector<16xi32>
      %reduce_sum3A_331 = vector.extract %reduce_sum3A_330[15] : i32 from vector<16xi32>
      %eq3A_332 = vector.broadcast %scan3A_313 : i32 to vector<16xi32>
      %eq3A_333 = arith.cmpi eq, %get3A_250, %eq3A_332 : vector<16xi32>
      %add3A_334 = vector.broadcast %reduce_sum3A_331 : i32 to vector<16xi32>
      %add3A_335 = arith.addi %add3A_334, %sub3A_325 : vector<16xi32>
      %select_n3A_336 = arith.select %eq3A_333, %add3A_335, %scan3A_314 : vector<16xi1>, vector<16xi32>
      %eq3A_337 = vector.broadcast %scan3A_313 : i32 to vector<16xi32>
      %eq3A_338 = arith.cmpi eq, %iota3A, %eq3A_337 : vector<16xi32>
      %reduce_sum3A_339 = arith.constant true
      %reduce_sum3A_340 = vector.broadcast %reduce_sum3A_339 : i1 to vector<16xi1>
      %reduce_sum3A_341 = tpu.scan <sum>, %select_n3A_321 masked %reduce_sum3A_340 : vector<16xi32>, vector<16xi1> -> vector<16xi32>
      %reduce_sum3A_342 = vector.extract %reduce_sum3A_341[15] : i32 from vector<16xi32>
      %jit3A_343 = arith.constant 0 : i32
      %broadcast_in_dim3A_344 = vector.broadcast %reduce_sum3A_342 : i32 to vector<16xi32>
      %broadcast_in_dim3A_345 = vector.broadcast %jit3A_343 : i32 to vector<16xi32>
      %select_n3A_346 = arith.select %eq3A_338, %broadcast_in_dim3A_344, %broadcast_in_dim3A_345 : vector<16xi1>, vector<16xi32>
      %add3A_347 = arith.addi %scan3A_315, %select_n3A_346 : vector<16xi32>
      scf.yield %select_n3A_336, %add3A_347 : vector<16xi32>, vector<16xi32>
    }
    %scan3A_256 = arith.constant 7 : i32
    %swap3A_257 = arith.constant 48 : index
    %swap3A_258 = tpu.vector_load %arg9[%swap3A_257] {strides = array<i32>} : memref<128xi32, #tpu.memory_space<vmem>>, vector<16xi32>,
    tpu.vector_store %arg9[%swap3A_257], %scan3A_255#0 {strides = array<i32>} : memref<128xi32, #tpu.memory_space<vmem>>, vector<16xi32>,
    %add3A_259 = arith.addi %add3A_248, %scan3A_255#1 : vector<16xi32>
    %get3A_260 = arith.constant 64 : index
    %get3A_261 = tpu.vector_load %arg7[%get3A_260] {strides = array<i32>} : memref<128xi32, #tpu.memory_space<vmem>>, vector<16xi32>,
    %scan3A_262 = arith.constant 0 : i32
    %scan3A_263 = arith.constant 7 : i32
    %scan3A_264 = arith.addi %scan3A_262, %scan3A_263 : i32
    %scan3A_265 = arith.constant 1 : i32
    %scan3A_266:2 = scf.for %scan3A_313 = %scan3A_262 to %scan3A_264 step %scan3A_265 iter_args(%scan3A_314 = %broadcast_in_dim3A_1, %scan3A_315 = %broadcast_in_dim3A_1) -> (vector<16xi32>, vector<16xi32>)  : i32 {
      %eq3A_316 = vector.broadcast %scan3A_313 : i32 to vector<16xi32>
      %eq3A_317 = arith.cmpi eq, %get3A_261, %eq3A_316 : vector<16xi32>
      %jit3A = arith.constant 1 : i32
      %jit3A_318 = arith.constant 0 : i32
      %broadcast_in_dim3A_319 = vector.broadcast %jit3A : i32 to vector<16xi32>
      %broadcast_in_dim3A_320 = vector.broadcast %jit3A_318 : i32 to vector<16xi32>
      %select_n3A_321 = arith.select %eq3A_317, %broadcast_in_dim3A_319, %broadcast_in_dim3A_320 : vector<16xi1>, vector<16xi32>
      %broadcast_in_dim3A_322 = arith.constant true
      %broadcast_in_dim3A_323 = vector.broadcast %broadcast_in_dim3A_322 : i1 to vector<16xi1>
      %masked_cumsum3A_324 = tpu.scan <sum>, %select_n3A_321 masked %broadcast_in_dim3A_323 : vector<16xi32>, vector<16xi1> -> vector<16xi32>
      %sub3A_325 = arith.subi %masked_cumsum3A_324, %select_n3A_321 : vector<16xi32>
      %eq3A_326 = vector.broadcast %scan3A_313 : i32 to vector<16xi32>
      %eq3A_327 = arith.cmpi eq, %iota3A, %eq3A_326 : vector<16xi32>
      %select_n3A_328 = arith.select %eq3A_327, %add3A_259, %broadcast_in_dim3A_1 : vector<16xi1>, vector<16xi32>
      %reduce_sum3A = arith.constant true
      %reduce_sum3A_329 = vector.broadcast %reduce_sum3A : i1 to vector<16xi1>
      %reduce_sum3A_330 = tpu.scan <sum>, %select_n3A_328 masked %reduce_sum3A_329 : vector<16xi32>, vector<16xi1> -> vector<16xi32>
      %reduce_sum3A_331 = vector.extract %reduce_sum3A_330[15] : i32 from vector<16xi32>
      %eq3A_332 = vector.broadcast %scan3A_313 : i32 to vector<16xi32>
      %eq3A_333 = arith.cmpi eq, %get3A_261, %eq3A_332 : vector<16xi32>
      %add3A_334 = vector.broadcast %reduce_sum3A_331 : i32 to vector<16xi32>
      %add3A_335 = arith.addi %add3A_334, %sub3A_325 : vector<16xi32>
      %select_n3A_336 = arith.select %eq3A_333, %add3A_335, %scan3A_314 : vector<16xi1>, vector<16xi32>
      %eq3A_337 = vector.broadcast %scan3A_313 : i32 to vector<16xi32>
      %eq3A_338 = arith.cmpi eq, %iota3A, %eq3A_337 : vector<16xi32>
      %reduce_sum3A_339 = arith.constant true
      %reduce_sum3A_340 = vector.broadcast %reduce_sum3A_339 : i1 to vector<16xi1>
      %reduce_sum3A_341 = tpu.scan <sum>, %select_n3A_321 masked %reduce_sum3A_340 : vector<16xi32>, vector<16xi1> -> vector<16xi32>
      %reduce_sum3A_342 = vector.extract %reduce_sum3A_341[15] : i32 from vector<16xi32>
      %jit3A_343 = arith.constant 0 : i32
      %broadcast_in_dim3A_344 = vector.broadcast %reduce_sum3A_342 : i32 to vector<16xi32>
      %broadcast_in_dim3A_345 = vector.broadcast %jit3A_343 : i32 to vector<16xi32>
      %select_n3A_346 = arith.select %eq3A_338, %broadcast_in_dim3A_344, %broadcast_in_dim3A_345 : vector<16xi1>, vector<16xi32>
      %add3A_347 = arith.addi %scan3A_315, %select_n3A_346 : vector<16xi32>
      scf.yield %select_n3A_336, %add3A_347 : vector<16xi32>, vector<16xi32>
    }
    %scan3A_267 = arith.constant 7 : i32
    %swap3A_268 = arith.constant 64 : index
    %swap3A_269 = tpu.vector_load %arg9[%swap3A_268] {strides = array<i32>} : memref<128xi32, #tpu.memory_space<vmem>>, vector<16xi32>,
    tpu.vector_store %arg9[%swap3A_268], %scan3A_266#0 {strides = array<i32>} : memref<128xi32, #tpu.memory_space<vmem>>, vector<16xi32>,
    %add3A_270 = arith.addi %add3A_259, %scan3A_266#1 : vector<16xi32>
    %get3A_271 = arith.constant 80 : index
    %get3A_272 = tpu.vector_load %arg7[%get3A_271] {strides = array<i32>} : memref<128xi32, #tpu.memory_space<vmem>>, vector<16xi32>,
    %scan3A_273 = arith.constant 0 : i32
    %scan3A_274 = arith.constant 7 : i32
    %scan3A_275 = arith.addi %scan3A_273, %scan3A_274 : i32
    %scan3A_276 = arith.constant 1 : i32
    %scan3A_277:2 = scf.for %scan3A_313 = %scan3A_273 to %scan3A_275 step %scan3A_276 iter_args(%scan3A_314 = %broadcast_in_dim3A_1, %scan3A_315 = %broadcast_in_dim3A_1) -> (vector<16xi32>, vector<16xi32>)  : i32 {
      %eq3A_316 = vector.broadcast %scan3A_313 : i32 to vector<16xi32>
      %eq3A_317 = arith.cmpi eq, %get3A_272, %eq3A_316 : vector<16xi32>
      %jit3A = arith.constant 1 : i32
      %jit3A_318 = arith.constant 0 : i32
      %broadcast_in_dim3A_319 = vector.broadcast %jit3A : i32 to vector<16xi32>
      %broadcast_in_dim3A_320 = vector.broadcast %jit3A_318 : i32 to vector<16xi32>
      %select_n3A_321 = arith.select %eq3A_317, %broadcast_in_dim3A_319, %broadcast_in_dim3A_320 : vector<16xi1>, vector<16xi32>
      %broadcast_in_dim3A_322 = arith.constant true
      %broadcast_in_dim3A_323 = vector.broadcast %broadcast_in_dim3A_322 : i1 to vector<16xi1>
      %masked_cumsum3A_324 = tpu.scan <sum>, %select_n3A_321 masked %broadcast_in_dim3A_323 : vector<16xi32>, vector<16xi1> -> vector<16xi32>
      %sub3A_325 = arith.subi %masked_cumsum3A_324, %select_n3A_321 : vector<16xi32>
      %eq3A_326 = vector.broadcast %scan3A_313 : i32 to vector<16xi32>
      %eq3A_327 = arith.cmpi eq, %iota3A, %eq3A_326 : vector<16xi32>
      %select_n3A_328 = arith.select %eq3A_327, %add3A_270, %broadcast_in_dim3A_1 : vector<16xi1>, vector<16xi32>
      %reduce_sum3A = arith.constant true
      %reduce_sum3A_329 = vector.broadcast %reduce_sum3A : i1 to vector<16xi1>
      %reduce_sum3A_330 = tpu.scan <sum>, %select_n3A_328 masked %reduce_sum3A_329 : vector<16xi32>, vector<16xi1> -> vector<16xi32>
      %reduce_sum3A_331 = vector.extract %reduce_sum3A_330[15] : i32 from vector<16xi32>
      %eq3A_332 = vector.broadcast %scan3A_313 : i32 to vector<16xi32>
      %eq3A_333 = arith.cmpi eq, %get3A_272, %eq3A_332 : vector<16xi32>
      %add3A_334 = vector.broadcast %reduce_sum3A_331 : i32 to vector<16xi32>
      %add3A_335 = arith.addi %add3A_334, %sub3A_325 : vector<16xi32>
      %select_n3A_336 = arith.select %eq3A_333, %add3A_335, %scan3A_314 : vector<16xi1>, vector<16xi32>
      %eq3A_337 = vector.broadcast %scan3A_313 : i32 to vector<16xi32>
      %eq3A_338 = arith.cmpi eq, %iota3A, %eq3A_337 : vector<16xi32>
      %reduce_sum3A_339 = arith.constant true
      %reduce_sum3A_340 = vector.broadcast %reduce_sum3A_339 : i1 to vector<16xi1>
      %reduce_sum3A_341 = tpu.scan <sum>, %select_n3A_321 masked %reduce_sum3A_340 : vector<16xi32>, vector<16xi1> -> vector<16xi32>
      %reduce_sum3A_342 = vector.extract %reduce_sum3A_341[15] : i32 from vector<16xi32>
      %jit3A_343 = arith.constant 0 : i32
      %broadcast_in_dim3A_344 = vector.broadcast %reduce_sum3A_342 : i32 to vector<16xi32>
      %broadcast_in_dim3A_345 = vector.broadcast %jit3A_343 : i32 to vector<16xi32>
      %select_n3A_346 = arith.select %eq3A_338, %broadcast_in_dim3A_344, %broadcast_in_dim3A_345 : vector<16xi1>, vector<16xi32>
      %add3A_347 = arith.addi %scan3A_315, %select_n3A_346 : vector<16xi32>
      scf.yield %select_n3A_336, %add3A_347 : vector<16xi32>, vector<16xi32>
    }
    %scan3A_278 = arith.constant 7 : i32
    %swap3A_279 = arith.constant 80 : index
    %swap3A_280 = tpu.vector_load %arg9[%swap3A_279] {strides = array<i32>} : memref<128xi32, #tpu.memory_space<vmem>>, vector<16xi32>,
    tpu.vector_store %arg9[%swap3A_279], %scan3A_277#0 {strides = array<i32>} : memref<128xi32, #tpu.memory_space<vmem>>, vector<16xi32>,
    %add3A_281 = arith.addi %add3A_270, %scan3A_277#1 : vector<16xi32>
    %get3A_282 = arith.constant 96 : index
    %get3A_283 = tpu.vector_load %arg7[%get3A_282] {strides = array<i32>} : memref<128xi32, #tpu.memory_space<vmem>>, vector<16xi32>,
    %scan3A_284 = arith.constant 0 : i32
    %scan3A_285 = arith.constant 7 : i32
    %scan3A_286 = arith.addi %scan3A_284, %scan3A_285 : i32
    %scan3A_287 = arith.constant 1 : i32
    %scan3A_288:2 = scf.for %scan3A_313 = %scan3A_284 to %scan3A_286 step %scan3A_287 iter_args(%scan3A_314 = %broadcast_in_dim3A_1, %scan3A_315 = %broadcast_in_dim3A_1) -> (vector<16xi32>, vector<16xi32>)  : i32 {
      %eq3A_316 = vector.broadcast %scan3A_313 : i32 to vector<16xi32>
      %eq3A_317 = arith.cmpi eq, %get3A_283, %eq3A_316 : vector<16xi32>
      %jit3A = arith.constant 1 : i32
      %jit3A_318 = arith.constant 0 : i32
      %broadcast_in_dim3A_319 = vector.broadcast %jit3A : i32 to vector<16xi32>
      %broadcast_in_dim3A_320 = vector.broadcast %jit3A_318 : i32 to vector<16xi32>
      %select_n3A_321 = arith.select %eq3A_317, %broadcast_in_dim3A_319, %broadcast_in_dim3A_320 : vector<16xi1>, vector<16xi32>
      %broadcast_in_dim3A_322 = arith.constant true
      %broadcast_in_dim3A_323 = vector.broadcast %broadcast_in_dim3A_322 : i1 to vector<16xi1>
      %masked_cumsum3A_324 = tpu.scan <sum>, %select_n3A_321 masked %broadcast_in_dim3A_323 : vector<16xi32>, vector<16xi1> -> vector<16xi32>
      %sub3A_325 = arith.subi %masked_cumsum3A_324, %select_n3A_321 : vector<16xi32>
      %eq3A_326 = vector.broadcast %scan3A_313 : i32 to vector<16xi32>
      %eq3A_327 = arith.cmpi eq, %iota3A, %eq3A_326 : vector<16xi32>
      %select_n3A_328 = arith.select %eq3A_327, %add3A_281, %broadcast_in_dim3A_1 : vector<16xi1>, vector<16xi32>
      %reduce_sum3A = arith.constant true
      %reduce_sum3A_329 = vector.broadcast %reduce_sum3A : i1 to vector<16xi1>
      %reduce_sum3A_330 = tpu.scan <sum>, %select_n3A_328 masked %reduce_sum3A_329 : vector<16xi32>, vector<16xi1> -> vector<16xi32>
      %reduce_sum3A_331 = vector.extract %reduce_sum3A_330[15] : i32 from vector<16xi32>
      %eq3A_332 = vector.broadcast %scan3A_313 : i32 to vector<16xi32>
      %eq3A_333 = arith.cmpi eq, %get3A_283, %eq3A_332 : vector<16xi32>
      %add3A_334 = vector.broadcast %reduce_sum3A_331 : i32 to vector<16xi32>
      %add3A_335 = arith.addi %add3A_334, %sub3A_325 : vector<16xi32>
      %select_n3A_336 = arith.select %eq3A_333, %add3A_335, %scan3A_314 : vector<16xi1>, vector<16xi32>
      %eq3A_337 = vector.broadcast %scan3A_313 : i32 to vector<16xi32>
      %eq3A_338 = arith.cmpi eq, %iota3A, %eq3A_337 : vector<16xi32>
      %reduce_sum3A_339 = arith.constant true
      %reduce_sum3A_340 = vector.broadcast %reduce_sum3A_339 : i1 to vector<16xi1>
      %reduce_sum3A_341 = tpu.scan <sum>, %select_n3A_321 masked %reduce_sum3A_340 : vector<16xi32>, vector<16xi1> -> vector<16xi32>
      %reduce_sum3A_342 = vector.extract %reduce_sum3A_341[15] : i32 from vector<16xi32>
      %jit3A_343 = arith.constant 0 : i32
      %broadcast_in_dim3A_344 = vector.broadcast %reduce_sum3A_342 : i32 to vector<16xi32>
      %broadcast_in_dim3A_345 = vector.broadcast %jit3A_343 : i32 to vector<16xi32>
      %select_n3A_346 = arith.select %eq3A_338, %broadcast_in_dim3A_344, %broadcast_in_dim3A_345 : vector<16xi1>, vector<16xi32>
      %add3A_347 = arith.addi %scan3A_315, %select_n3A_346 : vector<16xi32>
      scf.yield %select_n3A_336, %add3A_347 : vector<16xi32>, vector<16xi32>
    }
    %scan3A_289 = arith.constant 7 : i32
    %swap3A_290 = arith.constant 96 : index
    %swap3A_291 = tpu.vector_load %arg9[%swap3A_290] {strides = array<i32>} : memref<128xi32, #tpu.memory_space<vmem>>, vector<16xi32>,
    tpu.vector_store %arg9[%swap3A_290], %scan3A_288#0 {strides = array<i32>} : memref<128xi32, #tpu.memory_space<vmem>>, vector<16xi32>,
    %add3A_292 = arith.addi %add3A_281, %scan3A_288#1 : vector<16xi32>
    %get3A_293 = arith.constant 112 : index
    %get3A_294 = tpu.vector_load %arg7[%get3A_293] {strides = array<i32>} : memref<128xi32, #tpu.memory_space<vmem>>, vector<16xi32>,
    %scan3A_295 = arith.constant 0 : i32
    %scan3A_296 = arith.constant 7 : i32
    %scan3A_297 = arith.addi %scan3A_295, %scan3A_296 : i32
    %scan3A_298 = arith.constant 1 : i32
    %scan3A_299:2 = scf.for %scan3A_313 = %scan3A_295 to %scan3A_297 step %scan3A_298 iter_args(%scan3A_314 = %broadcast_in_dim3A_1, %scan3A_315 = %broadcast_in_dim3A_1) -> (vector<16xi32>, vector<16xi32>)  : i32 {
      %eq3A_316 = vector.broadcast %scan3A_313 : i32 to vector<16xi32>
      %eq3A_317 = arith.cmpi eq, %get3A_294, %eq3A_316 : vector<16xi32>
      %jit3A = arith.constant 1 : i32
      %jit3A_318 = arith.constant 0 : i32
      %broadcast_in_dim3A_319 = vector.broadcast %jit3A : i32 to vector<16xi32>
      %broadcast_in_dim3A_320 = vector.broadcast %jit3A_318 : i32 to vector<16xi32>
      %select_n3A_321 = arith.select %eq3A_317, %broadcast_in_dim3A_319, %broadcast_in_dim3A_320 : vector<16xi1>, vector<16xi32>
      %broadcast_in_dim3A_322 = arith.constant true
      %broadcast_in_dim3A_323 = vector.broadcast %broadcast_in_dim3A_322 : i1 to vector<16xi1>
      %masked_cumsum3A_324 = tpu.scan <sum>, %select_n3A_321 masked %broadcast_in_dim3A_323 : vector<16xi32>, vector<16xi1> -> vector<16xi32>
      %sub3A_325 = arith.subi %masked_cumsum3A_324, %select_n3A_321 : vector<16xi32>
      %eq3A_326 = vector.broadcast %scan3A_313 : i32 to vector<16xi32>
      %eq3A_327 = arith.cmpi eq, %iota3A, %eq3A_326 : vector<16xi32>
      %select_n3A_328 = arith.select %eq3A_327, %add3A_292, %broadcast_in_dim3A_1 : vector<16xi1>, vector<16xi32>
      %reduce_sum3A = arith.constant true
      %reduce_sum3A_329 = vector.broadcast %reduce_sum3A : i1 to vector<16xi1>
      %reduce_sum3A_330 = tpu.scan <sum>, %select_n3A_328 masked %reduce_sum3A_329 : vector<16xi32>, vector<16xi1> -> vector<16xi32>
      %reduce_sum3A_331 = vector.extract %reduce_sum3A_330[15] : i32 from vector<16xi32>
      %eq3A_332 = vector.broadcast %scan3A_313 : i32 to vector<16xi32>
      %eq3A_333 = arith.cmpi eq, %get3A_294, %eq3A_332 : vector<16xi32>
      %add3A_334 = vector.broadcast %reduce_sum3A_331 : i32 to vector<16xi32>
      %add3A_335 = arith.addi %add3A_334, %sub3A_325 : vector<16xi32>
      %select_n3A_336 = arith.select %eq3A_333, %add3A_335, %scan3A_314 : vector<16xi1>, vector<16xi32>
      %eq3A_337 = vector.broadcast %scan3A_313 : i32 to vector<16xi32>
      %eq3A_338 = arith.cmpi eq, %iota3A, %eq3A_337 : vector<16xi32>
      %reduce_sum3A_339 = arith.constant true
      %reduce_sum3A_340 = vector.broadcast %reduce_sum3A_339 : i1 to vector<16xi1>
      %reduce_sum3A_341 = tpu.scan <sum>, %select_n3A_321 masked %reduce_sum3A_340 : vector<16xi32>, vector<16xi1> -> vector<16xi32>
      %reduce_sum3A_342 = vector.extract %reduce_sum3A_341[15] : i32 from vector<16xi32>
      %jit3A_343 = arith.constant 0 : i32
      %broadcast_in_dim3A_344 = vector.broadcast %reduce_sum3A_342 : i32 to vector<16xi32>
      %broadcast_in_dim3A_345 = vector.broadcast %jit3A_343 : i32 to vector<16xi32>
      %select_n3A_346 = arith.select %eq3A_338, %broadcast_in_dim3A_344, %broadcast_in_dim3A_345 : vector<16xi1>, vector<16xi32>
      %add3A_347 = arith.addi %scan3A_315, %select_n3A_346 : vector<16xi32>
      scf.yield %select_n3A_336, %add3A_347 : vector<16xi32>, vector<16xi32>
    }
    %scan3A_300 = arith.constant 7 : i32
    %swap3A_301 = arith.constant 112 : index
    %swap3A_302 = tpu.vector_load %arg9[%swap3A_301] {strides = array<i32>} : memref<128xi32, #tpu.memory_space<vmem>>, vector<16xi32>,
    tpu.vector_store %arg9[%swap3A_301], %scan3A_299#0 {strides = array<i32>} : memref<128xi32, #tpu.memory_space<vmem>>, vector<16xi32>,
    %add3A_303 = arith.addi %add3A_292, %scan3A_299#1 : vector<16xi32>
    %dma_wait3A = arith.constant 0 : i32
    %dma_wait3A_304 = tpu.memref_slice %arg3[%mul3A_0, %dma_wait3A] : memref<2048x768xf32, #tpu.memory_space<hbm>> -> memref<128x768xf32, #tpu.memory_space<hbm>>
    %dma_wait3A_305 = arith.constant 0 : i32
    %dma_wait3A_306 = tpu.memref_slice %arg3[%mul3A_0, %dma_wait3A_305] : memref<2048x768xf32, #tpu.memory_space<hbm>> -> memref<128x768xf32, #tpu.memory_space<hbm>>
    tpu.wait_dma2 semaphore(%arg18 : memref<!tpu.dma_semaphore, #tpu.memory_space<semaphore_mem>>) src(%dma_wait3A_306 : memref<128x768xf32, #tpu.memory_space<hbm>>) dst(%arg8 : memref<128x768xf32, #tpu.memory_space<vmem>>)
    %dma_start3A_307 = arith.constant 0 : i32
    %dma_start3A_308 = arith.constant 0 : i32
    %dma_start3A_309 = tpu.memref_slice %arg4[%dma_start3A_307, %dma_start3A_308] : memref<2048x768xf32, #tpu.memory_space<hbm>> -> memref<2048x768xf32, #tpu.memory_space<hbm>>
    tpu.enqueue_indirect_dma source(%arg8 : memref<128x768xf32, #tpu.memory_space<vmem>>) target(%dma_start3A_309 : memref<2048x768xf32, #tpu.memory_space<hbm>>) offsets(%arg9 : memref<128xi32, #tpu.memory_space<vmem>>) semaphore(%arg19 : memref<!tpu.dma_semaphore, #tpu.memory_space<semaphore_mem>>)
    %dma_wait3A_310 = arith.constant 0 : i32
    %dma_wait3A_311 = arith.constant 0 : i32
    %dma_wait3A_312 = tpu.memref_slice %arg4[%dma_wait3A_310, %dma_wait3A_311] : memref<2048x768xf32, #tpu.memory_space<hbm>> -> memref<2048x768xf32, #tpu.memory_space<hbm>>
    tpu.wait_indirect_dma semaphore(%arg19 : memref<!tpu.dma_semaphore, #tpu.memory_space<semaphore_mem>>) src(%arg8 : memref<128x768xf32, #tpu.memory_space<vmem>>) dst(%dma_wait3A_312 : memref<2048x768xf32, #tpu.memory_space<hbm>>)
    "tpu.region"() ({
      %run_scoped3A = tpu.sem_alloc : memref<!tpu.dma_semaphore, #tpu.memory_space<semaphore_mem>>
      %dma_start3A_313 = tpu.memref_slice %arg5[%mul3A_0] : memref<2048xi32, #tpu.memory_space<hbm>> -> memref<128xi32, #tpu.memory_space<hbm>>
      %dma_start3A_314 = tpu.memref_slice %arg5[%mul3A_0] : memref<2048xi32, #tpu.memory_space<hbm>> -> memref<128xi32, #tpu.memory_space<hbm>>
      tpu.enqueue_dma source(%arg9 : memref<128xi32, #tpu.memory_space<vmem>>) target(%dma_start3A_314 : memref<128xi32, #tpu.memory_space<hbm>>) target_semaphore(%run_scoped3A : memref<!tpu.dma_semaphore, #tpu.memory_space<semaphore_mem>>)
      %dma_wait3A_315 = tpu.memref_slice %arg5[%mul3A_0] : memref<2048xi32, #tpu.memory_space<hbm>> -> memref<128xi32, #tpu.memory_space<hbm>>
      %dma_wait3A_316 = tpu.memref_slice %arg5[%mul3A_0] : memref<2048xi32, #tpu.memory_space<hbm>> -> memref<128xi32, #tpu.memory_space<hbm>>
      tpu.wait_dma2 semaphore(%run_scoped3A : memref<!tpu.dma_semaphore, #tpu.memory_space<semaphore_mem>>) src(%arg9 : memref<128xi32, #tpu.memory_space<vmem>>) dst(%dma_wait3A_316 : memref<128xi32, #tpu.memory_space<hbm>>)
      tpu.yield
    }) : () -> ()
    return
  }
}

module attributes {stable_mosaic.version = 14 : i64} {
  func.func @_shared_kernel(%arg0: i32, %arg1: memref<256x768xf32, #tpu.memory_space<vmem>>, %arg2: memref<1x768x1536xf32, #tpu.memory_space<vmem>>, %arg3: memref<1x768x768xf32, #tpu.memory_space<vmem>>, %arg4: memref<256x768xf32, #tpu.memory_space<vmem>>) attributes {dimension_semantics = [#tpu.dimension_semantics<arbitrary>], iteration_bounds = array<i64: 8>, scalar_prefetch = 0 : i64, scratch_operands = 0 : i64, tpu.core_type = #tpu.core_type<tc>, window_params = [{transform_indices = @transform_0, window_bounds = array<i64: 256, 768>}, {transform_indices = @transform_1, window_bounds = array<i64: 1, 768, 1536>}, {transform_indices = @transform_2, window_bounds = array<i64: 1, 768, 768>}, {transform_indices = @transform_3, window_bounds = array<i64: 256, 768>}]} {
    %get3A = arith.constant 0 : index
    %get3A_0 = arith.constant 0 : index
    %get3A_1 = vector.load %arg1[%get3A, %get3A_0] : memref<256x768xf32, #tpu.memory_space<vmem>>, vector<256x768xf32>
    %get3A_2 = arith.constant 0 : index
    %get3A_3 = arith.constant 0 : index
    %get3A_4 = arith.constant 0 : index
    %get3A_5 = vector.load %arg2[%get3A_2, %get3A_3, %get3A_4] : memref<1x768x1536xf32, #tpu.memory_space<vmem>>, vector<1x768x1536xf32>
    %get3A_6 = vector.shape_cast %get3A_5 : vector<1x768x1536xf32> to vector<768x1536xf32>
    %dot_general3A = arith.constant dense<0.000000e+00> : vector<256x1536xf32>
    %dot_general3A_7 = tpu.matmul %get3A_1, %get3A_6, %dot_general3A {dimension_numbers = #tpu.dot_dimension_numbers<[1], [0], [0], [1], [0, 0, 1, 1], [], []>, transpose_lhs_hint = false} : vector<256x768xf32>, vector<768x1536xf32>, vector<256x1536xf32> -> vector<256x1536xf32>
    %slice3A = vector.extract_strided_slice %dot_general3A_7 {offsets = [0, 0], sizes = [256, 768], strides = [1, 1]} : vector<256x1536xf32> to vector<256x768xf32>
    %slice3A_8 = vector.extract_strided_slice %dot_general3A_7 {offsets = [0, 768], sizes = [256, 768], strides = [1, 1]} : vector<256x1536xf32> to vector<256x768xf32>
    %mul3A = arith.mulf %slice3A, %slice3A_8 : vector<256x768xf32>
    %logistic3A = arith.negf %slice3A_8 : vector<256x768xf32>
    %logistic3A_9 = math.exp %logistic3A : vector<256x768xf32>
    %logistic3A_10 = arith.constant 1.000000e+00 : f32
    %logistic3A_11 = vector.broadcast %logistic3A_10 : f32 to vector<256x768xf32>
    %logistic3A_12 = arith.addf %logistic3A_11, %logistic3A_9 : vector<256x768xf32>
    %logistic3A_13 = arith.divf %logistic3A_11, %logistic3A_12 : vector<256x768xf32>
    %mul3A_14 = arith.mulf %mul3A, %logistic3A_13 : vector<256x768xf32>
    %get3A_15 = arith.constant 0 : index
    %get3A_16 = arith.constant 0 : index
    %get3A_17 = arith.constant 0 : index
    %get3A_18 = vector.load %arg3[%get3A_15, %get3A_16, %get3A_17] : memref<1x768x768xf32, #tpu.memory_space<vmem>>, vector<1x768x768xf32>
    %get3A_19 = vector.shape_cast %get3A_18 : vector<1x768x768xf32> to vector<768x768xf32>
    %dot_general3A_20 = arith.constant dense<0.000000e+00> : vector<256x768xf32>
    %dot_general3A_21 = tpu.matmul %mul3A_14, %get3A_19, %dot_general3A_20 {dimension_numbers = #tpu.dot_dimension_numbers<[1], [0], [0], [1], [0, 0, 1, 1], [], []>, transpose_lhs_hint = false} : vector<256x768xf32>, vector<768x768xf32>, vector<256x768xf32> -> vector<256x768xf32>
    %swap3A = arith.constant 0 : index
    %swap3A_22 = arith.constant 0 : index
    %swap3A_23 = vector.load %arg4[%swap3A, %swap3A_22] : memref<256x768xf32, #tpu.memory_space<vmem>>, vector<256x768xf32>
    tpu.vector_store %arg4[%swap3A, %swap3A_22], %dot_general3A_21 {strides = array<i32>} : memref<256x768xf32, #tpu.memory_space<vmem>>, vector<256x768xf32>,
    return
  }
  func.func @transform_0(%arg0: i32) -> (i32, i32) {
    %c0_i32 = arith.constant 0 : i32
    %c0_i32_0 = arith.constant 0 : i32
    return %arg0, %c0_i32 : i32, i32
  }
  func.func @transform_1(%arg0: i32) -> (i32, i32, i32) {
    %c7_i32 = arith.constant 7 : i32
    %c0_i32 = arith.constant 0 : i32
    %c0_i32_0 = arith.constant 0 : i32
    %c0_i32_1 = arith.constant 0 : i32
    return %c7_i32, %c0_i32, %c0_i32_0 : i32, i32, i32
  }
  func.func @transform_2(%arg0: i32) -> (i32, i32, i32) {
    %c7_i32 = arith.constant 7 : i32
    %c0_i32 = arith.constant 0 : i32
    %c0_i32_0 = arith.constant 0 : i32
    %c0_i32_1 = arith.constant 0 : i32
    return %c7_i32, %c0_i32, %c0_i32_0 : i32, i32, i32
  }
  func.func @transform_3(%arg0: i32) -> (i32, i32) {
    %c0_i32 = arith.constant 0 : i32
    %c0_i32_0 = arith.constant 0 : i32
    return %arg0, %c0_i32 : i32, i32
  }
}

module attributes {stable_mosaic.version = 14 : i64} {
  func.func @_router_kernel(%arg0: i32, %arg1: memref<1x2048x768xf32, #tpu.memory_space<vmem>>, %arg2: memref<768x8xf32, #tpu.memory_space<vmem>>, %arg3: memref<1x1x2048xi32, #tpu.memory_space<vmem>>) attributes {dimension_semantics = [#tpu.dimension_semantics<arbitrary>], iteration_bounds = array<i64: 1>, scalar_prefetch = 0 : i64, scratch_operands = 0 : i64, tpu.core_type = #tpu.core_type<tc>, window_params = [{pipeline_mode = #tpu.pipeline_mode<synchronous>, transform_indices = @transform_0, window_bounds = array<i64: 1, 2048, 768>}, {pipeline_mode = #tpu.pipeline_mode<synchronous>, transform_indices = @transform_1, window_bounds = array<i64: 768, 8>}, {pipeline_mode = #tpu.pipeline_mode<synchronous>, transform_indices = @transform_2, window_bounds = array<i64: 1, 1, 2048>}]} {
    %get3A = arith.constant 0 : index
    %get3A_0 = arith.constant 0 : index
    %get3A_1 = arith.constant 0 : index
    %get3A_2 = vector.load %arg1[%get3A, %get3A_0, %get3A_1] : memref<1x2048x768xf32, #tpu.memory_space<vmem>>, vector<1x2048x768xf32>
    %get3A_3 = vector.shape_cast %get3A_2 : vector<1x2048x768xf32> to vector<2048x768xf32>
    %get3A_4 = arith.constant 0 : index
    %get3A_5 = arith.constant 0 : index
    %get3A_6 = vector.load %arg2[%get3A_4, %get3A_5] : memref<768x8xf32, #tpu.memory_space<vmem>>, vector<768x8xf32>
    %dot_general3A = arith.constant dense<0.000000e+00> : vector<2048x8xf32>
    %dot_general3A_7 = tpu.matmul %get3A_3, %get3A_6, %dot_general3A {dimension_numbers = #tpu.dot_dimension_numbers<[1], [0], [0], [1], [0, 0, 1, 1], [], []>, transpose_lhs_hint = false} : vector<2048x768xf32>, vector<768x8xf32>, vector<2048x8xf32> -> vector<2048x8xf32>
    %iota3A = tpu.iota {dimensions = array<i32: 1>} : vector<2048x8xi32>
    %lt3A = arith.constant 7 : i32
    %lt3A_8 = vector.broadcast %lt3A : i32 to vector<2048x8xi32>
    %lt3A_9 = arith.cmpi slt, %iota3A, %lt3A_8 : vector<2048x8xi32>
    %jit3A = arith.constant 0xFF800000 : f32
    %broadcast_in_dim3A = vector.broadcast %jit3A : f32 to vector<2048x8xf32>
    %select_n3A = arith.select %lt3A_9, %dot_general3A_7, %broadcast_in_dim3A : vector<2048x8xi1>, vector<2048x8xf32>
    %reduce_max3A = arith.constant dense<0xFF800000> : vector<2048xf32>
    %reduce_max3A_10 = vector.multi_reduction <maximumf>, %select_n3A, %reduce_max3A [1] : vector<2048x8xf32> to vector<2048xf32>
    %broadcast_in_dim3A_11 = vector.shape_cast %reduce_max3A_10 : vector<2048xf32> to vector<2048x1xf32>
    %ge3A = vector.broadcast %broadcast_in_dim3A_11 : vector<2048x1xf32> to vector<2048x8xf32>
    %ge3A_12 = arith.cmpf oge, %select_n3A, %ge3A : vector<2048x8xf32>
    %jit3A_13 = arith.constant 7 : i32
    %broadcast_in_dim3A_14 = vector.broadcast %jit3A_13 : i32 to vector<2048x8xi32>
    %select_n3A_15 = arith.select %ge3A_12, %iota3A, %broadcast_in_dim3A_14 : vector<2048x8xi1>, vector<2048x8xi32>
    %reduce_min3A = arith.constant dense<2147483647> : vector<2048xi32>
    %reduce_min3A_16 = vector.multi_reduction <minsi>, %select_n3A_15, %reduce_min3A [1] : vector<2048x8xi32> to vector<2048xi32>
    %swap3A = arith.constant 0 : index
    %swap3A_17 = arith.constant 0 : index
    %swap3A_18 = arith.constant 0 : index
    %swap3A_19 = vector.load %arg3[%swap3A, %swap3A_17, %swap3A_18] : memref<1x1x2048xi32, #tpu.memory_space<vmem>>, vector<1x1x2048xi32>
    %swap3A_20 = vector.shape_cast %swap3A_19 : vector<1x1x2048xi32> to vector<2048xi32>
    %swap3A_21 = vector.shape_cast %reduce_min3A_16 : vector<2048xi32> to vector<1x1x2048xi32>
    tpu.vector_store %arg3[%swap3A, %swap3A_17, %swap3A_18], %swap3A_21 {strides = array<i32>} : memref<1x1x2048xi32, #tpu.memory_space<vmem>>, vector<1x1x2048xi32>,
    return
  }
  func.func @transform_0(%arg0: i32) -> (i32, i32, i32) {
    %c0_i32 = arith.constant 0 : i32
    %c0_i32_0 = arith.constant 0 : i32
    %c0_i32_1 = arith.constant 0 : i32
    %c0_i32_2 = arith.constant 0 : i32
    return %c0_i32, %c0_i32_0, %c0_i32_1 : i32, i32, i32
  }
  func.func @transform_1(%arg0: i32) -> (i32, i32) {
    %c0_i32 = arith.constant 0 : i32
    %c0_i32_0 = arith.constant 0 : i32
    %c0_i32_1 = arith.constant 0 : i32
    return %c0_i32, %c0_i32_0 : i32, i32
  }
  func.func @transform_2(%arg0: i32) -> (i32, i32, i32) {
    %c0_i32 = arith.constant 0 : i32
    %c0_i32_0 = arith.constant 0 : i32
    %c0_i32_1 = arith.constant 0 : i32
    %c0_i32_2 = arith.constant 0 : i32
    return %c0_i32, %c0_i32_0, %c0_i32_1 : i32, i32, i32
  }
}

module attributes {stable_mosaic.version = 14 : i64} {
  func.func @_gmm_kernel(%arg0: i32, %arg1: memref<80xi32, #tpu.memory_space<smem>>, %arg2: memref<256x768xf32, #tpu.memory_space<vmem>>, %arg3: memref<256x768xf32, #tpu.memory_space<vmem>>, %arg4: memref<1x768x1536xf32, #tpu.memory_space<vmem>>, %arg5: memref<1x768x768xf32, #tpu.memory_space<vmem>>, %arg6: memref<256x768xf32, #tpu.memory_space<vmem>>) attributes {dimension_semantics = [#tpu.dimension_semantics<arbitrary>], iteration_bounds = array<i64: 16>, scalar_prefetch = 1 : i64, scratch_operands = 0 : i64, tpu.core_type = #tpu.core_type<tc>, window_params = [{transform_indices = @transform_0, window_bounds = array<i64: 256, 768>}, {transform_indices = @transform_1, window_bounds = array<i64: 256, 768>}, {transform_indices = @transform_2, window_bounds = array<i64: 1, 768, 1536>}, {transform_indices = @transform_3, window_bounds = array<i64: 1, 768, 768>}, {transform_indices = @transform_4, window_bounds = array<i64: 256, 768>}]} {
    %add3A = arith.constant 32 : i32
    %add3A_0 = arith.addi %add3A, %arg0 : i32
    %get3A = arith.index_cast %add3A_0 : i32 to index
    %get3A_1 = memref.load %arg1[%get3A] : memref<80xi32, #tpu.memory_space<smem>>
    %add3A_2 = arith.constant 48 : i32
    %add3A_3 = arith.addi %add3A_2, %arg0 : i32
    %get3A_4 = arith.index_cast %add3A_3 : i32 to index
    %get3A_5 = memref.load %arg1[%get3A_4] : memref<80xi32, #tpu.memory_space<smem>>
    %add3A_6 = arith.constant 64 : i32
    %add3A_7 = arith.addi %add3A_6, %arg0 : i32
    %get3A_8 = arith.index_cast %add3A_7 : i32 to index
    %get3A_9 = memref.load %arg1[%get3A_8] : memref<80xi32, #tpu.memory_space<smem>>
    %eq3A = arith.constant 1 : i32
    %eq3A_10 = arith.cmpi eq, %get3A_9, %eq3A : i32
    %convert_element_type3A = arith.extui %eq3A_10 : i1 to i32
    %cond3A = arith.constant 0 : i32
    %cond3A_11 = arith.cmpi ne, %convert_element_type3A, %cond3A : i32
    scf.if %cond3A_11 {
      %get3A_15 = arith.constant 0 : index
      %get3A_16 = arith.constant 0 : index
      %get3A_17 = vector.load %arg3[%get3A_15, %get3A_16] : memref<256x768xf32, #tpu.memory_space<vmem>>, vector<256x768xf32>
      %swap3A = arith.constant 0 : index
      %swap3A_18 = arith.constant 0 : index
      %swap3A_19 = vector.load %arg6[%swap3A, %swap3A_18] : memref<256x768xf32, #tpu.memory_space<vmem>>, vector<256x768xf32>
      tpu.vector_store %arg6[%swap3A, %swap3A_18], %get3A_17 {strides = array<i32>} : memref<256x768xf32, #tpu.memory_space<vmem>>, vector<256x768xf32>,
    } else {
    }
    %lt3A = arith.cmpi slt, %get3A_1, %get3A_5 : i32
    %convert_element_type3A_12 = arith.extui %lt3A : i1 to i32
    %cond3A_13 = arith.constant 0 : i32
    %cond3A_14 = arith.cmpi ne, %convert_element_type3A_12, %cond3A_13 : i32
    scf.if %cond3A_14 {
      %get3A_15 = arith.constant 0 : index
      %get3A_16 = arith.constant 0 : index
      %get3A_17 = vector.load %arg2[%get3A_15, %get3A_16] : memref<256x768xf32, #tpu.memory_space<vmem>>, vector<256x768xf32>
      %get3A_18 = arith.constant 0 : index
      %get3A_19 = arith.constant 0 : index
      %get3A_20 = arith.constant 0 : index
      %get3A_21 = vector.load %arg4[%get3A_18, %get3A_19, %get3A_20] : memref<1x768x1536xf32, #tpu.memory_space<vmem>>, vector<1x768x1536xf32>
      %get3A_22 = vector.shape_cast %get3A_21 : vector<1x768x1536xf32> to vector<768x1536xf32>
      %dot_general3A = arith.constant dense<0.000000e+00> : vector<256x1536xf32>
      %dot_general3A_23 = tpu.matmul %get3A_17, %get3A_22, %dot_general3A {dimension_numbers = #tpu.dot_dimension_numbers<[1], [0], [0], [1], [0, 0, 1, 1], [], []>, transpose_lhs_hint = false} : vector<256x768xf32>, vector<768x1536xf32>, vector<256x1536xf32> -> vector<256x1536xf32>
      %slice3A = vector.extract_strided_slice %dot_general3A_23 {offsets = [0, 0], sizes = [256, 768], strides = [1, 1]} : vector<256x1536xf32> to vector<256x768xf32>
      %slice3A_24 = vector.extract_strided_slice %dot_general3A_23 {offsets = [0, 768], sizes = [256, 768], strides = [1, 1]} : vector<256x1536xf32> to vector<256x768xf32>
      %mul3A = arith.mulf %slice3A, %slice3A_24 : vector<256x768xf32>
      %logistic3A = arith.negf %slice3A_24 : vector<256x768xf32>
      %logistic3A_25 = math.exp %logistic3A : vector<256x768xf32>
      %logistic3A_26 = arith.constant 1.000000e+00 : f32
      %logistic3A_27 = vector.broadcast %logistic3A_26 : f32 to vector<256x768xf32>
      %logistic3A_28 = arith.addf %logistic3A_27, %logistic3A_25 : vector<256x768xf32>
      %logistic3A_29 = arith.divf %logistic3A_27, %logistic3A_28 : vector<256x768xf32>
      %mul3A_30 = arith.mulf %mul3A, %logistic3A_29 : vector<256x768xf32>
      %get3A_31 = arith.constant 0 : index
      %get3A_32 = arith.constant 0 : index
      %get3A_33 = arith.constant 0 : index
      %get3A_34 = vector.load %arg5[%get3A_31, %get3A_32, %get3A_33] : memref<1x768x768xf32, #tpu.memory_space<vmem>>, vector<1x768x768xf32>
      %get3A_35 = vector.shape_cast %get3A_34 : vector<1x768x768xf32> to vector<768x768xf32>
      %dot_general3A_36 = arith.constant dense<0.000000e+00> : vector<256x768xf32>
      %dot_general3A_37 = tpu.matmul %mul3A_30, %get3A_35, %dot_general3A_36 {dimension_numbers = #tpu.dot_dimension_numbers<[1], [0], [0], [1], [0, 0, 1, 1], [], []>, transpose_lhs_hint = false} : vector<256x768xf32>, vector<768x768xf32>, vector<256x768xf32> -> vector<256x768xf32>
      %iota3A = tpu.iota {dimensions = array<i32: 0>} : vector<256x1xi32>
      %ge3A = vector.broadcast %get3A_1 : i32 to vector<256x1xi32>
      %ge3A_38 = arith.cmpi sge, %iota3A, %ge3A : vector<256x1xi32>
      %lt3A_39 = vector.broadcast %get3A_5 : i32 to vector<256x1xi32>
      %lt3A_40 = arith.cmpi slt, %iota3A, %lt3A_39 : vector<256x1xi32>
      %and3A = arith.andi %ge3A_38, %lt3A_40 : vector<256x1xi1>
      %get3A_41 = arith.constant 0 : index
      %get3A_42 = arith.constant 0 : index
      %get3A_43 = vector.load %arg6[%get3A_41, %get3A_42] : memref<256x768xf32, #tpu.memory_space<vmem>>, vector<256x768xf32>
      %jit3A = arith.constant 0.000000e+00 : f32
      %broadcast_in_dim3A = vector.shape_cast %and3A : vector<256x1xi1> to vector<256x1xi1>
      %broadcast_in_dim3A_44 = vector.broadcast %broadcast_in_dim3A : vector<256x1xi1> to vector<256x768xi1>
      %broadcast_in_dim3A_45 = vector.broadcast %jit3A : f32 to vector<256x768xf32>
      %select_n3A = arith.select %broadcast_in_dim3A_44, %dot_general3A_37, %broadcast_in_dim3A_45 : vector<256x768xi1>, vector<256x768xf32>
      %add3A_46 = arith.addf %get3A_43, %select_n3A : vector<256x768xf32>
      %swap3A = arith.constant 0 : index
      %swap3A_47 = arith.constant 0 : index
      %swap3A_48 = vector.load %arg6[%swap3A, %swap3A_47] : memref<256x768xf32, #tpu.memory_space<vmem>>, vector<256x768xf32>
      tpu.vector_store %arg6[%swap3A, %swap3A_47], %add3A_46 {strides = array<i32>} : memref<256x768xf32, #tpu.memory_space<vmem>>, vector<256x768xf32>,
    } else {
    }
    return
  }
  func.func @transform_0(%arg0: i32, %arg1: memref<80xi32, #tpu.memory_space<smem>>) -> (i32, i32) {
    %get3A = arith.index_cast %arg0 : i32 to index
    %get3A_0 = memref.load %arg1[%get3A] : memref<80xi32, #tpu.memory_space<smem>>
    %c0_i32 = arith.constant 0 : i32
    %c0_i32_1 = arith.constant 0 : i32
    return %get3A_0, %c0_i32 : i32, i32
  }
  func.func @transform_1(%arg0: i32, %arg1: memref<80xi32, #tpu.memory_space<smem>>) -> (i32, i32) {
    %get3A = arith.index_cast %arg0 : i32 to index
    %get3A_0 = memref.load %arg1[%get3A] : memref<80xi32, #tpu.memory_space<smem>>
    %c0_i32 = arith.constant 0 : i32
    %c0_i32_1 = arith.constant 0 : i32
    return %get3A_0, %c0_i32 : i32, i32
  }
  func.func @transform_2(%arg0: i32, %arg1: memref<80xi32, #tpu.memory_space<smem>>) -> (i32, i32, i32) {
    %add3A = arith.constant 16 : i32
    %add3A_0 = arith.addi %add3A, %arg0 : i32
    %get3A = arith.index_cast %add3A_0 : i32 to index
    %get3A_1 = memref.load %arg1[%get3A] : memref<80xi32, #tpu.memory_space<smem>>
    %c0_i32 = arith.constant 0 : i32
    %c0_i32_2 = arith.constant 0 : i32
    %c0_i32_3 = arith.constant 0 : i32
    return %get3A_1, %c0_i32, %c0_i32_2 : i32, i32, i32
  }
  func.func @transform_3(%arg0: i32, %arg1: memref<80xi32, #tpu.memory_space<smem>>) -> (i32, i32, i32) {
    %add3A = arith.constant 16 : i32
    %add3A_0 = arith.addi %add3A, %arg0 : i32
    %get3A = arith.index_cast %add3A_0 : i32 to index
    %get3A_1 = memref.load %arg1[%get3A] : memref<80xi32, #tpu.memory_space<smem>>
    %c0_i32 = arith.constant 0 : i32
    %c0_i32_2 = arith.constant 0 : i32
    %c0_i32_3 = arith.constant 0 : i32
    return %get3A_1, %c0_i32, %c0_i32_2 : i32, i32, i32
  }
  func.func @transform_4(%arg0: i32, %arg1: memref<80xi32, #tpu.memory_space<smem>>) -> (i32, i32) {
    %get3A = arith.index_cast %arg0 : i32 to index
    %get3A_0 = memref.load %arg1[%get3A] : memref<80xi32, #tpu.memory_space<smem>>
    %c0_i32 = arith.constant 0 : i32
    %c0_i32_1 = arith.constant 0 : i32
    return %get3A_0, %c0_i32 : i32, i32
  }
}

</mosaic_0001>

<sc_bundles>
// kernel: _run.6.cloned.1.call-start
scs
__scs_entry_jumppad:
0x0: {  	(pc) =	sbr.rel $0x88, $3  }
0x1: {  	(tag) =	ssettag $0x0;
	lr =	simm.s32 $0x1  }
0x2: {  	[smem:$0x3F9D] =	sst lr;
	_ =	strace $0xD0000000  }
0x3: {  	_ = 	snop  }
0x4: {  	_ = 	snop  }
0x5: {  	_ = 	snop  }
0x6: {  	_ = 	snop  }
0x7: {  	_ = 	snop  }
__scs_overlays_trampoline_lowered:
0x8: {  	[smem:$0x3FAC] =	sst s0  }
0x9: {  	[smem:$0x3FAD] =	sst s1  }
0xa: {  	[smem:$0x3FAE] =	sst s2  }
0xb: {  	[smem:$0x3FAF] =	sst s3  }
0xc: {  	[smem:$0x3FB0] =	sst s4  }
0xd: {  	[smem:$0x3FB1] =	sst s5  }
0xe: {  	[smem:$0x3FB2] =	sst s6  }
0xf: {  	[smem:$0x3FB3] =	sst s7  }
0x10: {  	[smem:$0x3FB4] =	sst s8  }
0x11: {  	[smem:$0x3FB5] =	sst s9;
	s0 =	simm.s32 @!p0 $0x0  }
0x12: {  	s1 =	sld [smem:$0x3F9B];
	s0 =	simm.s32 @p0 $0x1  }
0x13: {  	[smem:$0x3FB6] =	sst s0;
	s0 =	simm.s32 @!p1 $0x0  }
0x14: {  	s2 =	sld [smem:$0x3F9A];
	s0 =	simm.s32 @p1 $0x1  }
0x15: {  	[smem:$0x3FB7] =	sst s0;
	s0 =	simm.s32 @!p2 $0x0  }
0x16: {  	s3 =	sld [smem:$0x3FDB];
	s0 =	simm.s32 @p2 $0x1  }
0x17: {  	s4 =	simm.s32 $0x1BF5;
	[smem:$0x3FB9] =	sst s0  }
0x18: {  	s0 =	sld [smem:$0x3F9C];
	_ =	swait.ge [sflag:s4], $0x0  }
0x19: {  	s7 =	sld [smem:$0x3F9D]  }
0x1a: {  	s8 =	sadd.s32 $0xFFFFE003, lr  }
0x1b: {  	s9 =	sadd.s32 $0xFFFFFEF7, lr;
	s5 =	simm.s32 $0xFFFFFFFF;
	p2 =	slt.u32 s8, $0xFFFFF086  }
0x1c: {  	p1 =	slt.u32 s9, $0xF7A;
	s5 =	simm.s32 @!p2 $0x0  }
0x1d: {  	s5 =	simm.s32 @p1 $0x1;
	p0 =	seq.s32 s7, s2  }
0x1e: {  	s7 =	smul.u32 @!p0 $0xF7A, s2;
	p2 =	seq.s32 @!p0 s5, $0x0  }
0x1f: {  	s9 =	smul.u32 $0xF7A, s1;
	s8 =	simm.s32 @!p0 $0x1BF5;
	p2 =	por !p2, p0  }
0x20: {  	[sflag:s8] =	ssyncset.s32 @!p0 $0xFFFFF086;
	s6 =	sadd.s32 @!p0 s3, s7;
	s7 =	simm.s32 @!p0 $0x108  }
0x21: {  	s3 =	sadd.s32 s3, s9;
	s6 =	sadd.s32 @!p0 $0x88, s6;
	s7 =	simm.s32 @p2 $0x1082  }
0x22: {  	[simem:s7], [sflag:s8] =	dma.local @!p0 [hbm:s6], $0xF7A  }
0x23: {  	s9 =	sor.u32 $0xD0000000, s2;
	s6 =	simm.s32 $0x108;
	_ =	swait.ge @!p0 [sflag:s8], $0x0  }
0x24: {  	s3 =	sadd.s32 $0x88, s3;
	s6 =	simm.s32 @!p1 $0x1082;
	[sflag:s4] =	ssyncset.s32 $0xFFFFF086  }
0x25: {  	[simem:s6], [sflag:s4] =	dma.local [hbm:s3], $0xF7A  }
0x26: {  	[smem:$0x3F9D] =	sst s1;
	(tag) =	ssettag s2;
	_ =	strace s9  }
0x27: {  	s1 =	sld [smem:$0x3FAD]  }
0x28: {  	s2 =	sld [smem:$0x3FAE]  }
0x29: {  	s4 =	sld [smem:$0x3FB0]  }
0x2a: {  	p0 =	seq.s32 s5, $0x0;
	s5 =	sld [smem:$0x3FB1]  }
0x2b: {  	s6 =	sld [smem:$0x3FB2]  }
0x2c: {  	s7 =	sld [smem:$0x3FB3]  }
0x2d: {  	s3 =	simm.s32 $0x108;
	s8 =	sld [smem:$0x3FB4]  }
0x2e: {  	s3 =	simm.s32 @!p0 $0x1082;
	s9 =	sld [smem:$0x3FB5]  }
0x2f: {  	lr =	sadd.s32 s0, s3;
	s0 =	sld [smem:$0x3FAC]  }
0x30: {  	s3 =	sld [smem:$0x3FAF]  }
0x31: {  	[smem:$0x3FB8] =	sst s10  }
0x32: {  	s10 =	sld [smem:$0x3FB6];
	_ =	sdelay $0x3  }
0x33: {  	p0 =	seq.s32 s10, $0x1;
	s10 =	sld [smem:$0x3FB8];
	_ =	sdelay $0x3  }
0x34: {  	[smem:$0x3FB8] =	sst s10  }
0x35: {  	s10 =	sld [smem:$0x3FB7];
	_ =	sdelay $0x3  }
0x36: {  	p1 =	seq.s32 s10, $0x1;
	s10 =	sld [smem:$0x3FB8];
	_ =	sdelay $0x3  }
0x37: {  	[smem:$0x3FB8] =	sst s10  }
0x38: {  	s10 =	sld [smem:$0x3FB9]  }
0x39: {  	_ = 	snop;
	(pc) =	sbr.ind lr, $3  }
0x3a: {  	_ = 	snop  }
0x3b: {  	_ = 	snop  }
0x3c: {  	p2 =	seq.s32 s10, $0x1;
	s10 =	sld [smem:$0x3FB8]  }
0x3d: {  	_ =	shalt  }
0x3e: {  	_ =	shalt  }
0x3f: {  	_ =	shalt  }
0x40: {  	_ =	shalt  }
0x41: {  	_ =	shalt  }
0x42: {  	_ =	shalt  }
0x43: {  	_ =	shalt  }
0x44: {  	_ =	shalt  }
0x45: {  	_ =	shalt  }
0x46: {  	_ =	shalt  }
0x47: {  	_ =	shalt  }
0x48: {  	_ =	shalt  }
0x49: {  	_ =	shalt  }
0x4a: {  	_ =	shalt  }
0x4b: {  	_ =	shalt  }
0x4c: {  	_ =	shalt  }
0x4d: {  	_ =	shalt  }
0x4e: {  	_ =	shalt  }
0x4f: {  	_ =	shalt  }
0x50: {  	_ =	shalt  }
0x51: {  	_ =	shalt  }
0x52: {  	_ =	shalt  }
0x53: {  	_ =	shalt  }
0x54: {  	_ =	shalt  }
0x55: {  	_ =	shalt  }
0x56: {  	_ =	shalt  }
0x57: {  	_ =	shalt  }
0x58: {  	_ =	shalt  }
0x59: {  	_ =	shalt  }
0x5a: {  	_ =	shalt  }
0x5b: {  	_ =	shalt  }
0x5c: {  	_ =	shalt  }
0x5d: {  	_ =	shalt  }
0x5e: {  	_ =	shalt  }
0x5f: {  	_ =	shalt  }
0x60: {  	_ =	shalt  }
0x61: {  	_ =	shalt  }
0x62: {  	_ =	shalt  }
0x63: {  	_ =	shalt  }
0x64: {  	_ =	shalt  }
0x65: {  	_ =	shalt  }
0x66: {  	_ =	shalt  }
0x67: {  	_ =	shalt  }
0x68: {  	_ =	shalt  }
0x69: {  	_ =	shalt  }
0x6a: {  	_ =	shalt  }
0x6b: {  	_ =	shalt  }
0x6c: {  	_ =	shalt  }
0x6d: {  	_ =	shalt  }
0x6e: {  	_ =	shalt  }
0x6f: {  	_ =	shalt  }
0x70: {  	_ =	shalt  }
0x71: {  	_ =	shalt  }
0x72: {  	_ =	shalt  }
0x73: {  	_ =	shalt  }
0x74: {  	_ =	shalt  }
0x75: {  	_ =	shalt  }
0x76: {  	_ =	shalt  }
0x77: {  	_ =	shalt  }
0x78: {  	_ =	shalt  }
0x79: {  	_ =	shalt  }
0x7a: {  	_ =	shalt  }
0x7b: {  	_ =	shalt  }
0x7c: {  	_ =	shalt  }
0x7d: {  	_ =	shalt  }
0x7e: {  	_ =	shalt  }
0x7f: {  	_ =	shalt  }
0x80: {  	_ =	shalt  }
0x81: {  	_ =	shalt  }
0x82: {  	_ =	shalt  }
0x83: {  	_ =	shalt  }
0x84: {  	_ =	shalt  }
0x85: {  	_ =	shalt  }
0x86: {  	_ =	shalt  }
0x87: {  	_ =	shalt  }
.Lfunc_end0:
.L_simem_size_0:
called_computation.1_lowered:
.L_overlay_start_0:
0x88: {  	s0 =	sld [smem:$0x3FD9]  }
0x89: {  	s1 =	sld [smem:$0x3FFE];
	_ =	sdelay $0x3  }
0x8a: {  	s0 =	sadd.s32 s1, s0  }
0x8b: {  	[smem:$0x3FC4] =	sst s0  }
0x8c: {  	_ = 	snop  }
0x8d: {  	s0 =	sld [smem:$0x3FC9]  }
0x8e: {  	s16 =	sld [smem:$0x3FD0];
	(tm) =	ssettm $0x1  }
0x8f: {  	s2 =	sld [smem:$0x3FFB];
	_ =	sdelay $0x3  }
0x90: {  	_ =	strace s2  }
0x91: {  	s2 =	sld [smem:$0x3FFC];
	_ =	sdelay $0x3  }
0x92: {  	_ =	strace s2  }
0x93: {  	s2 =	sld [smem:$0x3FFD];
	_ =	sdelay $0x3  }
0x94: {  	_ =	strace s2  }
0x95: {  	_ =	strace $0x8FFFFFFF  }
0x96: {  	s17 =	sld [smem:$0x3FDB];
	_ =	sdelay $0x1  }
0x97: {  	s3 =	simm.s32 $_scs_section_size  }
0x98: {  	s4 =	simm.s32 $_size__tile_overlayer_lowered;
	s5 =	simm.s32 $_tile_overlayer_lowered  }
0x99: {  	s20 =	simm.s32 $0x1BFF;
	s19 =	sshll.u32 s5, $0x1;
	s2 =	sadd.s32 s3, s17  }
0x9a: {  	s6 =	simm.s32 $0x0;
	s18 =	sshll.u32 s4, $0x1;
	s4 =	sadd.s32 s19, s2  }
0x9b: {  	[timem:s6], [sflag:s20] =	dma.local [hbm:s4], s18  }
0x9c: {  	_ =	swait.ge [sflag:s20], s18  }
0x9d: {  	s3 =	ssub.s32 $0x0, s18;
	[sflag:s20] =	ssyncset.done $0x0  }
0x9e: {  	[sflag:s20] =	ssyncadd.s32 s3;
	_ =	sdelay $0x1  }
0x9f: {  	s21 =	simm.s32 $0x1B8B  }
0xa0: {  	_ =	swait.ge [sflag:s21], $0x1  }
0xa1: {  	[sflag:s21] =	ssyncset.done $0x0  }
0xa2: {  	s23 =	simm.s32 $0x1B8E;
	s22 =	sld [smem:$0x3FFE];
	[sflag:s21] =	ssyncadd.s32 $0xFFFFFFFF  }
0xa3: {  	s24 =	simm.s32 $execute0_lowered;
	[smem:$0x3FD2] =	sst s23  }
0xa4: {  	s4 =	sshll.u32 s24, $0x1;
	_ =	strace $0x80000046;
	[dreg:$0x1] =	wrdreg $0xFFFFFFFF  }
0xa5: {  	s25 =	simm.s32 $_size_execute0_lowered;
	s2 =	sadd.s32 s2, s4;
	[dreg:$0x0] =	wrdreg $0x0  }
0xa6: {  	s4 =	sshll.u32 s25, $0x1;
	[dreg:$0x2] =	wrdreg s2  }
0xa7: {  	[dreg:$0x3] =	wrdreg s4  }
0xa8: {  	[dreg:$0x4] =	wrdreg $0xC0  }
0xa9: {  	_ =	task [dreg:s6], $0x5FFFF  }
0xaa: {  	[dreg:$0x1] =	wrdreg $0xFFFFFFFF  }
0xab: {  	[dreg:$0x0] =	wrdreg $0x60  }
0xac: {  	[dreg:$0x2] =	wrdreg s22  }
0xad: {  	[dreg:$0x3] =	wrdreg s0  }
0xae: {  	[dreg:$0x4] =	wrdreg s16  }
0xaf: {  	[dreg:$0x5] =	wrdreg $0x185000  }
0xb0: {  	[dreg:$0x6] =	wrdreg $0x9  }
0xb1: {  	_ =	task.clear_ibuf [dreg:s6], $0x7FFFF;
	_ =	strace $0x90000046  }
0xb2: {  	s26 =	simm.s32 $0x9;
	_ =	strace $0x80000048  }
0xb3: {  	_ =	swait.ge [sflag:s26], $0x1  }
0xb4: {  	[sflag:s26] =	ssyncadd.s32 $0xFFFFFFFF  }
0xb5: {  	_ =	strace $0x90000048  }
0xb6: {  	_ =	sfence  }
0xb7: {  	s28 =	sld [smem:$0x0];
	_ =	sdelay $0x1  }
0xb8: {  	s29 =	srdreg.scid  }
0xb9: {  	s30 =	sshll.u32 s29, $0xD;
	s31 =	sshrl.u32 s29, $0x2  }
0xba: {  	s1 =	sand.u32 $0x1, s29;
	s2 =	sand.u32 $0x4000, s30;
	s0 =	sadd.s32 s31, s28  }
0xbb: {  	s1 =	sor.u32 s2, s1;
	s0 =	sshll.u32 s0, $0x11  }
0xbc: {  	s0 =	sor.u32 s0, s1  }
0xbd: {  	s0 =	sadd.s32 $0x8F2B, s0  }
0xbe: {  	[sflag:s0] =	ssyncadd.remote.s32 $0x1  }
0xbf: {  	_ =	sfence.sel $0xFFFF  }
0xc0: {  	[dreg:$0x0] =	wrdreg $0xFFFFFFFF;
	(pc) =	sbr.abs _section_cstart, $3  }
0xc1: {  	[dreg:$0x1] =	wrdreg $0xFFFFFFFF  }
0xc2: {  	_ =	task.clear_ibuf [dreg:s6], $0x2FFFF;
	_ =	strace $0x9FFFFFFF  }
0xc3: {  	(tm) =	ssettm $0x7FFFFFFF  }
tec
execute0_lowered:
.L_overlay_start_1:
0x0: {  	(tag) =	ssettag $0x1  }
0x1: {  	s4 =	rddreg [dreg:$0x0]  }
0x2: {  	s3 =	rddreg [dreg:$0x1]  }
0x3: {  	s1 =	rddreg [dreg:$0x2]  }
0x4: {  	s7 =	rddreg [dreg:$0x3];
	s6 =	stileid.u32  }
0x5: {  	s0 =	rddreg [dreg:$0x4];
	s8 =	simm.s32 $0x0;
	s5 =	smul.u32 $0x3000, s6  }
0x6: {  	s29 =	simm.s32 $0x80;
	[smem:$0x7FF] =	sst s8;
	s2 =	sshll.u32 s6, $0x4  }
0x7: {  	_ =	strace $0x80000047;
	s9 =	sadd.s32 s2, s4;
	s3 =	sadd.s32 s3, s5  }
0x8: {  	[tilespmem:s29], [sflag:$0x1] =	stream.linear.gather [hbm4b:s3+s8], $0x18000, $0x38;
	[tilespmem:$0x18510] =	vst v63  }
0x9: {  	s31 =	simm.s32 $0x3;
	s30 =	sadd.s32 $0x1600, s9  }
0xa: {  	[tilespmem:s8], [sflag:$0x3] =	stream.linear.gather [hbm4b:s30+s8], $0x80, $0x38;
	[tilespmem:$0x18510] =	vst v63  }
0xb: {  	_ =	swait.ge [sflag:s31], $0x80  }
0xc: {  	[sflag:s31] =	ssyncset.done $0x0  }
0xd: {  	[sflag:s31] =	ssyncadd.s32 $0xFFFFFF80  }
0xe: {  	v1 =	vld [tilespmem:$0x0];
	_ =	sdelay $0x4  }
0xf: {  	v2 =	vimm.s32 $0x0;
	vm0 =	veq.s32 v1, s8  }
0x10: {  	v0 =	vsel vm0, $0x1, v2  }
0x11: {  	(xrf0) =	vadd.scan.msk.s32 $0xffff, v0;
	_ =	sdelay $0x2  }
0x12: {  	s5 =	simm.s32 $0x1  }
0x13: {  	vm14 =	veq.s32 v1, s5  }
0x14: {  	v5 =	vsel vm14, $0x1, v2  }
0x15: {  	v3, _, _ =	vpop (xrf0);
	(xrf0) =	vadd.scan.msk.s32 $0xffff, v5  }
0x16: {  	v4 =	vmov s8;
	v0 =	vlaneseq.u32;
	v3 =	vbroadcast v3, $0xF  }
0x17: {  	vm15 =	veq.s32 v4, v0  }
0x18: {  	s3 =	sadd.s32 $0x1800, s4;
	s4 =	sadd.s32 $0x1A00, s4;
	s8 =	simm.s32 $0x2;
	v5 =	vnsel vm15, $0x0, v3;
	v3 =	vimm.s32 $0x0  }
.LBB2_1:
0x19: {  	vm0 =	veq.s32 v1, s8;
	p0 =	sne.s32 s8, $0x6;
	v3 =	vadd.s32 v3, v5;
	s9 =	smov.u32 s8;
	s8 =	sadd.s32 $0x1, s8  }
.Ltmp0:
0x1a: {  	v5 =	vsel vm0, $0x1, v2;
	(pc) =	sbr.rel @p0 .LBB2_1-.Ltmp0, $4  }
0x1b: {  	(xrf0) =	vadd.scan.msk.s32 $0xffff, v5;
	v4, _, _ =	vpop (xrf0)  }
0x1c: {  	v5 =	vmov s5;
	s5 =	smov.u32 s9;
	v4 =	vbroadcast v4, $0xF  }
0x1d: {  	vm0 =	veq.s32 v5, v0  }
0x1e: {  	v5 =	vnsel vm0, $0x0, v4  }
0x1f: {  	v1 =	vld [tilespmem:$0x10];
	_ =	sdelay $0x3  }
0x20: {  	s8 =	simm.s32 $0x0  }
0x21: {  	v4 =	vimm.s32 $0x0;
	vm0 =	veq.s32 v1, s8  }
0x22: {  	v2 =	vsel vm0, $0x1, v4  }
0x23: {  	(xrf0) =	vadd.scan.msk.s32 $0xffff, v2;
	_ =	sdelay $0x2  }
0x24: {  	v6 =	vmov s5;
	s5 =	simm.s32 $0x1  }
0x25: {  	vm14 =	veq.s32 v1, s5;
	v2, _, _ =	vpop (xrf0)  }
0x26: {  	v3 =	vadd.s32 v3, v5;
	v5 =	vsel vm14, $0x1, v4;
	v2 =	vbroadcast v2, $0xF  }
0x27: {  	vm13 =	veq.s32 v6, v0;
	v7 =	vmov s8;
	(xrf0) =	vadd.scan.msk.s32 $0xffff, v5;
	v6, _, _ =	vpop (xrf0)  }
0x28: {  	v0 =	vnsel vm13, $0x0, v2;
	v2 =	vlaneseq.u32;
	v6 =	vbroadcast v6, $0xF  }
0x29: {  	vm15 =	veq.s32 v7, v2  }
0x2a: {  	s8 =	simm.s32 $0x2;
	v3 =	vadd.s32 v3, v0;
	v5 =	vnsel vm15, $0x0, v6  }
.LBB2_3:
0x2b: {  	vm0 =	veq.s32 v1, s8;
	p0 =	sne.s32 s8, $0x6;
	v3 =	vadd.s32 v3, v5;
	s9 =	smov.u32 s8;
	s8 =	sadd.s32 $0x1, s8  }
.Ltmp1:
0x2c: {  	v5 =	vsel vm0, $0x1, v4;
	(pc) =	sbr.rel @p0 .LBB2_3-.Ltmp1, $4  }
0x2d: {  	(xrf0) =	vadd.scan.msk.s32 $0xffff, v5;
	v0, _, _ =	vpop (xrf0)  }
0x2e: {  	v5 =	vmov s5;
	s5 =	smov.u32 s9;
	v0 =	vbroadcast v0, $0xF  }
0x2f: {  	vm0 =	veq.s32 v5, v2  }
0x30: {  	v5 =	vnsel vm0, $0x0, v0  }
0x31: {  	v0 =	vld [tilespmem:$0x20];
	_ =	sdelay $0x3  }
0x32: {  	s8 =	simm.s32 $0x0  }
0x33: {  	v4 =	vimm.s32 $0x0;
	vm0 =	veq.s32 v0, s8  }
0x34: {  	v1 =	vsel vm0, $0x1, v4  }
0x35: {  	(xrf0) =	vadd.scan.msk.s32 $0xffff, v1;
	_ =	sdelay $0x2  }
0x36: {  	v6 =	vmov s5;
	s5 =	simm.s32 $0x1  }
0x37: {  	vm14 =	veq.s32 v0, s5;
	v1, _, _ =	vpop (xrf0)  }
0x38: {  	v3 =	vadd.s32 v3, v5;
	v5 =	vsel vm14, $0x1, v4;
	v1 =	vbroadcast v1, $0xF  }
0x39: {  	vm13 =	veq.s32 v6, v2;
	v7 =	vmov s8;
	(xrf0) =	vadd.scan.msk.s32 $0xffff, v5;
	v6, _, _ =	vpop (xrf0)  }
0x3a: {  	v2 =	vnsel vm13, $0x0, v1;
	v1 =	vlaneseq.u32;
	v6 =	vbroadcast v6, $0xF  }
0x3b: {  	vm15 =	veq.s32 v7, v1  }
0x3c: {  	s8 =	simm.s32 $0x2;
	v2 =	vadd.s32 v3, v2;
	v5 =	vnsel vm15, $0x0, v6  }
.LBB2_5:
0x3d: {  	vm0 =	veq.s32 v0, s8;
	p0 =	sne.s32 s8, $0x6;
	v2 =	vadd.s32 v2, v5;
	s9 =	smov.u32 s8;
	s8 =	sadd.s32 $0x1, s8  }
.Ltmp2:
0x3e: {  	v5 =	vsel vm0, $0x1, v4;
	(pc) =	sbr.rel @p0 .LBB2_5-.Ltmp2, $4  }
0x3f: {  	(xrf0) =	vadd.scan.msk.s32 $0xffff, v5;
	v3, _, _ =	vpop (xrf0)  }
0x40: {  	v5 =	vmov s5;
	s5 =	smov.u32 s9;
	v3 =	vbroadcast v3, $0xF  }
0x41: {  	vm0 =	veq.s32 v5, v1  }
0x42: {  	v5 =	vnsel vm0, $0x0, v3  }
0x43: {  	v0 =	vld [tilespmem:$0x30];
	_ =	sdelay $0x3  }
0x44: {  	s8 =	simm.s32 $0x0  }
0x45: {  	v3 =	vimm.s32 $0x0;
	vm0 =	veq.s32 v0, s8  }
0x46: {  	v4 =	vsel vm0, $0x1, v3  }
0x47: {  	(xrf0) =	vadd.scan.msk.s32 $0xffff, v4;
	_ =	sdelay $0x2  }
0x48: {  	v6 =	vmov s5;
	s5 =	simm.s32 $0x1  }
0x49: {  	vm14 =	veq.s32 v0, s5  }
0x4a: {  	v2 =	vadd.s32 v2, v5;
	v5 =	vsel vm14, $0x1, v3;
	v4, _, _ =	vpop (xrf0)  }
0x4b: {  	vm13 =	veq.s32 v6, v1;
	(xrf0) =	vadd.scan.msk.s32 $0xffff, v5;
	v4 =	vbroadcast v4, $0xF;
	v6, _, _ =	vpop (xrf0)  }
0x4c: {  	v1 =	vlaneseq.u32;
	v7 =	vmov s8;
	v6 =	vbroadcast v6, $0xF  }
0x4d: {  	vm15 =	veq.s32 v7, v1;
	v4 =	vnsel vm13, $0x0, v4  }
0x4e: {  	s8 =	simm.s32 $0x2;
	v2 =	vadd.s32 v2, v4;
	v4 =	vnsel vm15, $0x0, v6  }
.LBB2_7:
0x4f: {  	vm0 =	veq.s32 v0, s8;
	p0 =	sne.s32 s8, $0x6;
	v2 =	vadd.s32 v2, v4;
	s9 =	smov.u32 s8;
	s8 =	sadd.s32 $0x1, s8  }
.Ltmp3:
0x50: {  	v5 =	vsel vm0, $0x1, v3;
	(pc) =	sbr.rel @p0 .LBB2_7-.Ltmp3, $4  }
0x51: {  	(xrf0) =	vadd.scan.msk.s32 $0xffff, v5;
	v4, _, _ =	vpop (xrf0)  }
0x52: {  	v5 =	vmov s5;
	s5 =	smov.u32 s9;
	v4 =	vbroadcast v4, $0xF  }
0x53: {  	vm0 =	veq.s32 v5, v1  }
0x54: {  	v4 =	vnsel vm0, $0x0, v4  }
0x55: {  	v0 =	vld [tilespmem:$0x40];
	_ =	sdelay $0x3  }
0x56: {  	s8 =	simm.s32 $0x0  }
0x57: {  	v3 =	vimm.s32 $0x0;
	vm0 =	veq.s32 v0, s8  }
0x58: {  	v5 =	vsel vm0, $0x1, v3  }
0x59: {  	(xrf0) =	vadd.scan.msk.s32 $0xffff, v5;
	_ =	sdelay $0x2  }
0x5a: {  	v6 =	vmov s5;
	s5 =	simm.s32 $0x1  }
0x5b: {  	vm14 =	veq.s32 v0, s5  }
0x5c: {  	v2 =	vadd.s32 v2, v4;
	v4 =	vsel vm14, $0x1, v3;
	v5, _, _ =	vpop (xrf0)  }
0x5d: {  	vm13 =	veq.s32 v6, v1;
	(xrf0) =	vadd.scan.msk.s32 $0xffff, v4;
	v5 =	vbroadcast v5, $0xF;
	v6, _, _ =	vpop (xrf0)  }
0x5e: {  	v1 =	vlaneseq.u32;
	v7 =	vmov s8;
	v6 =	vbroadcast v6, $0xF  }
0x5f: {  	vm15 =	veq.s32 v7, v1;
	v5 =	vnsel vm13, $0x0, v5  }
0x60: {  	s8 =	simm.s32 $0x2;
	v2 =	vadd.s32 v2, v5;
	v4 =	vnsel vm15, $0x0, v6  }
.LBB2_9:
0x61: {  	vm0 =	veq.s32 v0, s8;
	p0 =	sne.s32 s8, $0x6;
	v2 =	vadd.s32 v2, v4;
	s9 =	smov.u32 s8;
	s8 =	sadd.s32 $0x1, s8  }
.Ltmp4:
0x62: {  	v5 =	vsel vm0, $0x1, v3;
	(pc) =	sbr.rel @p0 .LBB2_9-.Ltmp4, $4  }
0x63: {  	(xrf0) =	vadd.scan.msk.s32 $0xffff, v5;
	v4, _, _ =	vpop (xrf0)  }
0x64: {  	v5 =	vmov s5;
	s5 =	smov.u32 s9;
	v4 =	vbroadcast v4, $0xF  }
0x65: {  	vm0 =	veq.s32 v5, v1  }
0x66: {  	v4 =	vnsel vm0, $0x0, v4  }
0x67: {  	v0 =	vld [tilespmem:$0x50];
	_ =	sdelay $0x3  }
0x68: {  	s8 =	simm.s32 $0x0  }
0x69: {  	v3 =	vimm.s32 $0x0;
	vm0 =	veq.s32 v0, s8  }
0x6a: {  	v5 =	vsel vm0, $0x1, v3  }
0x6b: {  	(xrf0) =	vadd.scan.msk.s32 $0xffff, v5;
	_ =	sdelay $0x2  }
0x6c: {  	v6 =	vmov s5;
	s5 =	simm.s32 $0x1  }
0x6d: {  	vm14 =	veq.s32 v0, s5  }
0x6e: {  	v2 =	vadd.s32 v2, v4;
	v4 =	vsel vm14, $0x1, v3;
	v5, _, _ =	vpop (xrf0)  }
0x6f: {  	vm13 =	veq.s32 v6, v1;
	(xrf0) =	vadd.scan.msk.s32 $0xffff, v4;
	v5 =	vbroadcast v5, $0xF;
	v6, _, _ =	vpop (xrf0)  }
0x70: {  	v1 =	vlaneseq.u32;
	v7 =	vmov s8;
	v6 =	vbroadcast v6, $0xF  }
0x71: {  	vm15 =	veq.s32 v7, v1;
	v5 =	vnsel vm13, $0x0, v5  }
0x72: {  	s8 =	simm.s32 $0x2;
	v2 =	vadd.s32 v2, v5;
	v4 =	vnsel vm15, $0x0, v6  }
.LBB2_11:
0x73: {  	vm0 =	veq.s32 v0, s8;
	p0 =	sne.s32 s8, $0x6;
	v2 =	vadd.s32 v2, v4;
	s9 =	smov.u32 s8;
	s8 =	sadd.s32 $0x1, s8  }
.Ltmp5:
0x74: {  	v5 =	vsel vm0, $0x1, v3;
	(pc) =	sbr.rel @p0 .LBB2_11-.Ltmp5, $4  }
0x75: {  	(xrf0) =	vadd.scan.msk.s32 $0xffff, v5;
	v4, _, _ =	vpop (xrf0)  }
0x76: {  	v5 =	vmov s5;
	s5 =	smov.u32 s9;
	v4 =	vbroadcast v4, $0xF  }
0x77: {  	vm0 =	veq.s32 v5, v1  }
0x78: {  	v4 =	vnsel vm0, $0x0, v4  }
0x79: {  	v0 =	vld [tilespmem:$0x60];
	_ =	sdelay $0x3  }
0x7a: {  	s8 =	simm.s32 $0x0  }
0x7b: {  	v3 =	vimm.s32 $0x0;
	vm0 =	veq.s32 v0, s8  }
0x7c: {  	v5 =	vsel vm0, $0x1, v3  }
0x7d: {  	(xrf0) =	vadd.scan.msk.s32 $0xffff, v5;
	_ =	sdelay $0x2  }
0x7e: {  	v6 =	vmov s5;
	s5 =	simm.s32 $0x1  }
0x7f: {  	vm14 =	veq.s32 v0, s5  }
0x80: {  	v2 =	vadd.s32 v2, v4;
	v4 =	vsel vm14, $0x1, v3;
	v5, _, _ =	vpop (xrf0)  }
0x81: {  	vm13 =	veq.s32 v6, v1;
	(xrf0) =	vadd.scan.msk.s32 $0xffff, v4;
	v5 =	vbroadcast v5, $0xF;
	v6, _, _ =	vpop (xrf0)  }
0x82: {  	v1 =	vlaneseq.u32;
	v7 =	vmov s8;
	v6 =	vbroadcast v6, $0xF  }
0x83: {  	vm15 =	veq.s32 v7, v1;
	v5 =	vnsel vm13, $0x0, v5  }
0x84: {  	s8 =	simm.s32 $0x2;
	v2 =	vadd.s32 v2, v5;
	v4 =	vnsel vm15, $0x0, v6  }
.LBB2_13:
0x85: {  	vm0 =	veq.s32 v0, s8;
	p0 =	sne.s32 s8, $0x6;
	v2 =	vadd.s32 v2, v4;
	s9 =	smov.u32 s8;
	s8 =	sadd.s32 $0x1, s8  }
.Ltmp6:
0x86: {  	v5 =	vsel vm0, $0x1, v3;
	(pc) =	sbr.rel @p0 .LBB2_13-.Ltmp6, $4  }
0x87: {  	(xrf0) =	vadd.scan.msk.s32 $0xffff, v5;
	v4, _, _ =	vpop (xrf0)  }
0x88: {  	v5 =	vmov s5;
	s5 =	smov.u32 s9;
	v4 =	vbroadcast v4, $0xF  }
0x89: {  	vm0 =	veq.s32 v5, v1  }
0x8a: {  	v4 =	vnsel vm0, $0x0, v4  }
0x8b: {  	v0 =	vld [tilespmem:$0x70];
	_ =	sdelay $0x3  }
0x8c: {  	s8 =	simm.s32 $0x0  }
0x8d: {  	v3 =	vimm.s32 $0x0;
	vm0 =	veq.s32 v0, s8  }
0x8e: {  	v5 =	vsel vm0, $0x1, v3  }
0x8f: {  	(xrf0) =	vadd.scan.msk.s32 $0xffff, v5;
	_ =	sdelay $0x2  }
0x90: {  	v6 =	vmov s5;
	s5 =	simm.s32 $0x1  }
0x91: {  	vm14 =	veq.s32 v0, s5  }
0x92: {  	v2 =	vadd.s32 v2, v4;
	v4 =	vsel vm14, $0x1, v3;
	v5, _, _ =	vpop (xrf0)  }
0x93: {  	vm13 =	veq.s32 v6, v1;
	(xrf0) =	vadd.scan.msk.s32 $0xffff, v4;
	v5 =	vbroadcast v5, $0xF;
	v6, _, _ =	vpop (xrf0)  }
0x94: {  	v1 =	vlaneseq.u32;
	v7 =	vmov s8;
	v6 =	vbroadcast v6, $0xF  }
0x95: {  	vm15 =	veq.s32 v7, v1;
	v5 =	vnsel vm13, $0x0, v5  }
0x96: {  	s8 =	simm.s32 $0x2;
	v2 =	vadd.s32 v2, v5;
	v4 =	vnsel vm15, $0x0, v6  }
.LBB2_15:
0x97: {  	vm0 =	veq.s32 v0, s8;
	p0 =	sne.s32 s8, $0x6;
	v2 =	vadd.s32 v2, v4;
	s9 =	smov.u32 s8;
	s8 =	sadd.s32 $0x1, s8  }
.Ltmp7:
0x98: {  	v5 =	vsel vm0, $0x1, v3;
	(pc) =	sbr.rel @p0 .LBB2_15-.Ltmp7, $4  }
0x99: {  	(xrf0) =	vadd.scan.msk.s32 $0xffff, v5;
	v4, _, _ =	vpop (xrf0)  }
0x9a: {  	v5 =	vmov s5;
	s5 =	smov.u32 s9;
	v4 =	vbroadcast v4, $0xF  }
0x9b: {  	vm0 =	veq.s32 v5, v1  }
0x9c: {  	v4 =	vnsel vm0, $0x0, v4  }
0x9d: {  	_ =	sdelay $0x1  }
0x9e: {  	v0, _, _ =	vpop (xrf0)  }
0x9f: {  	v3 =	vmov s5;
	v0 =	vbroadcast v0, $0xF  }
0xa0: {  	vm0 =	veq.s32 v3, v1  }
0xa1: {  	v1 =	vadd.s32 v2, v4;
	v0 =	vnsel vm0, $0x0, v0  }
0xa2: {  	v0 =	vadd.s32 v1, v0  }
0xa3: {  	s30 =	sadd.s32 s2, s7;
	s8 =	simm.s32 $0x18100;
	s5 =	simm.s32 $0x3;
	[tilespmem:$0x18100] =	vst v0  }
0xa4: {  	[spmem:s30] =	stream.linear.scatter [tilespmem:s8], [sflag:$0x3], $0x10, $0x38;
	[tilespmem:$0x18510] =	vst v63  }
0xa5: {  	_ =	swait.ge [sflag:s5], $0x10  }
0xa6: {  	[sflag:s5] =	ssyncset.done $0x0  }
0xa7: {  	[sflag:s5] =	ssyncadd.s32 $0xFFFFFFF0  }
0xa8: {  	s31 =	simm.s32 $0x18180;
	[bflag:$0x0] =	sbarrier.arrive $0xFFFF  }
0xa9: {  	[tilespmem:s31], [sflag:$0x3] =	stream.linear.gather [spmem:s7], $0x100, $0x38;
	[tilespmem:$0x18510] =	vst v63  }
0xaa: {  	_ =	swait.ge [sflag:s5], $0x100  }
0xab: {  	[sflag:s5] =	ssyncset.done $0x0  }
0xac: {  	[sflag:s5] =	ssyncadd.s32 $0xFFFFFF00  }
0xad: {  	v0 =	vld [tilespmem:$0x18180]  }
0xae: {  	v1 =	vld [tilespmem:$0x18190]  }
0xaf: {  	v2 =	vld [tilespmem:$0x181A0]  }
0xb0: {  	v3 =	vld [tilespmem:$0x181B0]  }
0xb1: {  	v61 =	vld [tilespmem:$0x181C0]  }
0xb2: {  	v5 =	vld [tilespmem:$0x181D0]  }
0xb3: {  	v7 =	vld [tilespmem:$0x181E0];
	v6 =	vadd.s32 v0, v1  }
0xb4: {  	v8 =	vld [tilespmem:$0x181F0];
	v6 =	vadd.s32 v2, v6  }
0xb5: {  	v9 =	vmov s6;
	v10 =	vld [tilespmem:$0x18200];
	v6 =	vadd.s32 v3, v6  }
0xb6: {  	vm15 =	veq.s32 v9, $0x0;
	v11 =	vld [tilespmem:$0x18210];
	v6 =	vadd.s32 v61, v6  }
0xb7: {  	vm1 =	vgt.u32 v9, $0x1;
	vm2 =	vgt.u32 v9, $0x2;
	v12 =	vld [tilespmem:$0x18220];
	v6 =	vadd.s32 v5, v6  }
0xb8: {  	v13 =	vld [tilespmem:$0x18230];
	v0 =	vsel vm15, $0x0, v0;
	v1 =	vnsel vm1, $0x0, v1;
	v6 =	vadd.s32 v7, v6  }
0xb9: {  	vm4 =	vgt.u32 v9, $0x3;
	v62 =	vld [tilespmem:$0x18240];
	v0 =	vadd.s32 v0, v1;
	v1 =	vadd.s32 v8, v6  }
0xba: {  	vm5 =	vgt.u32 v9, $0x4;
	v14 =	vld [tilespmem:$0x18250];
	v2 =	vnsel vm2, $0x0, v2;
	v1 =	vadd.s32 v10, v1  }
0xbb: {  	v0 =	vadd.s32 v2, v0;
	v2 =	vnsel vm4, $0x0, v3;
	v3 =	vld [tilespmem:$0x18260];
	v1 =	vadd.s32 v11, v1  }
0xbc: {  	vm6 =	vgt.u32 v9, $0x5;
	vm7 =	vgt.u32 v9, $0x6;
	v63 =	vld [tilespmem:$0x18270];
	v1 =	vadd.s32 v12, v1  }
0xbd: {  	vm8 =	vgt.u32 v9, $0x7;
	vm9 =	vgt.u32 v9, $0x8;
	v1 =	vadd.s32 v13, v1  }
0xbe: {  	v0 =	vadd.s32 v2, v0;
	v2 =	vnsel vm5, $0x0, v61;
	v1 =	vadd.s32 v62, v1  }
0xbf: {  	v0 =	vadd.s32 v2, v0;
	v2 =	vnsel vm6, $0x0, v5;
	v1 =	vadd.s32 v14, v1  }
0xc0: {  	v0 =	vadd.s32 v2, v0;
	v2 =	vnsel vm7, $0x0, v7;
	v1 =	vadd.s32 v3, v1  }
0xc1: {  	v0 =	vadd.s32 v2, v0;
	v2 =	vnsel vm8, $0x0, v8;
	v1 =	vadd.s32 v63, v1  }
0xc2: {  	vm10 =	vgt.u32 v9, $0x9;
	v0 =	vadd.s32 v2, v0;
	v2 =	vnsel vm9, $0x0, v10;
	(xrf0) =	vadd.scan.msk.s32 $0xffff, v1  }
0xc3: {  	vm11 =	vgt.u32 v9, $0xA;
	v0 =	vadd.s32 v2, v0;
	v2 =	vnsel vm10, $0x0, v11  }
0xc4: {  	p0 =	sne.s32 s6, $0x0;
	vm12 =	vgt.u32 v9, $0xB;
	v0 =	vadd.s32 v2, v0;
	v2 =	vnsel vm11, $0x0, v12  }
.Ltmp8:
0xc5: {  	vm13 =	vgt.u32 v9, $0xC;
	v0 =	vadd.s32 v2, v0;
	v2 =	vnsel vm12, $0x0, v13;
	(pc) =	sbr.rel @p0 .LBB2_18-.Ltmp8, $4  }
0xc6: {  	vm14 =	vgt.u32 v9, $0xD;
	v0 =	vadd.s32 v2, v0;
	v2 =	vnsel vm13, $0x0, v62  }
0xc7: {  	vm15 =	veq.s32 v9, $0xF;
	v0 =	vadd.s32 v2, v0;
	v2 =	vnsel vm14, $0x0, v14  }
0xc8: {  	v0 =	vadd.s32 v2, v0;
	v2 =	vnsel vm15, $0x0, v3;
	v3, _, _ =	vpop (xrf0)  }
0xc9: {  	v0 =	vadd.s32 v2, v0;
	v1 =	vsub.s32 v3, v1  }
0xca: {  	vm0 =	vmmov $0x1;
	vm9 =	vcmask $0x308  }
0xcb: {  	vm10 =	vcmask $0x70C;
	vm11 =	vcmask $0xB10;
	vm1 =	vcmask $0xF14  }
0xcc: {  	vm12 =	vcmask $0x1318;
	vm13 =	vcmask $0x1F1C;
	vm14 =	vcmask $0x300  }
0xcd: {  	vm3 =	vcmask $0x171C;
	vm15 =	vcmask $0x3B38;
	vm5 =	vcmask $0x2320  }
0xce: {  	vm6 =	vcmask $0x704;
	vm7 =	vcmask $0x3F3C;
	vm2 =	vcmask $0x3330  }
0xcf: {  	v37 =	vimm.s32 $0xFFFFFE00;
	v43 =	vimm.s32 $0x300;
	v17 =	vimm.s32 $0x200  }
0xd0: {  	v44 =	vimm.s32 $0x2;
	v59 =	vimm.s32 $0xFFFFFC00;
	v20 =	vimm.s32 $0x500  }
0xd1: {  	v21 =	vimm.s32 $0x400;
	v62 =	vimm.s32 $0x4;
	v25 =	vimm.s32 $0xFFFFFA00  }
0xd2: {  	v27 =	vimm.s32 $0x21065432;
	v2 =	vnsel vm0, $0x0, v1;
	v3 =	vsel vm1, $0x0, v1  }
0xd3: {  	vm4 =	vmor vm14, vm13;
	vm5 =	vmor vm6, vm5;
	vm0 =	vcmask $0x2B28  }
0xd4: {  	vm1 =	vcmask $0xF0C;
	vm14 =	vcmask $0x1700;
	(xrf0) =	vadd.scan.msk.s32 $0xffff, v2;
	v2 =	vsel vm9, $0x0, v1  }
0xd5: {  	v27 =	vunpack.c.l.s4.s8 v27;
	vm6 =	vmor vm4, vm15;
	(xrf0) =	vadd.scan.msk.s32 $0xffff, v2;
	v2 =	vsel vm10, $0x0, v1  }
0xd6: {  	vm8 =	vmor vm5, vm7;
	vm7 =	vcmask $0xB08;
	vm9 =	vcmask $0x2F2C;
	(xrf0) =	vadd.scan.msk.s32 $0xffff, v2  }
0xd7: {  	vm15 =	vcmask $0x1310;
	vm4 =	vcmask $0x3734;
	v38 =	vsel vm14, $0x0, v37  }
0xd8: {  	v2 =	vsel vm11, $0x0, v1;
	vm11 =	vmor vm1, vm0;
	vm1 =	vcmask $0x1B18  }
0xd9: {  	vm13 =	vmor vm15, vm9;
	vm0 =	vcmask $0x1714;
	vm14 =	vmor vm1, vm4  }
0xda: {  	v4, _, _ =	vpop (xrf0);
	(xrf0) =	vadd.scan.msk.s32 $0xffff, v2;
	v2 =	vsel vm12, $0x0, v1;
	vm12 =	vmor vm0, vm2;
	vm2 =	vcmask $0x331C  }
0xdb: {  	vm0 =	vcmask $0x1B00;
	v5, _, _ =	vpop (xrf0);
	(xrf0) =	vadd.scan.msk.s32 $0xffff, v3;
	v8 =	vbroadcast v4, $0xF;
	v4 =	vsel vm1, $0x800, v38  }
0xdc: {  	v17 =	vsel vm0, $0x0, v17;
	v6, _, _ =	vpop (xrf0);
	v5 =	vbroadcast v5, $0xF;
	(xrf0) =	vadd.scan.msk.s32 $0xffff, v2;
	v2 =	vsel vm3, $0x0, v1  }
0xdd: {  	vm3 =	vcmask $0x2724;
	v4 =	vsel vm2, $0xFFFFFF00, v4;
	vm2 =	vcmask $0x1300  }
0xde: {  	v6 =	vbroadcast v6, $0xF;
	v11 =	vnsel vm6, $0x0, v8;
	vm10 =	vmor vm7, vm3  }
0xdf: {  	v4 =	vsel vm4, $0x700, v4;
	v46 =	vnsel vm12, $0x0, v8;
	v20 =	vsel vm2, $0x300, v20  }
0xe0: {  	v21 =	vsel vm2, $0x200, v21;
	v28 =	vnsel vm11, $0x0, v8;
	v8 =	vnsel vm8, $0x0, v8  }
0xe1: {  	v3 =	vnsel vm6, $0x0, v5;
	v13 =	vnsel vm8, $0x0, v5;
	v47 =	vnsel vm14, $0x0, v5  }
0xe2: {  	v48 =	vnsel vm12, $0x0, v5;
	v29 =	vnsel vm11, $0x0, v5;
	v22 =	vnsel vm13, $0x0, v5  }
0xe3: {  	v5 =	vnsel vm10, $0x0, v5;
	v34 =	vnsel vm8, $0x0, v6;
	v49 =	vnsel vm14, $0x0, v6  }
0xe4: {  	v50 =	vnsel vm6, $0x0, v6;
	v30 =	vnsel vm13, $0x0, v6;
	v23 =	vnsel vm12, $0x0, v6;
	v7, _, _ =	vpop (xrf0)  }
0xe5: {  	v5 =	vadd.s32 v5, v8;
	v3 =	vadd.s32 v34, v3;
	(xrf0) =	vadd.scan.msk.s32 $0xffff, v2;
	v7 =	vbroadcast v7, $0xF;
	v2, _, _ =	vpop (xrf0)  }
0xe6: {  	v9 =	vbroadcast v2, $0xF;
	v2 =	vnsel vm10, $0x0, v6;
	v10, _, _ =	vpop (xrf0);
	v6 =	vnsel vm11, $0x0, v6  }
0xe7: {  	v35 =	vnsel vm10, $0x0, v7;
	v36 =	vnsel vm11, $0x0, v7;
	v10 =	vbroadcast v10, $0xF  }
0xe8: {  	v2 =	vadd.s32 v13, v2;
	v13 =	vsel vm0, $0x0, v37;
	v18 =	vnsel vm6, $0x0, v7  }
0xe9: {  	v51 =	vnsel vm8, $0x0, v7;
	v31 =	vnsel vm12, $0x0, v7;
	v32 =	vnsel vm14, $0x0, v7  }
0xea: {  	v5 =	vadd.s32 v6, v5;
	v3 =	vadd.s32 v35, v3;
	v12 =	vnsel vm11, $0x0, v9  }
0xeb: {  	v15 =	vnsel vm13, $0x0, v9;
	v2 =	vadd.s32 v36, v2;
	v52 =	vnsel vm8, $0x0, v9  }
0xec: {  	v53 =	vnsel vm10, $0x0, v9;
	v33 =	vnsel vm14, $0x0, v9;
	v34 =	vnsel vm6, $0x0, v9  }
0xed: {  	v3 =	vadd.s32 v12, v3;
	v16 =	vnsel vm12, $0x0, v10;
	v2 =	vadd.s32 v15, v2  }
0xee: {  	v39 =	vnsel vm13, $0x0, v10;
	v55 =	vnsel vm10, $0x0, v10;
	v56 =	vnsel vm11, $0x0, v10;
	v14, _, _ =	vpop (xrf0)  }
0xef: {  	v35 =	vnsel vm6, $0x0, v10;
	v24 =	vnsel vm8, $0x0, v10;
	v12 =	vbroadcast v14, $0xF  }
0xf0: {  	v2 =	vadd.s32 v16, v2;
	v16 =	vsel vm0, $0x100, v43;
	v43 =	vimm.s32 $0x600  }
0xf1: {  	v14 =	vadd.s32 v39, v3;
	v40 =	vnsel vm14, $0x0, v12;
	v41 =	vnsel vm12, $0x0, v12  }
0xf2: {  	v19 =	vnsel vm11, $0x0, v12;
	v58 =	vnsel vm13, $0x0, v12;
	v38 =	vnsel vm8, $0x0, v12  }
0xf3: {  	v39 =	vnsel vm10, $0x0, v12;
	vm11 =	vcmask $0x700;
	v3 =	vadd.s32 v40, v2  }
0xf4: {  	v2 =	vimm.s32 $0x0;
	v14 =	vadd.s32 v41, v14;
	v15 =	vadd.s32 v11, v3  }
0xf5: {  	v42 =	vsel vm1, $0x800, v2;
	v4 =	vadd.s32 v4, v14;
	v60 =	vsel vm15, $0x800, v2  }
0xf6: {  	v40 =	vsel vm7, $0x800, v2;
	v11 =	vsel vm4, $0x800, v42;
	vm4 =	vcmask $0x371C  }
0xf7: {  	v41 =	vsel vm3, $0x800, v40;
	v42 =	vimm.s32 $0x700;
	v11 =	vadd.s32 v11, v14  }
0xf8: {  	v16 =	vsel vm4, $0x200, v16;
	v17 =	vsel vm4, $0x100, v17;
	v45 =	vsel vm4, $0xFFFFFF00, v13  }
0xf9: {  	v13 =	vadd.s32 v47, v46;
	v14 =	vadd.s32 v22, v28;
	v28 =	vimm.s32 $0x6543210  }
0xfa: {  	vm5 =	vlt.s32 v15, v16;
	vm1 =	vgt.s32 v11, v17;
	v11 =	vsel vm0, $0x0, v44  }
0xfb: {  	v16 =	vadd.s32 v49, v48;
	v13 =	vadd.s32 v50, v13;
	v15 =	vadd.s32 v45, v15  }
0xfc: {  	v14 =	vadd.s32 v23, v14;
	v48 =	vnsel vm13, $0x0, v7;
	v49 =	vnsel vm12, $0x0, v9  }
0xfd: {  	v50 =	vsel vm11, $0xFFFFFC00, v25;
	vm12 =	vcmask $0x300;
	vm11 =	vcmask $0x1F1C  }
0xfe: {  	vm13 =	vcmask $0x230C;
	vm5 =	vmand vm5, vm1;
	vm1 =	vlt.s32 v4, $0x100  }
0xff: {  	v16 =	vadd.s32 v18, v16;
	v13 =	vadd.s32 v51, v13;
	v18 =	vsel vm2, $0xFFFFFE00, v59  }
0x100: {  	v14 =	vadd.s32 v32, v14;
	v5 =	vadd.s32 v48, v5;
	v51 =	vnsel vm14, $0x0, v10  }
0x101: {  	v7 =	vsel vm7, $0x400, v50;
	vm7 =	vcmask $0x3B20;
	v4 =	vnsel vm1, $0x100, v4  }
0x102: {  	v16 =	vadd.s32 v52, v16;
	v54 =	vadd.s32 v53, v13;
	v13 =	vsel vm4, $0x1, v11  }
0x103: {  	vm4 =	vcmask $0xF00;
	v11 =	vsel vm9, $0x800, v60;
	v63 =	vsel vm5, $0x1, v2  }
0x104: {  	v22 =	vadd.s32 v34, v14;
	v5 =	vadd.s32 v49, v5;
	v52 =	vnsel vm6, $0x0, v12  }
0x105: {  	v53 =	vsel vm12, $0x800, v2;
	v60 =	vimm.s32 $0x6;
	v49 =	vimm.s32 $0xFFFFF700  }
0x106: {  	v16 =	vadd.s32 v55, v16;
	v57 =	vadd.s32 v56, v54;
	v61 =	vsel vm4, $0xFFFFFE00, v59  }
0x107: {  	v37 =	vadd.s32 v24, v22;
	v5 =	vadd.s32 v51, v5;
	v54 =	vsel vm11, $0x800, v53  }
0x108: {  	v55 =	vimm.s32 $0xA00;
	v56 =	vimm.s32 $0x900;
	v59 =	vimm.s32 $0x7  }
0x109: {  	v16 =	vadd.s32 v19, v16;
	v19 =	vsel vm15, $0x600, v61;
	vm15 =	vcmask $0x2B14  }
0x10a: {  	v50 =	vsel vm12, $0xFFFFFA00, v49;
	v17 =	vadd.s32 v58, v57;
	v19 =	vsel vm15, $0xFFFFFD00, v19  }
0x10b: {  	v11 =	vadd.s32 v11, v16;
	vm15 =	vcmask $0x2F14;
	v19 =	vsel vm9, $0x500, v19  }
0x10c: {  	v20 =	vsel vm15, $0x400, v20;
	v21 =	vsel vm15, $0x300, v21;
	v16 =	vadd.s32 v19, v16  }
0x10d: {  	vm1 =	vlt.s32 v17, v20;
	vm9 =	vgt.s32 v11, v21;
	v21 =	vadd.s32 v30, v29  }
0x10e: {  	vm0 =	vlt.s32 v16, $0x100;
	vm9 =	vmand vm1, vm9;
	v21 =	vadd.s32 v31, v21  }
0x10f: {  	vm1 =	vcmask $0x270C;
	v11 =	vnsel vm0, $0x100, v16;
	v16 =	vsel vm2, $0x2, v62  }
0x110: {  	v20 =	vsel vm9, $0x1, v2;
	v21 =	vadd.s32 v33, v21;
	vm0 =	vcmask $0xB00  }
0x111: {  	(xrf0) =	vadd.scan.msk.s32 $0xffff, v63;
	v14 =	vsel vm15, $0x3, v16;
	v36 =	vadd.s32 v35, v21;
	v21 =	vadd.s32 v39, v37  }
0x112: {  	v23 =	vsel vm0, $0x500, v42;
	v24 =	vsel vm0, $0x400, v43;
	(xrf0) =	vadd.scan.msk.s32 $0xffff, v20;
	v16 =	vadd.s32 v38, v36  }
0x113: {  	v23 =	vsel vm1, $0x600, v23;
	v24 =	vsel vm1, $0x500, v24;
	v22 =	vadd.s32 v41, v16  }
0x114: {  	v18 =	vsel vm15, $0xFFFFFD00, v18;
	vm15 =	vlt.s32 v21, v23;
	vm2 =	vgt.s32 v22, v24  }
0x115: {  	v53 =	vimm.s32 $0x7070706;
	v5 =	vadd.s32 v52, v5;
	vm15 =	vmand vm15, vm2  }
0x116: {  	v9 =	vsel vm12, $0x700, v55;
	v55 =	vunpack.c.0.s8.s32 v53;
	v47 =	vsel vm15, $0x1, v2  }
0x117: {  	v10 =	vsel vm12, $0x600, v56;
	v58 =	vsel vm13, $0xFFFFFB00, v7;
	v17 =	vadd.s32 v18, v17;
	v45, _, _ =	vpop (xrf0);
	(xrf0) =	vadd.scan.msk.s32 $0xffff, v47  }
0x118: {  	[tilespmem:$0x18280] =	vst v59;
	v59 =	vnsel vm4, $0x9, v55;
	vm8 =	vgt.s32 v17, $0x0;
	(v2sf) =	vpush v45, $0xF;
	v46, _, _ =	vpop (xrf0)  }
0x119: {  	vm10 =	vlt.s32 v17, $0x1;
	v26 =	vnsel vm8, $0x0, v17;
	(v2sf) =	vpush v46, $0xF  }
0x11a: {  	v17 =	vsel vm10, $0x1, v2;
	vm10 =	vcmask $0x3B38;
	vm8 =	vcmask $0x1F04  }
0x11b: {  	v62 =	vimm.s32 $0x10654321;
	v33 =	vunpack.c.l.s4.s8 v28;
	v44 =	vsel vm0, $0xFFFFFC00, v25  }
0x11c: {  	vm0 =	vgt.s32 v15, $0x0;
	v6 =	vsel vm10, $0x800, v54;
	v9 =	vsel vm8, $0x800, v9  }
0x11d: {  	v10 =	vsel vm8, $0x700, v10;
	v61 =	vsub.s32 v45, v63;
	v63 =	vimm.s32 $0x32106543;
	v57, _, _ =	vpop (xrf0)  }
0x11e: {  	v32 =	vunpack.c.l.s4.s8 v62;
	v18 =	vbroadcast v45, $0xF;
	(v2sf) =	vpush v57, $0xF  }
0x11f: {  	v43 =	vimm.s32 $0x54321065;
	v54 =	vimm.s32 $0x65432106;
	v6 =	vadd.s32 v6, v3  }
0x120: {  	v9 =	vsel vm7, $0x900, v9;
	v10 =	vsel vm7, $0x800, v10;
	v25 =	vunpack.c.l.s4.s8 v63  }
0x121: {  	[tilespmem:$0x18380] =	vst v2;
	v36 =	vunpack.c.0.s8.s32 v27;
	v37 =	vunpack.c.0.s8.s32 v33;
	v56 =	vunpack.c.l.s4.s8 v54  }
0x122: {  	[tilespmem:$0x18400] =	vst v2;
	v23 =	vnsel vm0, $0x0, v15;
	vm0 =	vlt.s32 v15, $0x1;
	v7 =	vunpack.c.0.s8.s32 v32  }
0x123: {  	[tilespmem:$0x18480] =	vst v2;
	vm14 =	vlt.s32 v5, v9;
	vm6 =	vgt.s32 v6, v10;
	v6 =	vsel vm3, $0x300, v58  }
0x124: {  	s6 =	simm.s32 $0x18280;
	[tilespmem:$0x18300] =	vst v60;
	v41 =	vimm.s32 $0x5040404;
	v7 =	vcombine.low v37, v7;
	v34 =	vsub.s32 v46, v20  }
0x125: {  	s7 =	simm.s32 $0x18300;
	v58 =	vsel vm8, $0xFFFFF900, v50;
	vm6 =	vmand vm14, vm6;
	[tilespmem:v61+s6+$0x0] =	vst.idx.msk vm5, v13;
	v9 =	vadd.s32 v18, v34  }
0x126: {  	s8 =	simm.s32 $0x18380;
	v22 =	vsel vm1, $0xFFFFFB00, v44;
	v15 =	vsel vm0, $0x1, v2;
	v39 =	vsel vm6, $0x1, v2;
	[tilespmem:v61+s7+$0x0] =	vst.idx.msk vm5, v7  }
0x127: {  	s9 =	simm.s32 $0x18400;
	v35 =	vunpack.c.0.s8.s32 v25;
	v6 =	vadd.s32 v6, v16;
	[tilespmem:v61+s8+$0x0] =	vst.idx.msk vm5, v23;
	(xrf0) =	vadd.scan.msk.s32 $0xffff, v39;
	s11 =	spop (v2sf)  }
0x128: {  	s10 =	simm.s32 $0x18480;
	v42 =	vunpack.c.0.s8.s32 v41;
	v44 =	vimm.s32 $0x43210654;
	v40 =	vadd.s32 v22, v21;
	[tilespmem:v61+s9+$0x0] =	vst.idx.msk vm5, v4;
	s12 =	spop (v2sf)  }
0x129: {  	v16 =	vunpack.c.l.s4.s8 v43;
	v38 =	vcombine.low v36, v35;
	[tilespmem:v61+s10+$0x0] =	vst.idx.msk vm5, v15;
	v8 =	vsub.s32 v57, v47;
	s11 =	sadd.s32 s12, s11  }
0x12a: {  	vm14 =	vlt.s32 v6, $0x100;
	v20 =	vunpack.c.l.s4.s8 v44;
	[tilespmem:v9+s6+$0x0] =	vst.idx.msk vm9, v14;
	v8 =	vadd.s32 s11, v8  }
0x12b: {  	v60 =	vunpack.c.0.s8.s32 v56;
	vm13 =	vgt.s32 v40, $0x0;
	v6 =	vnsel vm14, $0x100, v6;
	[tilespmem:v9+s7+$0x0] =	vst.idx.msk vm9, v38  }
0x12c: {  	vm14 =	vcmask $0x1B04;
	v46 =	vunpack.c.0.s8.s32 v16;
	v47 =	vunpack.c.0.s8.s32 v20;
	[tilespmem:v9+s8+$0x0] =	vst.idx.msk vm9, v26  }
0x12d: {  	v45 =	vnsel vm13, $0x0, v40;
	v7 =	vnsel vm4, $0x6, v42;
	vm13 =	vcmask $0x2710;
	[tilespmem:v9+s9+$0x0] =	vst.idx.msk vm9, v11;
	v48, _, _ =	vpop (xrf0);
	s25 =	spop (v2sf)  }
0x12e: {  	v7 =	vsel vm13, $0x5, v7;
	v10 =	vcombine.low v47, v46;
	[tilespmem:v9+s10+$0x0] =	vst.idx.msk vm9, v17;
	v12 =	vsub.s32 v48, v39;
	s11 =	sadd.s32 s25, s11  }
0x12f: {  	v62 =	vcombine.low v60, v37;
	v14 =	vsel vm12, $0x200, v49;
	[tilespmem:v8+s6+$0x0] =	vst.idx.msk vm15, v7;
	v12 =	vadd.s32 s11, v12  }
0x130: {  	vm5 =	vlt.s32 v40, $0x1;
	v61 =	vsel vm7, $0xFFFFF800, v58;
	v51 =	vsel vm14, $0xFFFFF900, v14;
	[tilespmem:v8+s7+$0x0] =	vst.idx.msk vm15, v10  }
0x131: {  	vm12 =	vcmask $0x1F10;
	v52 =	vsel vm11, $0x100, v51;
	vm11 =	vcmask $0x3720;
	[tilespmem:v8+s8+$0x0] =	vst.idx.msk vm15, v45  }
0x132: {  	v57 =	vsel vm5, $0x1, v2;
	v4 =	vsel vm12, $0x7, v59;
	v9 =	vsel vm11, $0xFFFFF800, v52;
	[tilespmem:v8+s9+$0x0] =	vst.idx.msk vm15, v6  }
0x133: {  	v5 =	vadd.s32 v61, v5;
	v4 =	vsel vm7, $0x8, v4;
	v9 =	vsel vm10, $0x0, v9;
	[tilespmem:v8+s10+$0x0] =	vst.idx.msk vm15, v57  }
0x134: {  	vm13 =	vgt.s32 v5, $0x0;
	v3 =	vadd.s32 v9, v3;
	[tilespmem:v12+s6+$0x0] =	vst.idx.msk vm6, v4  }
0x135: {  	v63 =	vnsel vm13, $0x0, v5;
	vm14 =	vlt.s32 v3, $0x100;
	[tilespmem:v12+s7+$0x0] =	vst.idx.msk vm6, v62  }
0x136: {  	v3 =	vnsel vm14, $0x100, v3;
	vm15 =	vlt.s32 v5, $0x1;
	[tilespmem:v12+s8+$0x0] =	vst.idx.msk vm6, v63  }
0x137: {  	v2 =	vsel vm15, $0x1, v2;
	[tilespmem:v12+s9+$0x0] =	vst.idx.msk vm6, v3  }
0x138: {  	s26 =	simm.s32 $0x0;
	[tilespmem:v12+s10+$0x0] =	vst.idx.msk vm6, v2  }
0x139: {  	[hbm4b:s4+s26] =	stream.linear.scatter [tilespmem:s6], [sflag:$0x3], $0x10, $0x38;
	[tilespmem:$0x18510] =	vst v63  }
0x13a: {  	_ =	swait.ge [sflag:s5], $0x10  }
0x13b: {  	[sflag:s5] =	ssyncset.done $0x0  }
0x13c: {  	s28 =	sadd.s32 $0x2, s4;
	[sflag:s5] =	ssyncadd.s32 $0xFFFFFFF0  }
0x13d: {  	[hbm4b:s28+s26] =	stream.linear.scatter [tilespmem:s7], [sflag:$0x3], $0x10, $0x38;
	[tilespmem:$0x18510] =	vst v63  }
0x13e: {  	_ =	swait.ge [sflag:s5], $0x10  }
0x13f: {  	[sflag:s5] =	ssyncset.done $0x0  }
0x140: {  	s29 =	sadd.s32 $0x4, s4;
	[sflag:s5] =	ssyncadd.s32 $0xFFFFFFF0  }
0x141: {  	[hbm4b:s29+s26] =	stream.linear.scatter [tilespmem:s8], [sflag:$0x3], $0x10, $0x38;
	[tilespmem:$0x18510] =	vst v63  }
0x142: {  	_ =	swait.ge [sflag:s5], $0x10  }
0x143: {  	[sflag:s5] =	ssyncset.done $0x0  }
0x144: {  	s30 =	sadd.s32 $0x6, s4;
	[sflag:s5] =	ssyncadd.s32 $0xFFFFFFF0  }
0x145: {  	[hbm4b:s30+s26] =	stream.linear.scatter [tilespmem:s9], [sflag:$0x3], $0x10, $0x38;
	[tilespmem:$0x18510] =	vst v63  }
0x146: {  	_ =	swait.ge [sflag:s5], $0x10  }
0x147: {  	[sflag:s5] =	ssyncset.done $0x0  }
0x148: {  	s31 =	sadd.s32 $0x8, s4;
	[sflag:s5] =	ssyncadd.s32 $0xFFFFFFF0  }
0x149: {  	[hbm4b:s31+s26] =	stream.linear.scatter [tilespmem:s10], [sflag:$0x3], $0x10, $0x38;
	[tilespmem:$0x18510] =	vst v63  }
0x14a: {  	_ =	swait.ge [sflag:s5], $0x10  }
0x14b: {  	[sflag:s5] =	ssyncset.done $0x0  }
0x14c: {  	[sflag:s5] =	ssyncadd.s32 $0xFFFFFFF0  }
.LBB2_18:
0x14d: {  	v2 =	vld [tilespmem:$0x0];
	_ =	sdelay $0x1  }
0x14e: {  	s4 =	simm.s32 $0x0  }
0x14f: {  	v3 =	vlaneseq.u32;
	v4 =	vmov s4  }
0x150: {  	v1 =	vadd.s32 v1, v0;
	vm0 =	veq.s32 v4, v3  }
0x151: {  	v0 =	vimm.s32 $0x0;
	v4 =	vnsel vm0, $0x0, v1;
	vm1 =	veq.s32 v2, s4  }
0x152: {  	(xrf0) =	vadd.scan.msk.s32 $0xffff, v4;
	v5 =	vsel vm1, $0x1, v0  }
0x153: {  	(xrf0) =	vadd.scan.msk.s32 $0xffff, v5  }
0x154: {  	s31 =	simm.s32 $0x1  }
0x155: {  	vm0 =	vmmov vm0;
	v4 =	vmov s31  }
0x156: {  	vm4 =	veq.s32 v2, s31;
	vm2 =	vmmov vm1;
	vm1 =	veq.s32 v4, v3  }
0x157: {  	vm3 =	vmmov vm0;
	vm0 =	vmmov vm4;
	v4 =	vnsel vm1, $0x0, v1  }
0x158: {  	v5 =	vsel vm4, $0x1, v0;
	vm1 =	vmmov vm1;
	v7 =	vsel vm2, $0xFFFFFFFF, v0;
	v6, _, _ =	vpop (xrf0);
	(xrf0) =	vadd.scan.msk.s32 $0xffff, v4  }
0x159: {  	s5 =	sadd.s32 $0x200, s1;
	vm2 =	vmmov vm2;
	v4 =	vimm.s32 $0x0;
	v6 =	vbroadcast v6, $0xF;
	v8, _, _ =	vpop (xrf0);
	(xrf0) =	vadd.scan.msk.s32 $0xffff, v5  }
0x15a: {  	s2 =	sadd.s32 s3, s2;
	s3 =	simm.s32 $0x2;
	s4 =	sadd.s32 $0x100, s1;
	v5 =	vimm.s32 $0x0;
	v7 =	vadd.s32 v7, v8;
	v8 =	vbroadcast v8, $0xF  }
.LBB2_19:
0x15b: {  	v9 =	vmov s3;
	p1 =	sne.s32 s3, $0x6;
	v6 =	vadd.s32 v6, v7;
	s6 =	smov.u32 s3;
	s3 =	sadd.s32 $0x1, s3  }
.Ltmp9:
0x15c: {  	vm4 =	veq.s32 v9, v3;
	v5 =	vsel vm2, v6, v5;
	v6 =	vnsel vm3, $0x0, v8;
	(pc) =	sbr.rel @p1 .LBB2_19-.Ltmp9, $4  }
0x15d: {  	vm5 =	veq.s32 v2, s6;
	v8 =	vnsel vm4, $0x0, v1;
	v4 =	vadd.s32 v4, v6  }
0x15e: {  	vm3 =	vmmov vm1;
	v6 =	vsel vm5, $0x1, v0;
	vm1 =	vmmov vm4;
	(xrf0) =	vadd.scan.msk.s32 $0xffff, v8;
	v7, _, _ =	vpop (xrf0)  }
0x15f: {  	vm2 =	vmmov vm0;
	v8 =	vsel vm0, $0xFFFFFFFF, v0;
	(xrf0) =	vadd.scan.msk.s32 $0xffff, v6;
	v6 =	vbroadcast v7, $0xF;
	v9, _, _ =	vpop (xrf0)  }
0x160: {  	vm0 =	vmmov vm5;
	v7 =	vadd.s32 v8, v9;
	v8 =	vbroadcast v9, $0xF  }
0x161: {  	_ =	sdelay $0x2  }
0x162: {  	v9, _, _ =	vpop (xrf0)  }
0x163: {  	v10, _, _ =	vpop (xrf0)  }
0x164: {  	v3 =	vld [tilespmem:$0x10];
	v2 =	vbroadcast v10, $0xF  }
0x165: {  	vm1 =	vmmov vm1;
	v8 =	vnsel vm3, $0x0, v8  }
0x166: {  	s3 =	simm.s32 $0x0;
	v4 =	vadd.s32 v4, v8;
	v2 =	vnsel vm1, $0x0, v2  }
0x167: {  	v8 =	vmov s3;
	v2 =	vadd.s32 v4, v2;
	v4 =	vlaneseq.u32  }
0x168: {  	v2 =	vadd.s32 v1, v2;
	vm1 =	veq.s32 v8, v4  }
0x169: {  	vm3 =	veq.s32 v3, s3;
	v1 =	vimm.s32 $0x0;
	v8 =	vnsel vm1, $0x0, v2  }
0x16a: {  	(xrf0) =	vadd.scan.msk.s32 $0xffff, v8;
	v8 =	vsel vm3, $0x1, v1  }
0x16b: {  	v0 =	vsel vm0, $0xFFFFFFFF, v0;
	(xrf0) =	vadd.scan.msk.s32 $0xffff, v8;
	v8 =	vbroadcast v9, $0xF  }
0x16c: {  	v6 =	vadd.s32 v6, v7;
	v0 =	vadd.s32 v0, v10  }
0x16d: {  	vm0 =	vmmov vm0;
	s31 =	simm.s32 $0x1;
	v5 =	vsel vm2, v6, v5;
	v0 =	vadd.s32 v8, v0  }
0x16e: {  	vm4 =	veq.s32 v3, s31;
	v0 =	vsel vm0, v0, v5;
	v5 =	vmov s31  }
0x16f: {  	vm2 =	vmmov vm3;
	vm0 =	vmmov vm1;
	vm1 =	veq.s32 v5, v4  }
0x170: {  	v6 =	vsel vm4, $0x1, v1;
	v8 =	vsel vm2, $0xFFFFFFFF, v1;
	v5 =	vnsel vm1, $0x0, v2  }
0x171: {  	vm2 =	vmmov vm2;
	vm3 =	vmmov vm0;
	vm0 =	vmmov vm4;
	v7, _, _ =	vpop (xrf0);
	(xrf0) =	vadd.scan.msk.s32 $0xffff, v5  }
0x172: {  	vm1 =	vmmov vm1;
	v7 =	vbroadcast v7, $0xF;
	v9, _, _ =	vpop (xrf0);
	v5 =	vimm.s32 $0x0;
	(xrf0) =	vadd.scan.msk.s32 $0xffff, v6  }
0x173: {  	s3 =	simm.s32 $0x2;
	[tilespmem:$0x18080] =	vst v0;
	v8 =	vadd.s32 v8, v9;
	v9 =	vbroadcast v9, $0xF;
	v6 =	vimm.s32 $0x0  }
.LBB2_21:
0x174: {  	v10 =	vmov s3;
	p1 =	sne.s32 s3, $0x6;
	v7 =	vadd.s32 v7, v8;
	s6 =	smov.u32 s3;
	s3 =	sadd.s32 $0x1, s3  }
.Ltmp10:
0x175: {  	vm4 =	veq.s32 v10, v4;
	v6 =	vsel vm2, v7, v6;
	v7 =	vnsel vm3, $0x0, v9;
	(pc) =	sbr.rel @p1 .LBB2_21-.Ltmp10, $4  }
0x176: {  	vm5 =	veq.s32 v3, s6;
	v9 =	vnsel vm4, $0x0, v2;
	v5 =	vadd.s32 v5, v7  }
0x177: {  	vm3 =	vmmov vm1;
	v7 =	vsel vm5, $0x1, v1;
	vm1 =	vmmov vm4;
	(xrf0) =	vadd.scan.msk.s32 $0xffff, v9;
	v8, _, _ =	vpop (xrf0)  }
0x178: {  	vm2 =	vmmov vm0;
	v9 =	vsel vm0, $0xFFFFFFFF, v1;
	(xrf0) =	vadd.scan.msk.s32 $0xffff, v7;
	v7 =	vbroadcast v8, $0xF;
	v10, _, _ =	vpop (xrf0)  }
0x179: {  	vm0 =	vmmov vm5;
	v8 =	vadd.s32 v9, v10;
	v9 =	vbroadcast v10, $0xF  }
0x17a: {  	_ =	sdelay $0x2  }
0x17b: {  	v10, _, _ =	vpop (xrf0)  }
0x17c: {  	v11, _, _ =	vpop (xrf0)  }
0x17d: {  	v4 =	vld [tilespmem:$0x20];
	v3 =	vbroadcast v11, $0xF  }
0x17e: {  	vm1 =	vmmov vm1;
	v9 =	vnsel vm3, $0x0, v9  }
0x17f: {  	s3 =	simm.s32 $0x0;
	v5 =	vadd.s32 v5, v9;
	v3 =	vnsel vm1, $0x0, v3  }
0x180: {  	v9 =	vmov s3;
	v3 =	vadd.s32 v5, v3;
	v5 =	vlaneseq.u32  }
0x181: {  	v3 =	vadd.s32 v2, v3;
	vm1 =	veq.s32 v9, v5  }
0x182: {  	vm3 =	veq.s32 v4, s3;
	v2 =	vimm.s32 $0x0;
	v9 =	vnsel vm1, $0x0, v3  }
0x183: {  	(xrf0) =	vadd.scan.msk.s32 $0xffff, v9;
	v9 =	vsel vm3, $0x1, v2  }
0x184: {  	v1 =	vsel vm0, $0xFFFFFFFF, v1;
	(xrf0) =	vadd.scan.msk.s32 $0xffff, v9;
	v9 =	vbroadcast v10, $0xF  }
0x185: {  	v7 =	vadd.s32 v7, v8;
	v1 =	vadd.s32 v1, v11  }
0x186: {  	vm0 =	vmmov vm0;
	s31 =	simm.s32 $0x1;
	v6 =	vsel vm2, v7, v6;
	v1 =	vadd.s32 v9, v1  }
0x187: {  	vm4 =	veq.s32 v4, s31;
	v1 =	vsel vm0, v1, v6;
	v6 =	vmov s31  }
0x188: {  	vm2 =	vmmov vm3;
	vm0 =	vmmov vm1;
	vm1 =	veq.s32 v6, v5  }
0x189: {  	v10 =	vsel vm4, $0x1, v2;
	vm3 =	vmmov vm0;
	[tilespmem:$0x18090] =	vst v1;
	v6 =	vnsel vm1, $0x0, v3  }
0x18a: {  	v1 =	vsel vm2, $0xFFFFFFFF, v2;
	vm2 =	vmmov vm2;
	vm0 =	vmmov vm4;
	v7, _, _ =	vpop (xrf0);
	(xrf0) =	vadd.scan.msk.s32 $0xffff, v6  }
0x18b: {  	vm1 =	vmmov vm1;
	v7 =	vbroadcast v7, $0xF;
	v9, _, _ =	vpop (xrf0);
	v6 =	vimm.s32 $0x0;
	(xrf0) =	vadd.scan.msk.s32 $0xffff, v10  }
0x18c: {  	s3 =	simm.s32 $0x2;
	v8 =	vadd.s32 v1, v9;
	v9 =	vbroadcast v9, $0xF;
	v1 =	vimm.s32 $0x0  }
.LBB2_23:
0x18d: {  	v10 =	vmov s3;
	p1 =	sne.s32 s3, $0x6;
	v7 =	vadd.s32 v7, v8;
	s6 =	smov.u32 s3;
	s3 =	sadd.s32 $0x1, s3  }
.Ltmp11:
0x18e: {  	vm4 =	veq.s32 v10, v5;
	v6 =	vsel vm2, v7, v6;
	v7 =	vnsel vm3, $0x0, v9;
	(pc) =	sbr.rel @p1 .LBB2_23-.Ltmp11, $4  }
0x18f: {  	vm5 =	veq.s32 v4, s6;
	v9 =	vnsel vm4, $0x0, v3;
	v1 =	vadd.s32 v1, v7  }
0x190: {  	vm3 =	vmmov vm1;
	v7 =	vsel vm5, $0x1, v2;
	vm1 =	vmmov vm4;
	(xrf0) =	vadd.scan.msk.s32 $0xffff, v9;
	v8, _, _ =	vpop (xrf0)  }
0x191: {  	vm2 =	vmmov vm0;
	v9 =	vsel vm0, $0xFFFFFFFF, v2;
	(xrf0) =	vadd.scan.msk.s32 $0xffff, v7;
	v7 =	vbroadcast v8, $0xF;
	v10, _, _ =	vpop (xrf0)  }
0x192: {  	vm0 =	vmmov vm5;
	v8 =	vadd.s32 v9, v10;
	v9 =	vbroadcast v10, $0xF  }
0x193: {  	_ =	sdelay $0x2  }
0x194: {  	v10, _, _ =	vpop (xrf0)  }
0x195: {  	v11, _, _ =	vpop (xrf0)  }
0x196: {  	v4 =	vld [tilespmem:$0x30];
	v5 =	vbroadcast v11, $0xF  }
0x197: {  	vm1 =	vmmov vm1;
	v9 =	vnsel vm3, $0x0, v9  }
0x198: {  	s3 =	simm.s32 $0x0;
	v1 =	vadd.s32 v1, v9;
	v5 =	vnsel vm1, $0x0, v5  }
0x199: {  	v9 =	vmov s3;
	v1 =	vadd.s32 v1, v5;
	v5 =	vlaneseq.u32  }
0x19a: {  	v3 =	vadd.s32 v3, v1;
	vm1 =	veq.s32 v9, v5  }
0x19b: {  	vm3 =	veq.s32 v4, s3;
	v1 =	vimm.s32 $0x0;
	v9 =	vnsel vm1, $0x0, v3  }
0x19c: {  	(xrf0) =	vadd.scan.msk.s32 $0xffff, v9;
	v9 =	vsel vm3, $0x1, v1  }
0x19d: {  	v2 =	vsel vm0, $0xFFFFFFFF, v2;
	(xrf0) =	vadd.scan.msk.s32 $0xffff, v9;
	v9 =	vbroadcast v10, $0xF  }
0x19e: {  	v7 =	vadd.s32 v7, v8;
	v2 =	vadd.s32 v2, v11  }
0x19f: {  	vm0 =	vmmov vm0;
	s31 =	simm.s32 $0x1;
	v6 =	vsel vm2, v7, v6;
	v2 =	vadd.s32 v9, v2  }
0x1a0: {  	vm4 =	veq.s32 v4, s31;
	v2 =	vsel vm0, v2, v6;
	v6 =	vmov s31  }
0x1a1: {  	vm2 =	vmmov vm3;
	vm0 =	vmmov vm1;
	vm1 =	veq.s32 v6, v5  }
0x1a2: {  	v10 =	vsel vm4, $0x1, v1;
	vm3 =	vmmov vm0;
	[tilespmem:$0x180A0] =	vst v2;
	v6 =	vnsel vm1, $0x0, v3  }
0x1a3: {  	v2 =	vsel vm2, $0xFFFFFFFF, v1;
	vm2 =	vmmov vm2;
	vm0 =	vmmov vm4;
	v7, _, _ =	vpop (xrf0);
	(xrf0) =	vadd.scan.msk.s32 $0xffff, v6  }
0x1a4: {  	vm1 =	vmmov vm1;
	v7 =	vbroadcast v7, $0xF;
	v9, _, _ =	vpop (xrf0);
	v6 =	vimm.s32 $0x0;
	(xrf0) =	vadd.scan.msk.s32 $0xffff, v10  }
0x1a5: {  	s3 =	simm.s32 $0x2;
	v8 =	vadd.s32 v2, v9;
	v9 =	vbroadcast v9, $0xF;
	v2 =	vimm.s32 $0x0  }
.LBB2_25:
0x1a6: {  	v10 =	vmov s3;
	p1 =	sne.s32 s3, $0x6;
	v7 =	vadd.s32 v7, v8;
	s6 =	smov.u32 s3;
	s3 =	sadd.s32 $0x1, s3  }
.Ltmp12:
0x1a7: {  	vm4 =	veq.s32 v10, v5;
	v6 =	vsel vm2, v7, v6;
	v7 =	vnsel vm3, $0x0, v9;
	(pc) =	sbr.rel @p1 .LBB2_25-.Ltmp12, $4  }
0x1a8: {  	vm5 =	veq.s32 v4, s6;
	v9 =	vnsel vm4, $0x0, v3;
	v2 =	vadd.s32 v2, v7  }
0x1a9: {  	vm3 =	vmmov vm1;
	v7 =	vsel vm5, $0x1, v1;
	vm1 =	vmmov vm4;
	(xrf0) =	vadd.scan.msk.s32 $0xffff, v9;
	v8, _, _ =	vpop (xrf0)  }
0x1aa: {  	vm2 =	vmmov vm0;
	v9 =	vsel vm0, $0xFFFFFFFF, v1;
	(xrf0) =	vadd.scan.msk.s32 $0xffff, v7;
	v7 =	vbroadcast v8, $0xF;
	v10, _, _ =	vpop (xrf0)  }
0x1ab: {  	vm0 =	vmmov vm5;
	v8 =	vadd.s32 v9, v10;
	v9 =	vbroadcast v10, $0xF  }
0x1ac: {  	_ =	sdelay $0x2  }
0x1ad: {  	v10, _, _ =	vpop (xrf0)  }
0x1ae: {  	v11, _, _ =	vpop (xrf0)  }
0x1af: {  	v4 =	vld [tilespmem:$0x40];
	v5 =	vbroadcast v11, $0xF  }
0x1b0: {  	vm1 =	vmmov vm1;
	v9 =	vnsel vm3, $0x0, v9  }
0x1b1: {  	s3 =	simm.s32 $0x0;
	v2 =	vadd.s32 v2, v9;
	v5 =	vnsel vm1, $0x0, v5  }
0x1b2: {  	v9 =	vmov s3;
	v2 =	vadd.s32 v2, v5;
	v5 =	vlaneseq.u32  }
0x1b3: {  	v3 =	vadd.s32 v3, v2;
	vm1 =	veq.s32 v9, v5  }
0x1b4: {  	vm3 =	veq.s32 v4, s3;
	v2 =	vimm.s32 $0x0;
	v9 =	vnsel vm1, $0x0, v3  }
0x1b5: {  	(xrf0) =	vadd.scan.msk.s32 $0xffff, v9;
	v9 =	vsel vm3, $0x1, v2  }
0x1b6: {  	v1 =	vsel vm0, $0xFFFFFFFF, v1;
	(xrf0) =	vadd.scan.msk.s32 $0xffff, v9;
	v9 =	vbroadcast v10, $0xF  }
0x1b7: {  	v7 =	vadd.s32 v7, v8;
	v1 =	vadd.s32 v1, v11  }
0x1b8: {  	vm0 =	vmmov vm0;
	s31 =	simm.s32 $0x1;
	v6 =	vsel vm2, v7, v6;
	v1 =	vadd.s32 v9, v1  }
0x1b9: {  	vm4 =	veq.s32 v4, s31;
	v1 =	vsel vm0, v1, v6;
	v6 =	vmov s31  }
0x1ba: {  	vm2 =	vmmov vm3;
	vm0 =	vmmov vm1;
	vm1 =	veq.s32 v6, v5  }
0x1bb: {  	v10 =	vsel vm4, $0x1, v2;
	vm3 =	vmmov vm0;
	[tilespmem:$0x180B0] =	vst v1;
	v6 =	vnsel vm1, $0x0, v3  }
0x1bc: {  	v1 =	vsel vm2, $0xFFFFFFFF, v2;
	vm2 =	vmmov vm2;
	vm0 =	vmmov vm4;
	v7, _, _ =	vpop (xrf0);
	(xrf0) =	vadd.scan.msk.s32 $0xffff, v6  }
0x1bd: {  	vm1 =	vmmov vm1;
	v7 =	vbroadcast v7, $0xF;
	v9, _, _ =	vpop (xrf0);
	v6 =	vimm.s32 $0x0;
	(xrf0) =	vadd.scan.msk.s32 $0xffff, v10  }
0x1be: {  	s3 =	simm.s32 $0x2;
	v8 =	vadd.s32 v1, v9;
	v9 =	vbroadcast v9, $0xF;
	v1 =	vimm.s32 $0x0  }
.LBB2_27:
0x1bf: {  	v10 =	vmov s3;
	p1 =	sne.s32 s3, $0x6;
	v7 =	vadd.s32 v7, v8;
	s6 =	smov.u32 s3;
	s3 =	sadd.s32 $0x1, s3  }
.Ltmp13:
0x1c0: {  	vm4 =	veq.s32 v10, v5;
	v6 =	vsel vm2, v7, v6;
	v7 =	vnsel vm3, $0x0, v9;
	(pc) =	sbr.rel @p1 .LBB2_27-.Ltmp13, $4  }
0x1c1: {  	vm5 =	veq.s32 v4, s6;
	v9 =	vnsel vm4, $0x0, v3;
	v1 =	vadd.s32 v1, v7  }
0x1c2: {  	vm3 =	vmmov vm1;
	v7 =	vsel vm5, $0x1, v2;
	vm1 =	vmmov vm4;
	(xrf0) =	vadd.scan.msk.s32 $0xffff, v9;
	v8, _, _ =	vpop (xrf0)  }
0x1c3: {  	vm2 =	vmmov vm0;
	v9 =	vsel vm0, $0xFFFFFFFF, v2;
	(xrf0) =	vadd.scan.msk.s32 $0xffff, v7;
	v7 =	vbroadcast v8, $0xF;
	v10, _, _ =	vpop (xrf0)  }
0x1c4: {  	vm0 =	vmmov vm5;
	v8 =	vadd.s32 v9, v10;
	v9 =	vbroadcast v10, $0xF  }
0x1c5: {  	_ =	sdelay $0x2  }
0x1c6: {  	v10, _, _ =	vpop (xrf0)  }
0x1c7: {  	v11, _, _ =	vpop (xrf0)  }
0x1c8: {  	v4 =	vld [tilespmem:$0x50];
	v5 =	vbroadcast v11, $0xF  }
0x1c9: {  	vm1 =	vmmov vm1;
	v9 =	vnsel vm3, $0x0, v9  }
0x1ca: {  	s3 =	simm.s32 $0x0;
	v1 =	vadd.s32 v1, v9;
	v5 =	vnsel vm1, $0x0, v5  }
0x1cb: {  	v9 =	vmov s3;
	v1 =	vadd.s32 v1, v5;
	v5 =	vlaneseq.u32  }
0x1cc: {  	v1 =	vadd.s32 v3, v1;
	vm1 =	veq.s32 v9, v5  }
0x1cd: {  	vm3 =	veq.s32 v4, s3;
	v3 =	vimm.s32 $0x0;
	v9 =	vnsel vm1, $0x0, v1  }
0x1ce: {  	(xrf0) =	vadd.scan.msk.s32 $0xffff, v9;
	v9 =	vsel vm3, $0x1, v3  }
0x1cf: {  	v2 =	vsel vm0, $0xFFFFFFFF, v2;
	(xrf0) =	vadd.scan.msk.s32 $0xffff, v9;
	v9 =	vbroadcast v10, $0xF  }
0x1d0: {  	v7 =	vadd.s32 v7, v8;
	v2 =	vadd.s32 v2, v11  }
0x1d1: {  	vm0 =	vmmov vm0;
	s31 =	simm.s32 $0x1;
	v6 =	vsel vm2, v7, v6;
	v2 =	vadd.s32 v9, v2  }
0x1d2: {  	vm4 =	veq.s32 v4, s31;
	v2 =	vsel vm0, v2, v6;
	v6 =	vmov s31  }
0x1d3: {  	vm2 =	vmmov vm3;
	vm0 =	vmmov vm1;
	vm1 =	veq.s32 v6, v5  }
0x1d4: {  	v10 =	vsel vm4, $0x1, v3;
	vm3 =	vmmov vm0;
	[tilespmem:$0x180C0] =	vst v2;
	v6 =	vnsel vm1, $0x0, v1  }
0x1d5: {  	v2 =	vsel vm2, $0xFFFFFFFF, v3;
	vm2 =	vmmov vm2;
	vm0 =	vmmov vm4;
	v7, _, _ =	vpop (xrf0);
	(xrf0) =	vadd.scan.msk.s32 $0xffff, v6  }
0x1d6: {  	vm1 =	vmmov vm1;
	v7 =	vbroadcast v7, $0xF;
	v9, _, _ =	vpop (xrf0);
	v6 =	vimm.s32 $0x0;
	(xrf0) =	vadd.scan.msk.s32 $0xffff, v10  }
0x1d7: {  	s3 =	simm.s32 $0x2;
	v8 =	vadd.s32 v2, v9;
	v9 =	vbroadcast v9, $0xF;
	v2 =	vimm.s32 $0x0  }
.LBB2_29:
0x1d8: {  	v10 =	vmov s3;
	p1 =	sne.s32 s3, $0x6;
	v7 =	vadd.s32 v7, v8;
	s6 =	smov.u32 s3;
	s3 =	sadd.s32 $0x1, s3  }
.Ltmp14:
0x1d9: {  	vm4 =	veq.s32 v10, v5;
	v6 =	vsel vm2, v7, v6;
	v7 =	vnsel vm3, $0x0, v9;
	(pc) =	sbr.rel @p1 .LBB2_29-.Ltmp14, $4  }
0x1da: {  	vm5 =	veq.s32 v4, s6;
	v9 =	vnsel vm4, $0x0, v1;
	v2 =	vadd.s32 v2, v7  }
0x1db: {  	vm3 =	vmmov vm1;
	v7 =	vsel vm5, $0x1, v3;
	vm1 =	vmmov vm4;
	(xrf0) =	vadd.scan.msk.s32 $0xffff, v9;
	v8, _, _ =	vpop (xrf0)  }
0x1dc: {  	vm2 =	vmmov vm0;
	v9 =	vsel vm0, $0xFFFFFFFF, v3;
	(xrf0) =	vadd.scan.msk.s32 $0xffff, v7;
	v7 =	vbroadcast v8, $0xF;
	v10, _, _ =	vpop (xrf0)  }
0x1dd: {  	vm0 =	vmmov vm5;
	v8 =	vadd.s32 v9, v10;
	v9 =	vbroadcast v10, $0xF  }
0x1de: {  	_ =	sdelay $0x2  }
0x1df: {  	v10, _, _ =	vpop (xrf0)  }
0x1e0: {  	v11, _, _ =	vpop (xrf0)  }
0x1e1: {  	v4 =	vld [tilespmem:$0x60];
	v5 =	vbroadcast v11, $0xF  }
0x1e2: {  	vm1 =	vmmov vm1;
	v9 =	vnsel vm3, $0x0, v9  }
0x1e3: {  	s3 =	simm.s32 $0x0;
	v2 =	vadd.s32 v2, v9;
	v5 =	vnsel vm1, $0x0, v5  }
0x1e4: {  	v9 =	vmov s3;
	v2 =	vadd.s32 v2, v5;
	v5 =	vlaneseq.u32  }
0x1e5: {  	v2 =	vadd.s32 v1, v2;
	vm1 =	veq.s32 v9, v5  }
0x1e6: {  	vm3 =	veq.s32 v4, s3;
	v1 =	vimm.s32 $0x0;
	v9 =	vnsel vm1, $0x0, v2  }
0x1e7: {  	(xrf0) =	vadd.scan.msk.s32 $0xffff, v9;
	v9 =	vsel vm3, $0x1, v1  }
0x1e8: {  	v3 =	vsel vm0, $0xFFFFFFFF, v3;
	(xrf0) =	vadd.scan.msk.s32 $0xffff, v9;
	v9 =	vbroadcast v10, $0xF  }
0x1e9: {  	v7 =	vadd.s32 v7, v8;
	v3 =	vadd.s32 v3, v11  }
0x1ea: {  	vm0 =	vmmov vm0;
	s31 =	simm.s32 $0x1;
	v6 =	vsel vm2, v7, v6;
	v3 =	vadd.s32 v9, v3  }
0x1eb: {  	vm4 =	veq.s32 v4, s31;
	v3 =	vsel vm0, v3, v6;
	v6 =	vmov s31  }
0x1ec: {  	vm2 =	vmmov vm3;
	vm0 =	vmmov vm1;
	vm1 =	veq.s32 v6, v5  }
0x1ed: {  	v8 =	vsel vm4, $0x1, v1;
	vm3 =	vmmov vm0;
	[tilespmem:$0x180D0] =	vst v3;
	v6 =	vnsel vm1, $0x0, v2  }
0x1ee: {  	v3 =	vsel vm2, $0xFFFFFFFF, v1;
	vm2 =	vmmov vm2;
	vm0 =	vmmov vm4;
	v7, _, _ =	vpop (xrf0);
	(xrf0) =	vadd.scan.msk.s32 $0xffff, v6  }
0x1ef: {  	vm1 =	vmmov vm1;
	v7 =	vbroadcast v7, $0xF;
	v10, _, _ =	vpop (xrf0);
	v6 =	vimm.s32 $0x0;
	(xrf0) =	vadd.scan.msk.s32 $0xffff, v8  }
0x1f0: {  	s3 =	simm.s32 $0x2;
	v9 =	vadd.s32 v3, v10;
	v10 =	vbroadcast v10, $0xF;
	v8 =	vimm.s32 $0x0  }
.LBB2_31:
0x1f1: {  	v3 =	vmov s3;
	p1 =	sne.s32 s3, $0x6;
	v7 =	vadd.s32 v7, v9;
	s6 =	smov.u32 s3;
	s3 =	sadd.s32 $0x1, s3  }
.Ltmp15:
0x1f2: {  	vm4 =	veq.s32 v3, v5;
	v6 =	vsel vm2, v7, v6;
	v3 =	vnsel vm3, $0x0, v10;
	(pc) =	sbr.rel @p1 .LBB2_31-.Ltmp15, $4  }
0x1f3: {  	vm5 =	veq.s32 v4, s6;
	v9 =	vnsel vm4, $0x0, v2;
	v8 =	vadd.s32 v8, v3  }
0x1f4: {  	vm3 =	vmmov vm1;
	v3 =	vsel vm5, $0x1, v1;
	vm1 =	vmmov vm4;
	(xrf0) =	vadd.scan.msk.s32 $0xffff, v9;
	v7, _, _ =	vpop (xrf0)  }
0x1f5: {  	vm2 =	vmmov vm0;
	(xrf0) =	vadd.scan.msk.s32 $0xffff, v3;
	v3 =	vsel vm0, $0xFFFFFFFF, v1;
	v7 =	vbroadcast v7, $0xF;
	v10, _, _ =	vpop (xrf0)  }
0x1f6: {  	vm0 =	vmmov vm5;
	v9 =	vadd.s32 v3, v10;
	v10 =	vbroadcast v10, $0xF  }
0x1f7: {  	_ =	sdelay $0x2  }
0x1f8: {  	v11, _, _ =	vpop (xrf0)  }
0x1f9: {  	v12, _, _ =	vpop (xrf0)  }
0x1fa: {  	v3 =	vld [tilespmem:$0x70];
	v4 =	vbroadcast v12, $0xF  }
0x1fb: {  	vm1 =	vmmov vm1;
	v5 =	vnsel vm3, $0x0, v10  }
0x1fc: {  	s3 =	simm.s32 $0x0;
	v5 =	vadd.s32 v8, v5;
	v4 =	vnsel vm1, $0x0, v4  }
0x1fd: {  	v8 =	vmov s3;
	v5 =	vadd.s32 v5, v4;
	v4 =	vlaneseq.u32  }
0x1fe: {  	v5 =	vadd.s32 v2, v5;
	vm1 =	veq.s32 v8, v4  }
0x1ff: {  	vm3 =	veq.s32 v3, s3;
	v2 =	vimm.s32 $0x0;
	v8 =	vnsel vm1, $0x0, v5  }
0x200: {  	(xrf0) =	vadd.scan.msk.s32 $0xffff, v8;
	v8 =	vsel vm3, $0x1, v2  }
0x201: {  	(xrf0) =	vadd.scan.msk.s32 $0xffff, v8  }
0x202: {  	v7 =	vadd.s32 v7, v9;
	v1 =	vsel vm0, $0xFFFFFFFF, v1;
	s31 =	simm.s32 $0x1;
	v8 =	vbroadcast v11, $0xF  }
0x203: {  	v6 =	vsel vm2, v7, v6;
	v7 =	vmov s31;
	v1 =	vadd.s32 v1, v12  }
0x204: {  	vm0 =	vmmov vm0;
	vm2 =	veq.s32 v7, v4;
	v1 =	vadd.s32 v8, v1  }
0x205: {  	vm1 =	veq.s32 v3, s31;
	v1 =	vsel vm0, v1, v6;
	v6 =	vnsel vm2, $0x0, v5  }
0x206: {  	vm0 =	vmmov vm3;
	[tilespmem:$0x180E0] =	vst v1;
	v1 =	vsel vm1, $0x1, v2;
	v7, _, _ =	vpop (xrf0);
	(xrf0) =	vadd.scan.msk.s32 $0xffff, v6  }
0x207: {  	v6 =	vsel vm0, $0xFFFFFFFF, v2;
	v8, _, _ =	vpop (xrf0);
	(xrf0) =	vadd.scan.msk.s32 $0xffff, v1;
	v1 =	vbroadcast v7, $0xF  }
0x208: {  	s3 =	simm.s32 $0x2;
	v7 =	vadd.s32 v6, v8;
	v6 =	vimm.s32 $0x0  }
.LBB2_33:
0x209: {  	v8 =	vmov s3;
	p1 =	sne.s32 s3, $0x6;
	v1 =	vadd.s32 v1, v7;
	s6 =	smov.u32 s3;
	s3 =	sadd.s32 $0x1, s3  }
.Ltmp16:
0x20a: {  	vm2 =	veq.s32 v8, v4;
	v6 =	vsel vm0, v1, v6;
	vm0 =	vmmov vm1;
	(pc) =	sbr.rel @p1 .LBB2_33-.Ltmp16, $4  }
0x20b: {  	vm1 =	veq.s32 v3, s6;
	v9 =	vnsel vm2, $0x0, v5  }
0x20c: {  	v7 =	vsel vm1, $0x1, v2;
	(xrf0) =	vadd.scan.msk.s32 $0xffff, v9;
	v1, _, _ =	vpop (xrf0)  }
0x20d: {  	(xrf0) =	vadd.scan.msk.s32 $0xffff, v7;
	v7 =	vsel vm0, $0xFFFFFFFF, v2;
	v1 =	vbroadcast v1, $0xF;
	v8, _, _ =	vpop (xrf0)  }
0x20e: {  	v7 =	vadd.s32 v7, v8  }
0x20f: {  	_ = 	snop  }
0x210: {  	vm1 =	vmmov vm1;
	v3 =	vshrl.u32 v0, $0x3  }
0x211: {  	v4 =	vadd.s32 v1, v7;
	v51 =	vlaneseq.u32;
	v3 =	vmul.u32 $0x30, v3  }
0x212: {  	v50 =	vand.u32 $0x7, v0;
	v2 =	vsel vm1, $0xFFFFFFFF, v2;
	v52 =	vand.u32 $0x7, v51;
	v49, _, _ =	vpop (xrf0)  }
0x213: {  	v53 =	vshrl.u32 v51, $0x3;
	v3 =	vor.u32 v50, v3;
	v5 =	vbroadcast v49, $0xF;
	v8, _, _ =	vpop (xrf0)  }
0x214: {  	v0 =	vmul.u32 $0x8, v53;
	v54 =	vperm.xlane v3, v52;
	v2 =	vadd.s32 v2, v8  }
0x215: {  	v4 =	vsel vm0, v4, v6;
	v2 =	vadd.s32 v5, v2  }
0x216: {  	v55 =	vadd.s32 v0, v54;
	v2 =	vsel vm1, v2, v4  }
0x217: {  	s3 =	simm.s32 $0x1;
	[tilespmem:$0x180F0] =	vst v2  }
0x218: {  	_ =	swait.ge [sflag:s3], $0x18000  }
0x219: {  	v56 =	vor.u32 $0x8, v51;
	[sflag:s3] =	ssyncset.done $0x0  }
0x21a: {  	vm15 =	vmmov $0xffff;
	s6 =	simm.s32 $0x80;
	v3 =	vperm.xlane v3, v56;
	[sflag:s3] =	ssyncadd.s32 $0xFFFE8000;
	s3 =	simm.s32 $0x0  }
0x21b: {  	[hbm4b:s1+s3] =	stream.indirect_vreg.scatter [tilespmem:s6], [sflag:$0x2], $0x80, v55, vm15, $0xb8;
	[tilespmem:$0x18510] =	vst v63  }
0x21c: {  	s30 =	simm.s32 $0x880;
	v3 =	vadd.s32 v0, v3  }
0x21d: {  	[hbm4b:s4+s3] =	stream.indirect_vreg.scatter [tilespmem:s30], [sflag:$0x2], $0x80, v55, vm15, $0xb8;
	[tilespmem:$0x18510] =	vst v63  }
0x21e: {  	s31 =	simm.s32 $0x1080  }
0x21f: {  	[hbm4b:s5+s3] =	stream.indirect_vreg.scatter [tilespmem:s31], [sflag:$0x2], $0x80, v55, vm15, $0xb8;
	[tilespmem:$0x18510] =	vst v63  }
0x220: {  	s7 =	simm.s32 $0x1880  }
0x221: {  	[hbm4b:s1+s3] =	stream.indirect_vreg.scatter [tilespmem:s7], [sflag:$0x2], $0x80, v3, vm15, $0xb8;
	[tilespmem:$0x18510] =	vst v63  }
0x222: {  	s8 =	simm.s32 $0x2080  }
0x223: {  	[hbm4b:s4+s3] =	stream.indirect_vreg.scatter [tilespmem:s8], [sflag:$0x2], $0x80, v3, vm15, $0xb8;
	[tilespmem:$0x18510] =	vst v63  }
0x224: {  	s9 =	simm.s32 $0x2880  }
0x225: {  	[hbm4b:s5+s3] =	stream.indirect_vreg.scatter [tilespmem:s9], [sflag:$0x2], $0x80, v3, vm15, $0xb8;
	[tilespmem:$0x18510] =	vst v63  }
0x226: {  	v3 =	vld [tilespmem:$0x18090];
	_ =	sdelay $0x4  }
0x227: {  	v57 =	vshrl.u32 v3, $0x3  }
0x228: {  	v4 =	vmul.u32 $0x30, v57  }
0x229: {  	v3 =	vand.u32 $0x7, v3  }
0x22a: {  	v3 =	vor.u32 v3, v4  }
0x22b: {  	v4 =	vperm.xlane v3, v52;
	_ =	sdelay $0x1  }
0x22c: {  	v4 =	vadd.s32 v0, v4;
	_ =	sdelay $0x3  }
0x22d: {  	s10 =	simm.s32 $0x3080;
	v3 =	vperm.xlane v3, v56  }
0x22e: {  	[hbm4b:s1+s3] =	stream.indirect_vreg.scatter [tilespmem:s10], [sflag:$0x2], $0x80, v4, vm15, $0xb8;
	[tilespmem:$0x18510] =	vst v63  }
0x22f: {  	s11 =	simm.s32 $0x3880;
	v3 =	vadd.s32 v0, v3  }
0x230: {  	[hbm4b:s4+s3] =	stream.indirect_vreg.scatter [tilespmem:s11], [sflag:$0x2], $0x80, v4, vm15, $0xb8;
	[tilespmem:$0x18510] =	vst v63  }
0x231: {  	s12 =	simm.s32 $0x4080  }
0x232: {  	[hbm4b:s5+s3] =	stream.indirect_vreg.scatter [tilespmem:s12], [sflag:$0x2], $0x80, v4, vm15, $0xb8;
	[tilespmem:$0x18510] =	vst v63  }
0x233: {  	s13 =	simm.s32 $0x4880  }
0x234: {  	[hbm4b:s1+s3] =	stream.indirect_vreg.scatter [tilespmem:s13], [sflag:$0x2], $0x80, v3, vm15, $0xb8;
	[tilespmem:$0x18510] =	vst v63  }
0x235: {  	s14 =	simm.s32 $0x5080  }
0x236: {  	[hbm4b:s4+s3] =	stream.indirect_vreg.scatter [tilespmem:s14], [sflag:$0x2], $0x80, v3, vm15, $0xb8;
	[tilespmem:$0x18510] =	vst v63  }
0x237: {  	s15 =	simm.s32 $0x5880  }
0x238: {  	[hbm4b:s5+s3] =	stream.indirect_vreg.scatter [tilespmem:s15], [sflag:$0x2], $0x80, v3, vm15, $0xb8;
	[tilespmem:$0x18510] =	vst v63  }
0x239: {  	v3 =	vld [tilespmem:$0x180A0];
	_ =	sdelay $0x4  }
0x23a: {  	v58 =	vshrl.u32 v3, $0x3  }
0x23b: {  	v4 =	vmul.u32 $0x30, v58  }
0x23c: {  	v3 =	vand.u32 $0x7, v3  }
0x23d: {  	v3 =	vor.u32 v3, v4  }
0x23e: {  	v4 =	vperm.xlane v3, v52;
	_ =	sdelay $0x1  }
0x23f: {  	v4 =	vadd.s32 v0, v4;
	_ =	sdelay $0x3  }
0x240: {  	s16 =	simm.s32 $0x6080;
	v3 =	vperm.xlane v3, v56  }
0x241: {  	[hbm4b:s1+s3] =	stream.indirect_vreg.scatter [tilespmem:s16], [sflag:$0x2], $0x80, v4, vm15, $0xb8;
	[tilespmem:$0x18510] =	vst v63  }
0x242: {  	s17 =	simm.s32 $0x6880;
	v3 =	vadd.s32 v0, v3  }
0x243: {  	[hbm4b:s4+s3] =	stream.indirect_vreg.scatter [tilespmem:s17], [sflag:$0x2], $0x80, v4, vm15, $0xb8;
	[tilespmem:$0x18510] =	vst v63  }
0x244: {  	s18 =	simm.s32 $0x7080  }
0x245: {  	[hbm4b:s5+s3] =	stream.indirect_vreg.scatter [tilespmem:s18], [sflag:$0x2], $0x80, v4, vm15, $0xb8;
	[tilespmem:$0x18510] =	vst v63  }
0x246: {  	s19 =	simm.s32 $0x7880  }
0x247: {  	[hbm4b:s1+s3] =	stream.indirect_vreg.scatter [tilespmem:s19], [sflag:$0x2], $0x80, v3, vm15, $0xb8;
	[tilespmem:$0x18510] =	vst v63  }
0x248: {  	s20 =	simm.s32 $0x8080  }
0x249: {  	[hbm4b:s4+s3] =	stream.indirect_vreg.scatter [tilespmem:s20], [sflag:$0x2], $0x80, v3, vm15, $0xb8;
	[tilespmem:$0x18510] =	vst v63  }
0x24a: {  	s21 =	simm.s32 $0x8880  }
0x24b: {  	[hbm4b:s5+s3] =	stream.indirect_vreg.scatter [tilespmem:s21], [sflag:$0x2], $0x80, v3, vm15, $0xb8;
	[tilespmem:$0x18510] =	vst v63  }
0x24c: {  	v3 =	vld [tilespmem:$0x180B0];
	_ =	sdelay $0x4  }
0x24d: {  	v59 =	vshrl.u32 v3, $0x3  }
0x24e: {  	v4 =	vmul.u32 $0x30, v59  }
0x24f: {  	v3 =	vand.u32 $0x7, v3  }
0x250: {  	v3 =	vor.u32 v3, v4  }
0x251: {  	v4 =	vperm.xlane v3, v52;
	_ =	sdelay $0x1  }
0x252: {  	v4 =	vadd.s32 v0, v4;
	_ =	sdelay $0x3  }
0x253: {  	s22 =	simm.s32 $0x9080;
	v3 =	vperm.xlane v3, v56  }
0x254: {  	[hbm4b:s1+s3] =	stream.indirect_vreg.scatter [tilespmem:s22], [sflag:$0x2], $0x80, v4, vm15, $0xb8;
	[tilespmem:$0x18510] =	vst v63  }
0x255: {  	s23 =	simm.s32 $0x9880;
	v3 =	vadd.s32 v0, v3  }
0x256: {  	[hbm4b:s4+s3] =	stream.indirect_vreg.scatter [tilespmem:s23], [sflag:$0x2], $0x80, v4, vm15, $0xb8;
	[tilespmem:$0x18510] =	vst v63  }
0x257: {  	s24 =	simm.s32 $0xA080  }
0x258: {  	[hbm4b:s5+s3] =	stream.indirect_vreg.scatter [tilespmem:s24], [sflag:$0x2], $0x80, v4, vm15, $0xb8;
	[tilespmem:$0x18510] =	vst v63  }
0x259: {  	s25 =	simm.s32 $0xA880  }
0x25a: {  	[hbm4b:s1+s3] =	stream.indirect_vreg.scatter [tilespmem:s25], [sflag:$0x2], $0x80, v3, vm15, $0xb8;
	[tilespmem:$0x18510] =	vst v63  }
0x25b: {  	s26 =	simm.s32 $0xB080  }
0x25c: {  	[hbm4b:s4+s3] =	stream.indirect_vreg.scatter [tilespmem:s26], [sflag:$0x2], $0x80, v3, vm15, $0xb8;
	[tilespmem:$0x18510] =	vst v63  }
0x25d: {  	s28 =	simm.s32 $0xB880  }
0x25e: {  	[hbm4b:s5+s3] =	stream.indirect_vreg.scatter [tilespmem:s28], [sflag:$0x2], $0x80, v3, vm15, $0xb8;
	[tilespmem:$0x18510] =	vst v63  }
0x25f: {  	v3 =	vld [tilespmem:$0x180C0];
	_ =	sdelay $0x4  }
0x260: {  	v60 =	vshrl.u32 v3, $0x3  }
0x261: {  	v4 =	vmul.u32 $0x30, v60  }
0x262: {  	v3 =	vand.u32 $0x7, v3  }
0x263: {  	v3 =	vor.u32 v3, v4  }
0x264: {  	v4 =	vperm.xlane v3, v52;
	_ =	sdelay $0x1  }
0x265: {  	v4 =	vadd.s32 v0, v4;
	_ =	sdelay $0x3  }
0x266: {  	s29 =	simm.s32 $0xC080;
	v3 =	vperm.xlane v3, v56  }
0x267: {  	[hbm4b:s1+s3] =	stream.indirect_vreg.scatter [tilespmem:s29], [sflag:$0x2], $0x80, v4, vm15, $0xb8;
	[tilespmem:$0x18510] =	vst v63  }
0x268: {  	s30 =	simm.s32 $0xC880;
	v3 =	vadd.s32 v0, v3  }
0x269: {  	[hbm4b:s4+s3] =	stream.indirect_vreg.scatter [tilespmem:s30], [sflag:$0x2], $0x80, v4, vm15, $0xb8;
	[tilespmem:$0x18510] =	vst v63  }
0x26a: {  	s31 =	simm.s32 $0xD080  }
0x26b: {  	[hbm4b:s5+s3] =	stream.indirect_vreg.scatter [tilespmem:s31], [sflag:$0x2], $0x80, v4, vm15, $0xb8;
	[tilespmem:$0x18510] =	vst v63  }
0x26c: {  	s7 =	simm.s32 $0xD880  }
0x26d: {  	[hbm4b:s1+s3] =	stream.indirect_vreg.scatter [tilespmem:s7], [sflag:$0x2], $0x80, v3, vm15, $0xb8;
	[tilespmem:$0x18510] =	vst v63  }
0x26e: {  	s8 =	simm.s32 $0xE080  }
0x26f: {  	[hbm4b:s4+s3] =	stream.indirect_vreg.scatter [tilespmem:s8], [sflag:$0x2], $0x80, v3, vm15, $0xb8;
	[tilespmem:$0x18510] =	vst v63  }
0x270: {  	s9 =	simm.s32 $0xE880  }
0x271: {  	[hbm4b:s5+s3] =	stream.indirect_vreg.scatter [tilespmem:s9], [sflag:$0x2], $0x80, v3, vm15, $0xb8;
	[tilespmem:$0x18510] =	vst v63  }
0x272: {  	v3 =	vld [tilespmem:$0x180D0];
	_ =	sdelay $0x4  }
0x273: {  	v61 =	vshrl.u32 v3, $0x3  }
0x274: {  	v4 =	vmul.u32 $0x30, v61  }
0x275: {  	v3 =	vand.u32 $0x7, v3  }
0x276: {  	v3 =	vor.u32 v3, v4  }
0x277: {  	v4 =	vperm.xlane v3, v52;
	_ =	sdelay $0x1  }
0x278: {  	v4 =	vadd.s32 v0, v4;
	_ =	sdelay $0x3  }
0x279: {  	s10 =	simm.s32 $0xF080;
	v3 =	vperm.xlane v3, v56  }
0x27a: {  	[hbm4b:s1+s3] =	stream.indirect_vreg.scatter [tilespmem:s10], [sflag:$0x2], $0x80, v4, vm15, $0xb8;
	[tilespmem:$0x18510] =	vst v63  }
0x27b: {  	s11 =	simm.s32 $0xF880;
	v3 =	vadd.s32 v0, v3  }
0x27c: {  	[hbm4b:s4+s3] =	stream.indirect_vreg.scatter [tilespmem:s11], [sflag:$0x2], $0x80, v4, vm15, $0xb8;
	[tilespmem:$0x18510] =	vst v63  }
0x27d: {  	s12 =	simm.s32 $0x10080  }
0x27e: {  	[hbm4b:s5+s3] =	stream.indirect_vreg.scatter [tilespmem:s12], [sflag:$0x2], $0x80, v4, vm15, $0xb8;
	[tilespmem:$0x18510] =	vst v63  }
0x27f: {  	s13 =	simm.s32 $0x10880  }
0x280: {  	[hbm4b:s1+s3] =	stream.indirect_vreg.scatter [tilespmem:s13], [sflag:$0x2], $0x80, v3, vm15, $0xb8;
	[tilespmem:$0x18510] =	vst v63  }
0x281: {  	s14 =	simm.s32 $0x11080  }
0x282: {  	[hbm4b:s4+s3] =	stream.indirect_vreg.scatter [tilespmem:s14], [sflag:$0x2], $0x80, v3, vm15, $0xb8;
	[tilespmem:$0x18510] =	vst v63  }
0x283: {  	s15 =	simm.s32 $0x11880  }
0x284: {  	[hbm4b:s5+s3] =	stream.indirect_vreg.scatter [tilespmem:s15], [sflag:$0x2], $0x80, v3, vm15, $0xb8;
	[tilespmem:$0x18510] =	vst v63  }
0x285: {  	v3 =	vld [tilespmem:$0x180E0];
	_ =	sdelay $0x4  }
0x286: {  	v62 =	vshrl.u32 v3, $0x3  }
0x287: {  	v4 =	vmul.u32 $0x30, v62  }
0x288: {  	v3 =	vand.u32 $0x7, v3  }
0x289: {  	v3 =	vor.u32 v3, v4  }
0x28a: {  	v4 =	vperm.xlane v3, v52;
	_ =	sdelay $0x1  }
0x28b: {  	v4 =	vadd.s32 v0, v4;
	_ =	sdelay $0x3  }
0x28c: {  	s16 =	simm.s32 $0x12080;
	v3 =	vperm.xlane v3, v56  }
0x28d: {  	[hbm4b:s1+s3] =	stream.indirect_vreg.scatter [tilespmem:s16], [sflag:$0x2], $0x80, v4, vm15, $0xb8;
	[tilespmem:$0x18510] =	vst v63  }
0x28e: {  	s17 =	simm.s32 $0x12880;
	v3 =	vadd.s32 v0, v3  }
0x28f: {  	[hbm4b:s4+s3] =	stream.indirect_vreg.scatter [tilespmem:s17], [sflag:$0x2], $0x80, v4, vm15, $0xb8;
	[tilespmem:$0x18510] =	vst v63  }
0x290: {  	s18 =	simm.s32 $0x13080  }
0x291: {  	[hbm4b:s5+s3] =	stream.indirect_vreg.scatter [tilespmem:s18], [sflag:$0x2], $0x80, v4, vm15, $0xb8;
	[tilespmem:$0x18510] =	vst v63  }
0x292: {  	s19 =	simm.s32 $0x13880  }
0x293: {  	[hbm4b:s1+s3] =	stream.indirect_vreg.scatter [tilespmem:s19], [sflag:$0x2], $0x80, v3, vm15, $0xb8;
	[tilespmem:$0x18510] =	vst v63  }
0x294: {  	s20 =	simm.s32 $0x14080  }
0x295: {  	[hbm4b:s4+s3] =	stream.indirect_vreg.scatter [tilespmem:s20], [sflag:$0x2], $0x80, v3, vm15, $0xb8;
	[tilespmem:$0x18510] =	vst v63  }
0x296: {  	s21 =	simm.s32 $0x14880  }
0x297: {  	[hbm4b:s5+s3] =	stream.indirect_vreg.scatter [tilespmem:s21], [sflag:$0x2], $0x80, v3, vm15, $0xb8;
	[tilespmem:$0x18510] =	vst v63  }
0x298: {  	v3 =	vld [tilespmem:$0x180F0];
	_ =	sdelay $0x4  }
0x299: {  	v63 =	vshrl.u32 v3, $0x3  }
0x29a: {  	v4 =	vmul.u32 $0x30, v63  }
0x29b: {  	v3 =	vand.u32 $0x7, v3  }
0x29c: {  	v3 =	vor.u32 v3, v4  }
0x29d: {  	v1 =	vperm.xlane v3, v52;
	_ =	sdelay $0x1  }
0x29e: {  	v1 =	vadd.s32 v0, v1;
	_ =	sdelay $0x3  }
0x29f: {  	s22 =	simm.s32 $0x15080;
	v2 =	vperm.xlane v3, v56  }
0x2a0: {  	[hbm4b:s1+s3] =	stream.indirect_vreg.scatter [tilespmem:s22], [sflag:$0x2], $0x80, v1, vm15, $0xb8;
	[tilespmem:$0x18510] =	vst v63  }
0x2a1: {  	s23 =	simm.s32 $0x15880;
	v0 =	vadd.s32 v0, v2  }
0x2a2: {  	[hbm4b:s4+s3] =	stream.indirect_vreg.scatter [tilespmem:s23], [sflag:$0x2], $0x80, v1, vm15, $0xb8;
	[tilespmem:$0x18510] =	vst v63  }
0x2a3: {  	s24 =	simm.s32 $0x16080  }
0x2a4: {  	[hbm4b:s5+s3] =	stream.indirect_vreg.scatter [tilespmem:s24], [sflag:$0x2], $0x80, v1, vm15, $0xb8;
	[tilespmem:$0x18510] =	vst v63  }
0x2a5: {  	s25 =	simm.s32 $0x16880  }
0x2a6: {  	[hbm4b:s1+s3] =	stream.indirect_vreg.scatter [tilespmem:s25], [sflag:$0x2], $0x80, v0, vm15, $0xb8;
	[tilespmem:$0x18510] =	vst v63  }
0x2a7: {  	s26 =	simm.s32 $0x17080  }
0x2a8: {  	[hbm4b:s4+s3] =	stream.indirect_vreg.scatter [tilespmem:s26], [sflag:$0x2], $0x80, v0, vm15, $0xb8;
	[tilespmem:$0x18510] =	vst v63  }
0x2a9: {  	s28 =	simm.s32 $0x17880;
	s29 =	simm.s32 $0x2  }
0x2aa: {  	[hbm4b:s5+s3] =	stream.indirect_vreg.scatter [tilespmem:s28], [sflag:$0x2], $0x80, v0, vm15, $0xb8;
	[tilespmem:$0x18510] =	vst v63  }
0x2ab: {  	_ =	swait.ge [sflag:s29], $0x18000  }
0x2ac: {  	[sflag:s29] =	ssyncset.done $0x0  }
0x2ad: {  	s30 =	simm.s32 $0x18080;
	s31 =	simm.s32 $0x3;
	[sflag:s29] =	ssyncadd.s32 $0xFFFE8000  }
0x2ae: {  	[hbm4b:s2+s3] =	stream.linear.scatter [tilespmem:s30], [sflag:$0x3], $0x80, $0x38;
	[tilespmem:$0x18510] =	vst v63  }
0x2af: {  	_ =	swait.ge [sflag:s31], $0x80  }
0x2b0: {  	[sflag:s31] =	ssyncset.done $0x0  }
0x2b1: {  	[sflag:s31] =	ssyncadd.s32 $0xFFFFFF80  }
0x2b2: {  	_ =	sfence.sel $0x180000  }
0x2b3: {  	[bflag:$0x0] =	sbarrier.arrive $0xFFFF  }
0x2b4: {  	_ =	strace $0x90000047  }
0x2b5: {  	s0 =	sadd.s32 @!p0 $0x100000, s0;
	[bflag:$0x2] =	sbarrier.arrive $0xFFFF  }
0x2b6: {  	[sflag:s0] =	ssyncadd.tile.s32 @!p0 $0x1;
	_ =	shalt  }
.Lfunc_end2:
_tile_overlayer_lowered:
.L_overlay_start_2:
0x2b7: {  	(tag) =	ssettag $0x2  }
0x2b8: {  	s0 =	rddreg [dreg:$0x0];
	s2 =	stileid.u32  }
0x2b9: {  	s1 =	rddreg [dreg:$0x1];
	p0 =	sne.s32 s2, $0x0  }
0x2ba: {  	s3 =	rddreg [dreg:$0x2];
	[bflag:$0x3] =	sbarrier.arrive $0xFFFF;
	s2 =	simm.s32 @!p0 $0x1C03  }
0x2bb: {  	[timem:s3], [sflag:s2] =	dma.local @!p0 [hbm:s0], s1  }
0x2bc: {  	s0 =	simm.s32 @!p0 $0x3  }
0x2bd: {  	_ =	swait.ge @!p0 [sflag:s0], s1  }
0x2be: {  	s1 =	ssub.s32 @!p0 $0x0, s1;
	[sflag:s0] =	ssyncset.done @!p0 $0x0  }
0x2bf: {  	[sflag:s0] =	ssyncadd.s32 @!p0 s1  }
0x2c0: {  	[bflag:$0x3] =	sbarrier.arrive $0xFFFF  }
0x2c1: {  	_ =	shalt  }

// kernel: gather_offload_async_start
scs
__scs_entry_jumppad:
0x0: {  	(pc) =	sbr.rel $0x88, $3  }
0x1: {  	(tag) =	ssettag $0x0;
	lr =	simm.s32 $0x1  }
0x2: {  	[smem:$0x3F9D] =	sst lr;
	_ =	strace $0xD0000000  }
0x3: {  	_ = 	snop  }
0x4: {  	_ = 	snop  }
0x5: {  	_ = 	snop  }
0x6: {  	_ = 	snop  }
0x7: {  	_ = 	snop  }
__scs_overlays_trampoline_lowered:
0x8: {  	[smem:$0x3FAC] =	sst s0  }
0x9: {  	[smem:$0x3FAD] =	sst s1  }
0xa: {  	[smem:$0x3FAE] =	sst s2  }
0xb: {  	[smem:$0x3FAF] =	sst s3  }
0xc: {  	[smem:$0x3FB0] =	sst s4  }
0xd: {  	[smem:$0x3FB1] =	sst s5  }
0xe: {  	[smem:$0x3FB2] =	sst s6  }
0xf: {  	[smem:$0x3FB3] =	sst s7  }
0x10: {  	[smem:$0x3FB4] =	sst s8  }
0x11: {  	[smem:$0x3FB5] =	sst s9;
	s0 =	simm.s32 @!p0 $0x0  }
0x12: {  	s1 =	sld [smem:$0x3F9B];
	s0 =	simm.s32 @p0 $0x1  }
0x13: {  	[smem:$0x3FB6] =	sst s0;
	s0 =	simm.s32 @!p1 $0x0  }
0x14: {  	s2 =	sld [smem:$0x3F9A];
	s0 =	simm.s32 @p1 $0x1  }
0x15: {  	[smem:$0x3FB7] =	sst s0;
	s0 =	simm.s32 @!p2 $0x0  }
0x16: {  	s3 =	sld [smem:$0x3FDB];
	s0 =	simm.s32 @p2 $0x1  }
0x17: {  	s4 =	simm.s32 $0x1BF5;
	[smem:$0x3FB9] =	sst s0  }
0x18: {  	s0 =	sld [smem:$0x3F9C];
	_ =	swait.ge [sflag:s4], $0x0  }
0x19: {  	s7 =	sld [smem:$0x3F9D]  }
0x1a: {  	s8 =	sadd.s32 $0xFFFFE003, lr  }
0x1b: {  	s9 =	sadd.s32 $0xFFFFFEF7, lr;
	s5 =	simm.s32 $0xFFFFFFFF;
	p2 =	slt.u32 s8, $0xFFFFF086  }
0x1c: {  	p1 =	slt.u32 s9, $0xF7A;
	s5 =	simm.s32 @!p2 $0x0  }
0x1d: {  	s5 =	simm.s32 @p1 $0x1;
	p0 =	seq.s32 s7, s2  }
0x1e: {  	s7 =	smul.u32 @!p0 $0xF7A, s2;
	p2 =	seq.s32 @!p0 s5, $0x0  }
0x1f: {  	s9 =	smul.u32 $0xF7A, s1;
	s8 =	simm.s32 @!p0 $0x1BF5;
	p2 =	por !p2, p0  }
0x20: {  	[sflag:s8] =	ssyncset.s32 @!p0 $0xFFFFF086;
	s6 =	sadd.s32 @!p0 s3, s7;
	s7 =	simm.s32 @!p0 $0x108  }
0x21: {  	s3 =	sadd.s32 s3, s9;
	s6 =	sadd.s32 @!p0 $0x88, s6;
	s7 =	simm.s32 @p2 $0x1082  }
0x22: {  	[simem:s7], [sflag:s8] =	dma.local @!p0 [hbm:s6], $0xF7A  }
0x23: {  	s9 =	sor.u32 $0xD0000000, s2;
	s6 =	simm.s32 $0x108;
	_ =	swait.ge @!p0 [sflag:s8], $0x0  }
0x24: {  	s3 =	sadd.s32 $0x88, s3;
	s6 =	simm.s32 @!p1 $0x1082;
	[sflag:s4] =	ssyncset.s32 $0xFFFFF086  }
0x25: {  	[simem:s6], [sflag:s4] =	dma.local [hbm:s3], $0xF7A  }
0x26: {  	[smem:$0x3F9D] =	sst s1;
	(tag) =	ssettag s2;
	_ =	strace s9  }
0x27: {  	s1 =	sld [smem:$0x3FAD]  }
0x28: {  	s2 =	sld [smem:$0x3FAE]  }
0x29: {  	s4 =	sld [smem:$0x3FB0]  }
0x2a: {  	p0 =	seq.s32 s5, $0x0;
	s5 =	sld [smem:$0x3FB1]  }
0x2b: {  	s6 =	sld [smem:$0x3FB2]  }
0x2c: {  	s7 =	sld [smem:$0x3FB3]  }
0x2d: {  	s3 =	simm.s32 $0x108;
	s8 =	sld [smem:$0x3FB4]  }
0x2e: {  	s3 =	simm.s32 @!p0 $0x1082;
	s9 =	sld [smem:$0x3FB5]  }
0x2f: {  	lr =	sadd.s32 s0, s3;
	s0 =	sld [smem:$0x3FAC]  }
0x30: {  	s3 =	sld [smem:$0x3FAF]  }
0x31: {  	[smem:$0x3FB8] =	sst s10  }
0x32: {  	s10 =	sld [smem:$0x3FB6];
	_ =	sdelay $0x3  }
0x33: {  	p0 =	seq.s32 s10, $0x1;
	s10 =	sld [smem:$0x3FB8];
	_ =	sdelay $0x3  }
0x34: {  	[smem:$0x3FB8] =	sst s10  }
0x35: {  	s10 =	sld [smem:$0x3FB7];
	_ =	sdelay $0x3  }
0x36: {  	p1 =	seq.s32 s10, $0x1;
	s10 =	sld [smem:$0x3FB8];
	_ =	sdelay $0x3  }
0x37: {  	[smem:$0x3FB8] =	sst s10  }
0x38: {  	s10 =	sld [smem:$0x3FB9]  }
0x39: {  	_ = 	snop;
	(pc) =	sbr.ind lr, $3  }
0x3a: {  	_ = 	snop  }
0x3b: {  	_ = 	snop  }
0x3c: {  	p2 =	seq.s32 s10, $0x1;
	s10 =	sld [smem:$0x3FB8]  }
0x3d: {  	_ =	shalt  }
0x3e: {  	_ =	shalt  }
0x3f: {  	_ =	shalt  }
0x40: {  	_ =	shalt  }
0x41: {  	_ =	shalt  }
0x42: {  	_ =	shalt  }
0x43: {  	_ =	shalt  }
0x44: {  	_ =	shalt  }
0x45: {  	_ =	shalt  }
0x46: {  	_ =	shalt  }
0x47: {  	_ =	shalt  }
0x48: {  	_ =	shalt  }
0x49: {  	_ =	shalt  }
0x4a: {  	_ =	shalt  }
0x4b: {  	_ =	shalt  }
0x4c: {  	_ =	shalt  }
0x4d: {  	_ =	shalt  }
0x4e: {  	_ =	shalt  }
0x4f: {  	_ =	shalt  }
0x50: {  	_ =	shalt  }
0x51: {  	_ =	shalt  }
0x52: {  	_ =	shalt  }
0x53: {  	_ =	shalt  }
0x54: {  	_ =	shalt  }
0x55: {  	_ =	shalt  }
0x56: {  	_ =	shalt  }
0x57: {  	_ =	shalt  }
0x58: {  	_ =	shalt  }
0x59: {  	_ =	shalt  }
0x5a: {  	_ =	shalt  }
0x5b: {  	_ =	shalt  }
0x5c: {  	_ =	shalt  }
0x5d: {  	_ =	shalt  }
0x5e: {  	_ =	shalt  }
0x5f: {  	_ =	shalt  }
0x60: {  	_ =	shalt  }
0x61: {  	_ =	shalt  }
0x62: {  	_ =	shalt  }
0x63: {  	_ =	shalt  }
0x64: {  	_ =	shalt  }
0x65: {  	_ =	shalt  }
0x66: {  	_ =	shalt  }
0x67: {  	_ =	shalt  }
0x68: {  	_ =	shalt  }
0x69: {  	_ =	shalt  }
0x6a: {  	_ =	shalt  }
0x6b: {  	_ =	shalt  }
0x6c: {  	_ =	shalt  }
0x6d: {  	_ =	shalt  }
0x6e: {  	_ =	shalt  }
0x6f: {  	_ =	shalt  }
0x70: {  	_ =	shalt  }
0x71: {  	_ =	shalt  }
0x72: {  	_ =	shalt  }
0x73: {  	_ =	shalt  }
0x74: {  	_ =	shalt  }
0x75: {  	_ =	shalt  }
0x76: {  	_ =	shalt  }
0x77: {  	_ =	shalt  }
0x78: {  	_ =	shalt  }
0x79: {  	_ =	shalt  }
0x7a: {  	_ =	shalt  }
0x7b: {  	_ =	shalt  }
0x7c: {  	_ =	shalt  }
0x7d: {  	_ =	shalt  }
0x7e: {  	_ =	shalt  }
0x7f: {  	_ =	shalt  }
0x80: {  	_ =	shalt  }
0x81: {  	_ =	shalt  }
0x82: {  	_ =	shalt  }
0x83: {  	_ =	shalt  }
0x84: {  	_ =	shalt  }
0x85: {  	_ =	shalt  }
0x86: {  	_ =	shalt  }
0x87: {  	_ =	shalt  }
.Lfunc_end0:
.L_simem_size_0:
called_computation_lowered:
.L_overlay_start_0:
0x88: {  	s2 =	sld [smem:$0x3FD9]  }
0x89: {  	s3 =	sld [smem:$0x3FFE];
	_ =	sdelay $0x1  }
0x8a: {  	s1 =	srdreg.scid  }
0x8b: {  	s0 =	sand.u32 $0x1, s1  }
0x8c: {  	s17 =	sshll.u32 s0, $0xA;
	s2 =	sadd.s32 s3, s2  }
0x8d: {  	s2 =	sadd.s32 s2, s17  }
0x8e: {  	[smem:$0x3FC4] =	sst s2  }
0x8f: {  	_ = 	snop  }
0x90: {  	s2 =	sld [smem:$0x3FD0];
	(tm) =	ssettm $0x1  }
0x91: {  	s18 =	sld [smem:$0x3FFB];
	_ =	sdelay $0x3  }
0x92: {  	_ =	strace s18  }
0x93: {  	s3 =	sld [smem:$0x3FFC];
	_ =	sdelay $0x3  }
0x94: {  	_ =	strace s3  }
0x95: {  	s3 =	sld [smem:$0x3FFD];
	_ =	sdelay $0x3  }
0x96: {  	_ =	strace s3  }
0x97: {  	_ =	strace $0x8FFFFFFF  }
0x98: {  	s19 =	sld [smem:$0x3FDB];
	_ =	sdelay $0x1  }
0x99: {  	s4 =	simm.s32 $_scs_section_size  }
0x9a: {  	s5 =	simm.s32 $_size__tile_overlayer_lowered;
	s6 =	simm.s32 $_tile_overlayer_lowered  }
0x9b: {  	s22 =	simm.s32 $0x1BFF;
	s21 =	sshll.u32 s6, $0x1;
	s3 =	sadd.s32 s4, s19  }
0x9c: {  	s7 =	simm.s32 $0x0;
	s20 =	sshll.u32 s5, $0x1;
	s5 =	sadd.s32 s21, s3  }
0x9d: {  	[timem:s7], [sflag:s22] =	dma.local [hbm:s5], s20  }
0x9e: {  	_ =	swait.ge [sflag:s22], s20  }
0x9f: {  	s4 =	ssub.s32 $0x0, s20;
	[sflag:s22] =	ssyncset.done $0x0  }
0xa0: {  	[sflag:s22] =	ssyncadd.s32 s4;
	_ =	sdelay $0x1  }
0xa1: {  	s23 =	simm.s32 $0x1B8B  }
0xa2: {  	_ =	swait.ge [sflag:s23], $0x1  }
0xa3: {  	[sflag:s23] =	ssyncset.done $0x0  }
0xa4: {  	s25 =	simm.s32 $0x1B8E;
	s24 =	sld [smem:$0x3FFE];
	[sflag:s23] =	ssyncadd.s32 $0xFFFFFFFF  }
0xa5: {  	s26 =	simm.s32 $execute0_lowered;
	[smem:$0x3FD2] =	sst s25  }
0xa6: {  	s5 =	sshll.u32 s26, $0x1;
	_ =	strace $0x80000049;
	[dreg:$0x1] =	wrdreg $0xFFFFFFFF  }
0xa7: {  	s28 =	simm.s32 $_size_execute0_lowered;
	s3 =	sadd.s32 s3, s5;
	[dreg:$0x0] =	wrdreg $0x0  }
0xa8: {  	s5 =	sshll.u32 s28, $0x1;
	[dreg:$0x2] =	wrdreg s3  }
0xa9: {  	[dreg:$0x3] =	wrdreg s5  }
0xaa: {  	[dreg:$0x4] =	wrdreg $0xC0  }
0xab: {  	_ =	task [dreg:s7], $0x5FFFF  }
0xac: {  	[dreg:$0x1] =	wrdreg $0xFFFFFFFF  }
0xad: {  	[dreg:$0x0] =	wrdreg $0x60  }
0xae: {  	[dreg:$0x2] =	wrdreg s24  }
0xaf: {  	[dreg:$0x3] =	wrdreg s2  }
0xb0: {  	[dreg:$0x4] =	wrdreg $0x9  }
0xb1: {  	_ =	task.clear_ibuf [dreg:s7], $0x5FFFF;
	_ =	strace $0x90000049  }
0xb2: {  	s29 =	simm.s32 $0x9;
	_ =	strace $0x8000004B  }
0xb3: {  	_ =	swait.ge [sflag:s29], $0x1  }
0xb4: {  	[sflag:s29] =	ssyncadd.s32 $0xFFFFFFFF  }
0xb5: {  	_ =	strace $0x9000004B  }
0xb6: {  	_ =	sfence  }
0xb7: {  	s30 =	sld [smem:$0x0];
	_ =	sdelay $0x2  }
0xb8: {  	s31 =	sshll.u32 s1, $0xD;
	s1 =	sshrl.u32 s1, $0x2  }
0xb9: {  	s3 =	sand.u32 $0x4000, s31;
	s1 =	sadd.s32 s1, s30  }
0xba: {  	s0 =	sor.u32 s3, s0;
	s1 =	sshll.u32 s1, $0x11  }
0xbb: {  	s0 =	sor.u32 s1, s0  }
0xbc: {  	s0 =	sadd.s32 $0x8F2B, s0  }
0xbd: {  	[sflag:s0] =	ssyncadd.remote.s32 $0x1  }
0xbe: {  	_ =	sfence.sel $0xFFFF  }
0xbf: {  	[dreg:$0x0] =	wrdreg $0xFFFFFFFF;
	(pc) =	sbr.abs _section_cstart, $3  }
0xc0: {  	[dreg:$0x1] =	wrdreg $0xFFFFFFFF  }
0xc1: {  	_ =	task.clear_ibuf [dreg:s7], $0x2FFFF;
	_ =	strace $0x9FFFFFFF  }
0xc2: {  	(tm) =	ssettm $0x7FFFFFFF  }
0xc3: {  	_ =	shalt  }
tec
execute0_lowered:
.L_overlay_start_1:
0x0: {  	(tag) =	ssettag $0x1  }
0x1: {  	s7 =	rddreg [dreg:$0x0]  }
0x2: {  	s2 =	rddreg [dreg:$0x1]  }
0x3: {  	s0 =	rddreg [dreg:$0x2]  }
0x4: {  	s1 =	srdreg.scid;
	_ =	strace $0x8000004A;
	s4 =	simm.s32 $0x1  }
0x5: {  	s9 =	simm.s32 $0x3;
	s12 =	simm.s32 $0x0;
	s5 =	sshll.u32 s1, $0x4  }
.Ltmp0:
0x6: {  	s1 =	stileid.u32;
	s5 =	sand.u32 $0x10, s5;
	(pc) =	sbr.rel .LBB2_1-.Ltmp0, $4  }
0x7: {  	s10 =	simm.s32 $0x0;
	s3 =	sadd.s32 $0x1800, s7;
	s6 =	sor.u32 s1, s5  }
0x8: {  	[sflag:s4] =	ssyncpa.u1 $0x0;
	s5 =	simm.s32 $0x2;
	s6 =	sshll.u32 s6, $0x6  }
0x9: {  	s7 =	sadd.s32 $0x1600, s7;
	[sflag:s5] =	ssyncpa.u1 $0x0;
	s8 =	sadd.s32 $0x40, s6  }
0xa: {  	vm0 =	vmmov $0xff;
	vm1 =	vcmask $0x3F20;
	[sflag:s9] =	ssyncpa.u1 $0x0;
	s9 =	simm.s32 $0x40;
	s11 =	smov.u32 s6  }
.LBB2_11:
0xb: {  	p0 =	seq.s32 s10, $0x2  }
.Ltmp1:
0xc: {  	_ = 	snop;
	(pc) =	sbr.rel @p0 .LBB2_13-.Ltmp1, $1  }
0xd: {  	_ =	sdelay $0x3  }
.LBB2_12:
0xe: {  	s12 =	sadd.s32 $0x40, s11  }
0xf: {  	s13 =	smov.u32 s6;
	p0 =	slt.s32 s12, s8  }
0x10: {  	s13 =	smov.u32 @p0 s12  }
0x11: {  	s10 =	sadd.s32 $0x1, s10;
	s12 =	smov.u32 s11;
	s11 =	smov.u32 s13  }
.LBB2_1:
0x12: {  	p0 =	sne.s32 s10, $0x0  }
.Ltmp2:
0x13: {  	_ = 	snop;
	(pc) =	sbr.rel @!p0 .LBB2_2-.Ltmp2, $1  }
0x14: {  	_ =	sdelay $0x3  }
0x15: {  	s13 =	sand.u32 $0x1, s10  }
0x16: {  	p0 =	seq.s32 s13, $0x0  }
.Ltmp3:
0x17: {  	_ = 	snop;
	(pc) =	sbr.rel @p0 .LBB2_11-.Ltmp3, $1  }
0x18: {  	_ =	sdelay $0x3  }
0x19: {  	_ =	swait.ge [sflag:s5], $0x40  }
0x1a: {  	[sflag:s5] =	ssyncset.done $0x0  }
0x1b: {  	s13 =	simm.s32 $0x0;
	s14 =	simm.s32 $0x80;
	[sflag:s5] =	ssyncadd.s32 $0xFFFFFFC0  }
.LBB2_5:
0x1c: {  	s15 =	sshll.u32 s13, $0x4  }
0x1d: {  	s15 =	sand.u32 $0x3FFFFFF0, s15  }
0x1e: {  	v0 =	vld.msk [tilespmem:s15+$0x40 ss:$0x1], $0xffff;
	_ =	sdelay $0x4  }
0x1f: {  	vm2 =	vgt.s32 v0, $0x0  }
0x20: {  	v0 =	vnsel vm2, $0x0, v0  }
0x21: {  	v0 =	vmin.u32 v0, $0x7FF  }
0x22: {  	v1 =	vshrl.u32 v0, $0x3  }
0x23: {  	v0 =	vshll.u32 v0, $0x7;
	v1 =	vmul.u32 $0x1800, v1  }
0x24: {  	v0 =	vand.u32 $0x380, v0  }
0x25: {  	v0 =	vor.u32 v0, v1  }
0x26: {  	v0 =	vshrl.u32 v0, $0x3;
	_ =	sdelay $0x2  }
0x27: {  	s16 =	sadd.s32 $0xFFFFE800, s14  }
0x28: {  	s31 =	sadd.s32 $0xD800, s16;
	s16 =	sadd.s32 $0xF000, s16;
	s15 =	simm.s32 $0xFFFFB000  }
0x29: {  	v1 =	vadd.s32 $0x80, v0;
	[tilespmem:s31], [sflag:$0x1] =	stream.indirect_vreg.gather [hbm:s3], $0x80, v0, vm0, $0x38;
	[tilespmem:$0x18080] =	vst v63  }
.LBB2_6:
0x2a: {  	[tilespmem:s16], [sflag:$0x1] =	stream.indirect_vreg.gather [hbm:s3], $0x80, v0, vm1, $0x38;
	[tilespmem:$0x18080] =	vst v63  }
0x2b: {  	v0 =	vmov v1;
	p0 =	sne.s32 s15, $0xFFFFF000  }
.Ltmp4:
0x2c: {  	s16 =	sshra.s32 s15, $0x2;
	(pc) =	sbr.rel @p0 .LBB2_6-.Ltmp4, $4  }
0x2d: {  	s15 =	sadd.s32 $0x1000, s15;
	s16 =	sadd.s32 s16, s14  }
0x2e: {  	s17 =	sadd.s32 $0xD800, s16  }
0x2f: {  	[tilespmem:s17], [sflag:$0x1] =	stream.indirect_vreg.gather [hbm:s3], $0x80, v1, vm0, $0x38;
	[tilespmem:$0x18080] =	vst v63  }
0x30: {  	s16 =	sadd.s32 $0xF000, s16;
	v1 =	vadd.s32 $0x80, v1  }
0x31: {  	s13 =	sadd.s32 $0x1, s13  }
0x32: {  	p0 =	sne.s32 s13, $0x4  }
.Ltmp5:
0x33: {  	_ = 	snop;
	(pc) =	sbr.rel @p0 .LBB2_5-.Ltmp5, $3  }
0x34: {  	_ =	sdelay $0x1  }
0x35: {  	[tilespmem:s16], [sflag:$0x1] =	stream.indirect_vreg.gather [hbm:s3], $0x80, v0, vm1, $0x38;
	[tilespmem:$0x18080] =	vst v63  }
0x36: {  	s14 =	sadd.s32 $0x3000, s14  }
0x37: {  	s13 =	sshrl.u32 s12, $0x3  }
0x38: {  	s13 =	smul.u32 $0x300, s13  }
0x39: {  	_ =	swait.ge [sflag:s4], $0xC000;
	s31 =	sshll.u32 s12, $0x4  }
0x3a: {  	s14 =	simm.s32 $0x300;
	s12 =	sand.u32 $0x70, s31;
	s13 =	sadd.s32 s13, s2  }
0x3b: {  	s15 =	simm.s32 $0xD880;
	[sflag:s4] =	ssyncset.done $0x0;
	s12 =	sadd.s32 s12, s13  }
0x3c: {  	[sflag:s4] =	ssyncadd.s32 $0xFFFF4000;
	s13 =	simm.s32 $0xC080;
	s16 =	sadd.s32 $0x0, s12  }
.LBB2_9:
0x3d: {  	[hbm:s16] =	stream.linear.scatter [tilespmem:s13], [sflag:$0x3], $0x1800, $0x38;
	[tilespmem:$0x18080] =	vst v63  }
0x3e: {  	s16 =	smov.u32 s14;
	s13 =	smov.u32 s15;
	p0 =	sne.s32 s14, $0x1500  }
.Ltmp6:
0x3f: {  	s14 =	sadd.s32 $0x300, s14;
	(pc) =	sbr.rel @p0 .LBB2_9-.Ltmp6, $2  }
0x40: {  	_ =	sdelay $0x2  }
0x41: {  	s15 =	sadd.s32 $0x1800, s15;
	s16 =	sadd.s32 s16, s12  }
.Ltmp7:
0x42: {  	(pc) =	sbr.rel .LBB2_11-.Ltmp7, $2  }
0x43: {  	_ =	sdelay $0x2  }
0x44: {  	[hbm:s16] =	stream.linear.scatter [tilespmem:s13], [sflag:$0x3], $0x1800, $0x38;
	[tilespmem:$0x18080] =	vst v63  }
.LBB2_2:
.Ltmp8:
0x45: {  	(pc) =	sbr.rel .LBB2_12-.Ltmp8, $4  }
0x46: {  	_ = 	snop  }
0x47: {  	s12 =	sshrl.u32 s11, $0x3  }
0x48: {  	s13 =	sand.u32 $0x7, s11;
	s12 =	sadd.s32 s7, s12  }
0x49: {  	[tilespmem:s9], [sflag:$0x2] =	stream.linear.gather [hbm4b:s12+s13], $0x40, $0x38;
	[tilespmem:$0x18080] =	vst v63  }
.LBB2_13:
0x4a: {  	s2 =	simm.s32 $0x3  }
0x4b: {  	_ =	swait.ge [sflag:s2], $0xC000  }
0x4c: {  	[sflag:s2] =	ssyncset.done $0x0  }
0x4d: {  	[sflag:s2] =	ssyncadd.s32 $0xFFFF4000  }
0x4e: {  	_ =	sfence.sel $0x180000  }
0x4f: {  	s3 =	simm.s32 $0x2;
	[bflag:$0x0] =	sbarrier.arrive $0xFFFF  }
0x50: {  	[sflag:s3] =	ssyncpa.u1 $0x1  }
0x51: {  	s31 =	simm.s32 $0x1;
	[sflag:s2] =	ssyncpa.u1 $0x1  }
0x52: {  	[sflag:s31] =	ssyncpa.u1 $0x1  }
0x53: {  	p0 =	sne.s32 s1, $0x0;
	_ =	strace $0x9000004A  }
0x54: {  	s0 =	sadd.s32 @!p0 $0x100000, s0;
	[bflag:$0x2] =	sbarrier.arrive $0xFFFF  }
0x55: {  	[sflag:s0] =	ssyncadd.tile.s32 @!p0 $0x1;
	_ =	shalt  }
.Lfunc_end2:
_tile_overlayer_lowered:
.L_overlay_start_2:
0x56: {  	(tag) =	ssettag $0x2  }
0x57: {  	s0 =	rddreg [dreg:$0x0];
	s2 =	stileid.u32  }
0x58: {  	s1 =	rddreg [dreg:$0x1];
	p0 =	sne.s32 s2, $0x0  }
0x59: {  	s3 =	rddreg [dreg:$0x2];
	[bflag:$0x3] =	sbarrier.arrive $0xFFFF;
	s2 =	simm.s32 @!p0 $0x1C01  }
0x5a: {  	[timem:s3], [sflag:s2] =	dma.local @!p0 [hbm:s0], s1  }
0x5b: {  	s0 =	simm.s32 @!p0 $0x1  }
0x5c: {  	_ =	swait.ge @!p0 [sflag:s0], s1  }
0x5d: {  	s1 =	ssub.s32 @!p0 $0x0, s1;
	[sflag:s0] =	ssyncset.done @!p0 $0x0  }
0x5e: {  	[sflag:s0] =	ssyncadd.s32 @!p0 s1  }
0x5f: {  	[bflag:$0x3] =	sbarrier.arrive $0xFFFF  }
0x60: {  	_ =	shalt  }

</sc_bundles>
